<compile_context>
chip_gen: v7x
topology: tpu7x:2x2x1
jax: 0.10.2.dev20260603
libtpu: 0.0.44.dev20260713+nightly
codegen_flags: <defaults>
</compile_context>

<pallas_src>
import functools

import numpy as np
import jax
import jax.numpy as jnp
from jax import lax
from jax.experimental import pallas as pl
from jax.experimental.pallas import tpu as pltpu
from jax.experimental.pallas import tpu_sc as plsc

_DIM = 96
_CB = 8192
_SCALES = (1, 2, 4, 8, 16)
_B, _H, _W = 16, 16, 16
_HW = _H * _W
_RESI = 0.5
_CHUNK = 2048
_HI = lax.Precision.HIGHEST


def _interp_1d(s: int) -> np.ndarray:
    u = np.zeros((_H, s), dtype=np.float32)
    for i in range(_H):
        c = (i + 0.5) * s / _H - 0.5
        f = int(np.floor(c))
        t = c - f
        lo = min(max(f, 0), s - 1)
        hi = min(max(f + 1, 0), s - 1)
        u[i, lo] += 1.0 - t
        u[i, hi] += t
    return u


def _pool_mat(s: int) -> np.ndarray:
    k = _H // s
    p = np.zeros((s * s, _HW), dtype=np.float32)
    for ih in range(s):
        for iw in range(s):
            for dh in range(k):
                for dw in range(k):
                    p[ih * s + iw, (ih * k + dh) * _W + iw * k + dw] = 1.0 / (k * k)
    return p


_POOL = {s: _pool_mat(s) for s in _SCALES if s != _H}
_UPH = {s: np.kron(_interp_1d(s), np.eye(s, dtype=np.float32)).astype(np.float32)
        for s in _SCALES if s != _H}
_UPW = {s: np.kron(np.eye(_H, dtype=np.float32), _interp_1d(s)).astype(np.float32)
        for s in _SCALES if s != _H}


def _fused_body(n, mix, *refs):
    if mix:
        (res_ref, upp_ref, cv_ref, b_ref, p_ref, cb_ref, cbsq_ref,
         uh_ref, uw_ref, idx_ref, up_ref, res_out, loss_ref) = refs
        phi = (1.0 - _RESI) * upp_ref[0] + _RESI * (cv_ref[0] + b_ref[...])
        res = res_ref[0] - phi
        res_out[0] = res
    else:
        (res_ref, p_ref, cb_ref, cbsq_ref, uh_ref, uw_ref,
         idx_ref, up_ref, loss_ref) = refs
        res = res_ref[0]
    b = pl.program_id(0)
    pooled = lax.dot_general(p_ref[...], res, (((1,), (0,)), ((), ())),
                             preferred_element_type=jnp.float32,
                             precision=_HI)
    cols = lax.broadcasted_iota(jnp.int32, (n, _CHUNK), 1)

    def step(c, carry):
        run_min, run_idx = carry
        cb = cb_ref[pl.ds(c * _CHUNK, _CHUNK), :]
        d = cbsq_ref[:, pl.ds(c * _CHUNK, _CHUNK)] - 2.0 * lax.dot_general(
            pooled, cb, (((1,), (1,)), ((), ())),
            preferred_element_type=jnp.float32)
        mn = jnp.min(d, axis=1, keepdims=True)
        lidx = jnp.min(jnp.where(d == mn, cols, _CHUNK), axis=1,
                       keepdims=True) + c * _CHUNK
        better = mn < run_min
        return (jnp.where(better, mn, run_min),
                jnp.where(better, lidx, run_idx))

    run_min = jnp.full((n, 1), jnp.inf, jnp.float32)
    run_idx = jnp.zeros((n, 1), jnp.int32)
    _, run_idx = lax.fori_loop(0, _CB // _CHUNK, step, (run_min, run_idx))
    idx_ref[0, 0, :] = run_idx[:, 0]

    def gstep(c, q):
        cb = cb_ref[pl.ds(c * _CHUNK, _CHUNK), :]
        onehot = jnp.where(cols + c * _CHUNK == run_idx, 1.0, 0.0)
        return q + lax.dot_general(onehot, cb, (((1,), (0,)), ((), ())),
                                   preferred_element_type=jnp.float32,
                                   precision=_HI)

    q = lax.fori_loop(0, _CB // _CHUNK, gstep, jnp.zeros((n, _DIM), jnp.float32))

    diff = q - pooled
    part = jnp.sum(diff * diff).reshape(1, 1)

    @pl.when(b == 0)
    def _():
        loss_ref[...] = jnp.zeros((1, 1), jnp.float32)

    loss_ref[...] += part

    qst = pooled + (q - pooled)
    t1 = lax.dot_general(uh_ref[...], qst, (((1,), (0,)), ((), ())),
                         preferred_element_type=jnp.float32, precision=_HI)
    up_ref[0] = lax.dot_general(uw_ref[...], t1, (((1,), (0,)), ((), ())),
                                preferred_element_type=jnp.float32,
                                precision=_HI)


@functools.lru_cache(maxsize=None)
def _fused_call(s, mix):
    n = s * s
    img_spec = pl.BlockSpec((1, _HW, _DIM), lambda b: (b, 0, 0))
    in_specs = [img_spec]
    if mix:
        in_specs += [img_spec, img_spec,
                     pl.BlockSpec((1, _DIM), lambda b: (0, 0))]
    in_specs += [
        pl.BlockSpec((n, _HW), lambda b: (0, 0)),
        pl.BlockSpec((_CB, _DIM), lambda b: (0, 0)),
        pl.BlockSpec((1, _CB), lambda b: (0, 0)),
        pl.BlockSpec((_H * s, n), lambda b: (0, 0)),
        pl.BlockSpec((_HW, _H * s), lambda b: (0, 0)),
    ]
    out_specs = [
        pl.BlockSpec((1, 1, n), lambda b: (b, 0, 0)),
        img_spec,
    ]
    out_shape = [
        jax.ShapeDtypeStruct((_B, 1, n), jnp.int32),
        jax.ShapeDtypeStruct((_B, _HW, _DIM), jnp.float32),
    ]
    if mix:
        out_specs.append(img_spec)
        out_shape.append(jax.ShapeDtypeStruct((_B, _HW, _DIM), jnp.float32))
    out_specs.append(pl.BlockSpec((1, 1), lambda b: (0, 0)))
    out_shape.append(jax.ShapeDtypeStruct((1, 1), jnp.float32))
    return pl.pallas_call(
        functools.partial(_fused_body, n, mix),
        grid=(_B,),
        in_specs=in_specs,
        out_specs=out_specs,
        out_shape=out_shape,
    )


def _assign_body(n, mix, *refs):
    if mix:
        (res_ref, up_ref, cv_ref, b_ref, p_ref, cb_ref, cbsq_ref,
         idx_ref, flat_ref, res_out) = refs
        phi = (1.0 - _RESI) * up_ref[0] + _RESI * (cv_ref[0] + b_ref[...])
        res = res_ref[0] - phi
        res_out[0] = res
    else:
        res_ref, p_ref, cb_ref, cbsq_ref, idx_ref, flat_ref = refs
        res = res_ref[0]
    if n == _HW:
        pooled = res
    else:
        pooled = lax.dot_general(p_ref[...], res, (((1,), (0,)), ((), ())),
                                 preferred_element_type=jnp.float32,
                                 precision=_HI)
    flat_ref[0] = pooled

    def step(c, carry):
        run_min, run_idx = carry
        cb = cb_ref[pl.ds(c * _CHUNK, _CHUNK), :]
        d = cbsq_ref[:, pl.ds(c * _CHUNK, _CHUNK)] - 2.0 * lax.dot_general(
            pooled, cb, (((1,), (1,)), ((), ())),
            preferred_element_type=jnp.float32)
        mn = jnp.min(d, axis=1, keepdims=True)
        cols = lax.broadcasted_iota(jnp.int32, (n, _CHUNK), 1)
        lidx = jnp.min(jnp.where(d == mn, cols, _CHUNK), axis=1,
                       keepdims=True) + c * _CHUNK
        better = mn < run_min
        return (jnp.where(better, mn, run_min),
                jnp.where(better, lidx, run_idx))

    run_min = jnp.full((n, 1), jnp.inf, jnp.float32)
    run_idx = jnp.zeros((n, 1), jnp.int32)
    _, run_idx = lax.fori_loop(0, _CB // _CHUNK, step, (run_min, run_idx))
    idx_ref[0, 0, :] = run_idx[:, 0]


@functools.lru_cache(maxsize=None)
def _assign_call(s, mix):
    n = s * s
    img_spec = pl.BlockSpec((1, _HW, _DIM), lambda b: (b, 0, 0))
    in_specs = [img_spec]
    if mix:
        in_specs += [img_spec, img_spec,
                     pl.BlockSpec((1, _DIM), lambda b: (0, 0))]
    in_specs += [
        pl.BlockSpec((n, _HW), lambda b: (0, 0)),
        pl.BlockSpec((_CB, _DIM), lambda b: (0, 0)),
        pl.BlockSpec((1, _CB), lambda b: (0, 0)),
    ]
    out_specs = [
        pl.BlockSpec((1, 1, n), lambda b: (b, 0, 0)),
        pl.BlockSpec((1, n, _DIM), lambda b: (b, 0, 0)),
    ]
    out_shape = [
        jax.ShapeDtypeStruct((_B, 1, n), jnp.int32),
        jax.ShapeDtypeStruct((_B, n, _DIM), jnp.float32),
    ]
    if mix:
        out_specs.append(img_spec)
        out_shape.append(jax.ShapeDtypeStruct((_B, _HW, _DIM), jnp.float32))
    return pl.pallas_call(
        functools.partial(_assign_body, n, mix),
        grid=(_B,),
        in_specs=in_specs,
        out_specs=out_specs,
        out_shape=out_shape,
    )


_GDIM = 128


@functools.lru_cache(maxsize=None)
def _gather_call(nrows):
    info = plsc.get_sparse_core_info()
    nw = info.num_cores * info.num_subcores
    per_w = nrows // nw
    mesh = plsc.VectorSubcoreMesh(core_axis_name="c", subcore_axis_name="s")

    @functools.partial(
        pl.kernel,
        mesh=mesh,
        out_type=jax.ShapeDtypeStruct((nrows, _GDIM), jnp.float32),
        scratch_types=[
            pltpu.VMEM((per_w,), jnp.int32),
            pltpu.VMEM((per_w, _GDIM), jnp.float32),
            pltpu.SemaphoreType.DMA,
        ],
    )
    def k(table_hbm, idx_hbm, out_hbm, idx_v, rows_v, sem):
        wid = lax.axis_index("s") * info.num_cores + lax.axis_index("c")
        base = wid * per_w
        pltpu.sync_copy(idx_hbm.at[pl.ds(base, per_w)], idx_v)
        pltpu.async_copy(table_hbm.at[idx_v], rows_v, sem).wait()
        pltpu.sync_copy(rows_v, out_hbm.at[pl.ds(base, per_w)])

    return k


def _gather_rows(codebook_padded, idx_flat):
    nrows = idx_flat.shape[0]
    npad = max(256, nrows)
    if nrows < npad:
        idx_flat = jnp.concatenate(
            [idx_flat, jnp.zeros((npad - nrows,), jnp.int32)])
    return _gather_call(npad)(codebook_padded, idx_flat)[:nrows, :_DIM]


def _up_body(s, *refs):
    if s == _H:
        q_ref, flat_ref, up_ref, loss_ref = refs
    else:
        q_ref, flat_ref, uh_ref, uw_ref, up_ref, loss_ref = refs
    b = pl.program_id(0)
    q = q_ref[0]
    flat = flat_ref[0]
    diff = q - flat
    part = jnp.sum(diff * diff).reshape(1, 1)

    @pl.when(b == 0)
    def _():
        loss_ref[...] = jnp.zeros((1, 1), jnp.float32)

    loss_ref[...] += part

    qst = flat + (q - flat)
    if s == _H:
        up_ref[0] = qst
    else:
        t1 = lax.dot_general(uh_ref[...], qst, (((1,), (0,)), ((), ())),
                             preferred_element_type=jnp.float32,
                             precision=_HI)
        up_ref[0] = lax.dot_general(uw_ref[...], t1, (((1,), (0,)), ((), ())),
                                    preferred_element_type=jnp.float32,
                                    precision=_HI)


@functools.lru_cache(maxsize=None)
def _up_call(s):
    n = s * s
    img_spec = pl.BlockSpec((1, _HW, _DIM), lambda b: (b, 0, 0))
    in_specs = [
        pl.BlockSpec((1, n, _DIM), lambda b: (b, 0, 0)),
        pl.BlockSpec((1, n, _DIM), lambda b: (b, 0, 0)),
    ]
    if s != _H:
        in_specs.append(pl.BlockSpec((_H * s, n), lambda b: (0, 0)))
        in_specs.append(pl.BlockSpec((_HW, _H * s), lambda b: (0, 0)))
    return pl.pallas_call(
        functools.partial(_up_body, s),
        grid=(_B,),
        in_specs=in_specs,
        out_specs=[img_spec, pl.BlockSpec((1, 1), lambda b: (0, 0))],
        out_shape=[jax.ShapeDtypeStruct((_B, _HW, _DIM), jnp.float32),
                   jax.ShapeDtypeStruct((1, 1), jnp.float32)],
    )


def _mix_body(last, *refs):
    if last:
        up_ref, cv_ref, res_ref, b_ref, x_ref, res_out, recon_out = refs
    else:
        up_ref, cv_ref, res_ref, b_ref, res_out = refs
    phi = (1.0 - _RESI) * up_ref[0] + _RESI * (cv_ref[0] + b_ref[...])
    new_res = res_ref[0] - phi
    res_out[0] = new_res
    if last:
        recon_out[0] = x_ref[0] - new_res


@functools.lru_cache(maxsize=None)
def _mix_call(last):
    img_spec = pl.BlockSpec((1, _HW, _DIM), lambda b: (b, 0, 0))
    in_specs = [img_spec, img_spec, img_spec,
                pl.BlockSpec((1, _DIM), lambda b: (0, 0))]
    out_specs = [img_spec]
    out_shape = [jax.ShapeDtypeStruct((_B, _HW, _DIM), jnp.float32)]
    if last:
        in_specs.append(img_spec)
        out_specs.append(img_spec)
        out_shape.append(jax.ShapeDtypeStruct((_B, _HW, _DIM), jnp.float32))
    return pl.pallas_call(
        functools.partial(_mix_body, last),
        grid=(_B,),
        in_specs=in_specs,
        out_specs=out_specs,
        out_shape=out_shape,
    )


def kernel(x, codebook, conv_w, conv_b):
    xt = x.transpose(0, 2, 3, 1).reshape(_B, _HW, _DIM)
    cb_padded = jnp.pad(codebook, ((0, 0), (0, _GDIM - _DIM)))
    cbsq_row = jnp.sum(codebook ** 2, axis=1).reshape(1, _CB)
    bias = conv_b.reshape(1, _DIM)
    w_hwio = conv_w.transpose(2, 3, 1, 0)
    residual = xt
    up = cvt = None
    idx_list = []
    loss = jnp.float32(0.0)
    for si, s in enumerate(_SCALES):
        n = s * s
        pmat = jnp.zeros((n, _HW), jnp.float32) if s == _H \
            else jnp.asarray(_POOL[s])
        if si == 0:
            idx3, flat = _assign_call(s, False)(
                residual, pmat, codebook, cbsq_row)
        else:
            idx3, flat, residual = _assign_call(s, True)(
                residual, up, cvt, bias, pmat, codebook, cbsq_row)
        q = _gather_rows(cb_padded, idx3.reshape(_B * n)).reshape(_B, n, _DIM)
        args = [q, flat]
        if s != _H:
            args.append(jnp.asarray(_UPH[s]))
            args.append(jnp.asarray(_UPW[s]))
        up, lpart = _up_call(s)(*args)
        cv = lax.conv_general_dilated(
            up.reshape(_B, _H, _W, _DIM), w_hwio, window_strides=(1, 1),
            padding='SAME', dimension_numbers=('NHWC', 'HWIO', 'NHWC'))
        cvt = cv.reshape(_B, _HW, _DIM)
        loss = loss + lpart[0, 0] / (_B * n * _DIM)
        idx_list.append(idx3.reshape(_B, s, s))
    residual, recon = _mix_call(True)(up, cvt, residual, bias, xt)
    recon_out = recon.reshape(_B, _H, _W, _DIM).transpose(0, 3, 1, 2)
    return (recon_out, tuple(idx_list), loss / len(_SCALES))

# --- scband reference (transcript-rebuilt; emitter-appended) ---
"""Pipeline reference for scband-hierarchical-vq-1735166787742 (READ-ONLY COPY).

The authoritative reference and input builder live on the scoring server;
editing this copy changes nothing except your own understanding.
"""

import jax, jax.numpy as jnp
import numpy as np

DIM = 96
CODEBOOK_SIZE = 8192
SCALES = (1, 2, 4, 8, 16)
RESI = 0.5
B, H, W = 16, 16, 16


def setup_inputs(seed: int = 0) -> dict:
    key = jax.random.key(seed)
    k1, k2, k3 = jax.random.split(key, 3)
    x = jax.random.normal(k1, (B, DIM, H, W), dtype=jnp.float32)
    codebook = jax.random.normal(k2, (CODEBOOK_SIZE, DIM), dtype=jnp.float32)
    conv_w = jax.random.normal(k3, (DIM, DIM, 3, 3), dtype=jnp.float32) * 0.05
    conv_b = jnp.zeros((DIM,), dtype=jnp.float32)
    return {"x": x, "codebook": codebook, "conv_w": conv_w, "conv_b": conv_b}


def _phi(q, conv_w, conv_b):
    conv = jax.lax.conv_general_dilated(
        q, conv_w, window_strides=(1, 1), padding='SAME',
        dimension_numbers=('NCHW', 'OIHW', 'NCHW')) + conv_b[None, :, None, None]
    return (1.0 - RESI) * q + RESI * conv


def reference(x, codebook, conv_w, conv_b):
    Bb, C, Hh, Ww = x.shape
    cb_sq = jnp.sum(codebook ** 2, axis=1)
    residual = x
    recon = jnp.zeros_like(x)
    all_idx = []
    losses = []
    for s in SCALES:
        kblk = Hh // s
        # adaptive_avg_pool2d to (s, s) -- exact block mean since s divides H
        rd = residual.reshape(Bb, C, s, kblk, s, kblk).mean(axis=(3, 5))
        flat = rd.transpose(0, 2, 3, 1).reshape(-1, C)
        # euclidean distances to codebook
        d = jnp.sum(flat ** 2, axis=1, keepdims=True) - 2.0 * (flat @ codebook.T) + cb_sq[None, :]
        idx = jnp.argmin(d, axis=1)
        q = jnp.take(codebook, idx, axis=0)
        commit = jnp.mean((jax.lax.stop_gradient(q) - flat) ** 2)
        # straight-through estimator
        q_st = flat + jax.lax.stop_gradient(q - flat)
        qimg = q_st.reshape(Bb, s, s, C).transpose(0, 3, 1, 2)
        if (s, s) != (Hh, Ww):
            qimg = jax.image.resize(qimg, (Bb, C, Hh, Ww), method='bilinear')
        qimg = _phi(qimg, conv_w, conv_b)
        recon = recon + qimg
        residual = residual - qimg
        all_idx.append(idx.reshape(Bb, s, s))
        losses.append(commit)
    mean_commit_loss = jnp.mean(jnp.stack(losses))
    return (recon, tuple(all_idx), mean_commit_loss)

if __name__ == "__main__":
    import jax
    _d = setup_inputs()
    print(jax.jit(kernel)(*tuple(_d.values())))

</pallas_src>

<mosaic_0001>
#map = affine_map<(d0, d1) -> (0, 0)>
#map1 = affine_map<(d0, d1) -> (0)>
module attributes {stable_mosaic.version = 14 : i64} {
  func.func @k(%arg0: i32, %arg1: i32, %arg2: memref<8192x128xf32, #tpu.memory_space<hbm>>, %arg3: memref<1024xi32, #tpu.memory_space<hbm>>, %arg4: memref<1024x128xf32, #tpu.memory_space<hbm>>, %arg5: memref<32xi32, #tpu.memory_space<vmem>>, %arg6: memref<32x128xf32, #tpu.memory_space<vmem>>, %arg7: memref<!tpu.dma_semaphore, #tpu.memory_space<semaphore_mem>>) attributes {dimension_semantics = [#tpu.dimension_semantics<core_parallel>, #tpu.dimension_semantics<subcore_parallel>], iteration_bounds = array<i64: 2, 16>, scalar_prefetch = 0 : i64, scratch_operands = 3 : i64, tpu.core_type = #tpu.core_type<sc_vector_subcore>, window_params = [{transform_indices = #map}, {transform_indices = #map1}, {transform_indices = #map}]} {
    %mul3A = arith.constant 2 : i32
    %mul3A_0 = arith.muli %arg1, %mul3A : i32
    %add3A = arith.addi %mul3A_0, %arg0 : i32
    %mul3A_1 = arith.constant 32 : i32
    %mul3A_2 = arith.muli %add3A, %mul3A_1 : i32
    "tpu.region"() ({
      %run_scoped3A = tpu.sem_alloc : memref<!tpu.dma_semaphore, #tpu.memory_space<semaphore_mem>>
      %dma_start3A_7 = tpu.memref_slice %arg3[%mul3A_2] : memref<1024xi32, #tpu.memory_space<hbm>> -> memref<32xi32, #tpu.memory_space<hbm>>
      %dma_start3A_8 = tpu.memref_slice %arg3[%mul3A_2] : memref<1024xi32, #tpu.memory_space<hbm>> -> memref<32xi32, #tpu.memory_space<hbm>>
      tpu.enqueue_dma source(%dma_start3A_8 : memref<32xi32, #tpu.memory_space<hbm>>) target(%arg5 : memref<32xi32, #tpu.memory_space<vmem>>) target_semaphore(%run_scoped3A : memref<!tpu.dma_semaphore, #tpu.memory_space<semaphore_mem>>)
      %dma_wait3A_9 = tpu.memref_slice %arg3[%mul3A_2] : memref<1024xi32, #tpu.memory_space<hbm>> -> memref<32xi32, #tpu.memory_space<hbm>>
      %dma_wait3A_10 = tpu.memref_slice %arg3[%mul3A_2] : memref<1024xi32, #tpu.memory_space<hbm>> -> memref<32xi32, #tpu.memory_space<hbm>>
      tpu.wait_dma2 semaphore(%run_scoped3A : memref<!tpu.dma_semaphore, #tpu.memory_space<semaphore_mem>>) src(%dma_wait3A_10 : memref<32xi32, #tpu.memory_space<hbm>>) dst(%arg5 : memref<32xi32, #tpu.memory_space<vmem>>)
      tpu.yield
    }) : () -> ()
    %dma_start3A = arith.constant 0 : i32
    %dma_start3A_3 = arith.constant 0 : i32
    %dma_start3A_4 = tpu.memref_slice %arg2[%dma_start3A, %dma_start3A_3] : memref<8192x128xf32, #tpu.memory_space<hbm>> -> memref<8192x128xf32, #tpu.memory_space<hbm>>
    tpu.enqueue_indirect_dma source(%dma_start3A_4 : memref<8192x128xf32, #tpu.memory_space<hbm>>) target(%arg6 : memref<32x128xf32, #tpu.memory_space<vmem>>) offsets(%arg5 : memref<32xi32, #tpu.memory_space<vmem>>) semaphore(%arg7 : memref<!tpu.dma_semaphore, #tpu.memory_space<semaphore_mem>>)
    %dma_wait3A = arith.constant 0 : i32
    %dma_wait3A_5 = arith.constant 0 : i32
    %dma_wait3A_6 = tpu.memref_slice %arg2[%dma_wait3A, %dma_wait3A_5] : memref<8192x128xf32, #tpu.memory_space<hbm>> -> memref<8192x128xf32, #tpu.memory_space<hbm>>
    tpu.wait_indirect_dma semaphore(%arg7 : memref<!tpu.dma_semaphore, #tpu.memory_space<semaphore_mem>>) src(%dma_wait3A_6 : memref<8192x128xf32, #tpu.memory_space<hbm>>) dst(%arg6 : memref<32x128xf32, #tpu.memory_space<vmem>>)
    "tpu.region"() ({
      %run_scoped3A = tpu.sem_alloc : memref<!tpu.dma_semaphore, #tpu.memory_space<semaphore_mem>>
      %dma_start3A_7 = arith.constant 0 : i32
      %dma_start3A_8 = tpu.memref_slice %arg4[%mul3A_2, %dma_start3A_7] : memref<1024x128xf32, #tpu.memory_space<hbm>> -> memref<32x128xf32, #tpu.memory_space<hbm>>
      %dma_start3A_9 = arith.constant 0 : i32
      %dma_start3A_10 = tpu.memref_slice %arg4[%mul3A_2, %dma_start3A_9] : memref<1024x128xf32, #tpu.memory_space<hbm>> -> memref<32x128xf32, #tpu.memory_space<hbm>>
      tpu.enqueue_dma source(%arg6 : memref<32x128xf32, #tpu.memory_space<vmem>>) target(%dma_start3A_10 : memref<32x128xf32, #tpu.memory_space<hbm>>) target_semaphore(%run_scoped3A : memref<!tpu.dma_semaphore, #tpu.memory_space<semaphore_mem>>)
      %dma_wait3A_11 = arith.constant 0 : i32
      %dma_wait3A_12 = tpu.memref_slice %arg4[%mul3A_2, %dma_wait3A_11] : memref<1024x128xf32, #tpu.memory_space<hbm>> -> memref<32x128xf32, #tpu.memory_space<hbm>>
      %dma_wait3A_13 = arith.constant 0 : i32
      %dma_wait3A_14 = tpu.memref_slice %arg4[%mul3A_2, %dma_wait3A_13] : memref<1024x128xf32, #tpu.memory_space<hbm>> -> memref<32x128xf32, #tpu.memory_space<hbm>>
      tpu.wait_dma2 semaphore(%run_scoped3A : memref<!tpu.dma_semaphore, #tpu.memory_space<semaphore_mem>>) src(%arg6 : memref<32x128xf32, #tpu.memory_space<vmem>>) dst(%dma_wait3A_14 : memref<32x128xf32, #tpu.memory_space<hbm>>)
      tpu.yield
    }) : () -> ()
    return
  }
}

#map = affine_map<(d0, d1) -> (0, 0)>
#map1 = affine_map<(d0, d1) -> (0)>
module attributes {stable_mosaic.version = 14 : i64} {
  func.func @k(%arg0: i32, %arg1: i32, %arg2: memref<8192x128xf32, #tpu.memory_space<hbm>>, %arg3: memref<256xi32, #tpu.memory_space<hbm>>, %arg4: memref<256x128xf32, #tpu.memory_space<hbm>>, %arg5: memref<8xi32, #tpu.memory_space<vmem>>, %arg6: memref<8x128xf32, #tpu.memory_space<vmem>>, %arg7: memref<!tpu.dma_semaphore, #tpu.memory_space<semaphore_mem>>) attributes {dimension_semantics = [#tpu.dimension_semantics<core_parallel>, #tpu.dimension_semantics<subcore_parallel>], iteration_bounds = array<i64: 2, 16>, scalar_prefetch = 0 : i64, scratch_operands = 3 : i64, tpu.core_type = #tpu.core_type<sc_vector_subcore>, window_params = [{transform_indices = #map}, {transform_indices = #map1}, {transform_indices = #map}]} {
    %mul3A = arith.constant 2 : i32
    %mul3A_0 = arith.muli %arg1, %mul3A : i32
    %add3A = arith.addi %mul3A_0, %arg0 : i32
    %mul3A_1 = arith.constant 8 : i32
    %mul3A_2 = arith.muli %add3A, %mul3A_1 : i32
    "tpu.region"() ({
      %run_scoped3A = tpu.sem_alloc : memref<!tpu.dma_semaphore, #tpu.memory_space<semaphore_mem>>
      %dma_start3A_7 = tpu.memref_slice %arg3[%mul3A_2] : memref<256xi32, #tpu.memory_space<hbm>> -> memref<8xi32, #tpu.memory_space<hbm>>
      %dma_start3A_8 = tpu.memref_slice %arg3[%mul3A_2] : memref<256xi32, #tpu.memory_space<hbm>> -> memref<8xi32, #tpu.memory_space<hbm>>
      tpu.enqueue_dma source(%dma_start3A_8 : memref<8xi32, #tpu.memory_space<hbm>>) target(%arg5 : memref<8xi32, #tpu.memory_space<vmem>>) target_semaphore(%run_scoped3A : memref<!tpu.dma_semaphore, #tpu.memory_space<semaphore_mem>>)
      %dma_wait3A_9 = tpu.memref_slice %arg3[%mul3A_2] : memref<256xi32, #tpu.memory_space<hbm>> -> memref<8xi32, #tpu.memory_space<hbm>>
      %dma_wait3A_10 = tpu.memref_slice %arg3[%mul3A_2] : memref<256xi32, #tpu.memory_space<hbm>> -> memref<8xi32, #tpu.memory_space<hbm>>
      tpu.wait_dma2 semaphore(%run_scoped3A : memref<!tpu.dma_semaphore, #tpu.memory_space<semaphore_mem>>) src(%dma_wait3A_10 : memref<8xi32, #tpu.memory_space<hbm>>) dst(%arg5 : memref<8xi32, #tpu.memory_space<vmem>>)
      tpu.yield
    }) : () -> ()
    %dma_start3A = arith.constant 0 : i32
    %dma_start3A_3 = arith.constant 0 : i32
    %dma_start3A_4 = tpu.memref_slice %arg2[%dma_start3A, %dma_start3A_3] : memref<8192x128xf32, #tpu.memory_space<hbm>> -> memref<8192x128xf32, #tpu.memory_space<hbm>>
    tpu.enqueue_indirect_dma source(%dma_start3A_4 : memref<8192x128xf32, #tpu.memory_space<hbm>>) target(%arg6 : memref<8x128xf32, #tpu.memory_space<vmem>>) offsets(%arg5 : memref<8xi32, #tpu.memory_space<vmem>>) semaphore(%arg7 : memref<!tpu.dma_semaphore, #tpu.memory_space<semaphore_mem>>)
    %dma_wait3A = arith.constant 0 : i32
    %dma_wait3A_5 = arith.constant 0 : i32
    %dma_wait3A_6 = tpu.memref_slice %arg2[%dma_wait3A, %dma_wait3A_5] : memref<8192x128xf32, #tpu.memory_space<hbm>> -> memref<8192x128xf32, #tpu.memory_space<hbm>>
    tpu.wait_indirect_dma semaphore(%arg7 : memref<!tpu.dma_semaphore, #tpu.memory_space<semaphore_mem>>) src(%dma_wait3A_6 : memref<8192x128xf32, #tpu.memory_space<hbm>>) dst(%arg6 : memref<8x128xf32, #tpu.memory_space<vmem>>)
    "tpu.region"() ({
      %run_scoped3A = tpu.sem_alloc : memref<!tpu.dma_semaphore, #tpu.memory_space<semaphore_mem>>
      %dma_start3A_7 = arith.constant 0 : i32
      %dma_start3A_8 = tpu.memref_slice %arg4[%mul3A_2, %dma_start3A_7] : memref<256x128xf32, #tpu.memory_space<hbm>> -> memref<8x128xf32, #tpu.memory_space<hbm>>
      %dma_start3A_9 = arith.constant 0 : i32
      %dma_start3A_10 = tpu.memref_slice %arg4[%mul3A_2, %dma_start3A_9] : memref<256x128xf32, #tpu.memory_space<hbm>> -> memref<8x128xf32, #tpu.memory_space<hbm>>
      tpu.enqueue_dma source(%arg6 : memref<8x128xf32, #tpu.memory_space<vmem>>) target(%dma_start3A_10 : memref<8x128xf32, #tpu.memory_space<hbm>>) target_semaphore(%run_scoped3A : memref<!tpu.dma_semaphore, #tpu.memory_space<semaphore_mem>>)
      %dma_wait3A_11 = arith.constant 0 : i32
      %dma_wait3A_12 = tpu.memref_slice %arg4[%mul3A_2, %dma_wait3A_11] : memref<256x128xf32, #tpu.memory_space<hbm>> -> memref<8x128xf32, #tpu.memory_space<hbm>>
      %dma_wait3A_13 = arith.constant 0 : i32
      %dma_wait3A_14 = tpu.memref_slice %arg4[%mul3A_2, %dma_wait3A_13] : memref<256x128xf32, #tpu.memory_space<hbm>> -> memref<8x128xf32, #tpu.memory_space<hbm>>
      tpu.wait_dma2 semaphore(%run_scoped3A : memref<!tpu.dma_semaphore, #tpu.memory_space<semaphore_mem>>) src(%arg6 : memref<8x128xf32, #tpu.memory_space<vmem>>) dst(%dma_wait3A_14 : memref<8x128xf32, #tpu.memory_space<hbm>>)
      tpu.yield
    }) : () -> ()
    return
  }
}

#map = affine_map<(d0, d1) -> (0, 0)>
#map1 = affine_map<(d0, d1) -> (0)>
module attributes {stable_mosaic.version = 14 : i64} {
  func.func @k(%arg0: i32, %arg1: i32, %arg2: memref<8192x128xf32, #tpu.memory_space<hbm>>, %arg3: memref<256xi32, #tpu.memory_space<hbm>>, %arg4: memref<256x128xf32, #tpu.memory_space<hbm>>, %arg5: memref<8xi32, #tpu.memory_space<vmem>>, %arg6: memref<8x128xf32, #tpu.memory_space<vmem>>, %arg7: memref<!tpu.dma_semaphore, #tpu.memory_space<semaphore_mem>>) attributes {dimension_semantics = [#tpu.dimension_semantics<core_parallel>, #tpu.dimension_semantics<subcore_parallel>], iteration_bounds = array<i64: 2, 16>, scalar_prefetch = 0 : i64, scratch_operands = 3 : i64, tpu.core_type = #tpu.core_type<sc_vector_subcore>, window_params = [{transform_indices = #map}, {transform_indices = #map1}, {transform_indices = #map}]} {
    %mul3A = arith.constant 2 : i32
    %mul3A_0 = arith.muli %arg1, %mul3A : i32
    %add3A = arith.addi %mul3A_0, %arg0 : i32
    %mul3A_1 = arith.constant 8 : i32
    %mul3A_2 = arith.muli %add3A, %mul3A_1 : i32
    "tpu.region"() ({
      %run_scoped3A = tpu.sem_alloc : memref<!tpu.dma_semaphore, #tpu.memory_space<semaphore_mem>>
      %dma_start3A_7 = tpu.memref_slice %arg3[%mul3A_2] : memref<256xi32, #tpu.memory_space<hbm>> -> memref<8xi32, #tpu.memory_space<hbm>>
      %dma_start3A_8 = tpu.memref_slice %arg3[%mul3A_2] : memref<256xi32, #tpu.memory_space<hbm>> -> memref<8xi32, #tpu.memory_space<hbm>>
      tpu.enqueue_dma source(%dma_start3A_8 : memref<8xi32, #tpu.memory_space<hbm>>) target(%arg5 : memref<8xi32, #tpu.memory_space<vmem>>) target_semaphore(%run_scoped3A : memref<!tpu.dma_semaphore, #tpu.memory_space<semaphore_mem>>)
      %dma_wait3A_9 = tpu.memref_slice %arg3[%mul3A_2] : memref<256xi32, #tpu.memory_space<hbm>> -> memref<8xi32, #tpu.memory_space<hbm>>
      %dma_wait3A_10 = tpu.memref_slice %arg3[%mul3A_2] : memref<256xi32, #tpu.memory_space<hbm>> -> memref<8xi32, #tpu.memory_space<hbm>>
      tpu.wait_dma2 semaphore(%run_scoped3A : memref<!tpu.dma_semaphore, #tpu.memory_space<semaphore_mem>>) src(%dma_wait3A_10 : memref<8xi32, #tpu.memory_space<hbm>>) dst(%arg5 : memref<8xi32, #tpu.memory_space<vmem>>)
      tpu.yield
    }) : () -> ()
    %dma_start3A = arith.constant 0 : i32
    %dma_start3A_3 = arith.constant 0 : i32
    %dma_start3A_4 = tpu.memref_slice %arg2[%dma_start3A, %dma_start3A_3] : memref<8192x128xf32, #tpu.memory_space<hbm>> -> memref<8192x128xf32, #tpu.memory_space<hbm>>
    tpu.enqueue_indirect_dma source(%dma_start3A_4 : memref<8192x128xf32, #tpu.memory_space<hbm>>) target(%arg6 : memref<8x128xf32, #tpu.memory_space<vmem>>) offsets(%arg5 : memref<8xi32, #tpu.memory_space<vmem>>) semaphore(%arg7 : memref<!tpu.dma_semaphore, #tpu.memory_space<semaphore_mem>>)
    %dma_wait3A = arith.constant 0 : i32
    %dma_wait3A_5 = arith.constant 0 : i32
    %dma_wait3A_6 = tpu.memref_slice %arg2[%dma_wait3A, %dma_wait3A_5] : memref<8192x128xf32, #tpu.memory_space<hbm>> -> memref<8192x128xf32, #tpu.memory_space<hbm>>
    tpu.wait_indirect_dma semaphore(%arg7 : memref<!tpu.dma_semaphore, #tpu.memory_space<semaphore_mem>>) src(%dma_wait3A_6 : memref<8192x128xf32, #tpu.memory_space<hbm>>) dst(%arg6 : memref<8x128xf32, #tpu.memory_space<vmem>>)
    "tpu.region"() ({
      %run_scoped3A = tpu.sem_alloc : memref<!tpu.dma_semaphore, #tpu.memory_space<semaphore_mem>>
      %dma_start3A_7 = arith.constant 0 : i32
      %dma_start3A_8 = tpu.memref_slice %arg4[%mul3A_2, %dma_start3A_7] : memref<256x128xf32, #tpu.memory_space<hbm>> -> memref<8x128xf32, #tpu.memory_space<hbm>>
      %dma_start3A_9 = arith.constant 0 : i32
      %dma_start3A_10 = tpu.memref_slice %arg4[%mul3A_2, %dma_start3A_9] : memref<256x128xf32, #tpu.memory_space<hbm>> -> memref<8x128xf32, #tpu.memory_space<hbm>>
      tpu.enqueue_dma source(%arg6 : memref<8x128xf32, #tpu.memory_space<vmem>>) target(%dma_start3A_10 : memref<8x128xf32, #tpu.memory_space<hbm>>) target_semaphore(%run_scoped3A : memref<!tpu.dma_semaphore, #tpu.memory_space<semaphore_mem>>)
      %dma_wait3A_11 = arith.constant 0 : i32
      %dma_wait3A_12 = tpu.memref_slice %arg4[%mul3A_2, %dma_wait3A_11] : memref<256x128xf32, #tpu.memory_space<hbm>> -> memref<8x128xf32, #tpu.memory_space<hbm>>
      %dma_wait3A_13 = arith.constant 0 : i32
      %dma_wait3A_14 = tpu.memref_slice %arg4[%mul3A_2, %dma_wait3A_13] : memref<256x128xf32, #tpu.memory_space<hbm>> -> memref<8x128xf32, #tpu.memory_space<hbm>>
      tpu.wait_dma2 semaphore(%run_scoped3A : memref<!tpu.dma_semaphore, #tpu.memory_space<semaphore_mem>>) src(%arg6 : memref<8x128xf32, #tpu.memory_space<vmem>>) dst(%dma_wait3A_14 : memref<8x128xf32, #tpu.memory_space<hbm>>)
      tpu.yield
    }) : () -> ()
    return
  }
}

#map = affine_map<(d0, d1) -> (0, 0)>
#map1 = affine_map<(d0, d1) -> (0)>
module attributes {stable_mosaic.version = 14 : i64} {
  func.func @k(%arg0: i32, %arg1: i32, %arg2: memref<8192x128xf32, #tpu.memory_space<hbm>>, %arg3: memref<256xi32, #tpu.memory_space<hbm>>, %arg4: memref<256x128xf32, #tpu.memory_space<hbm>>, %arg5: memref<8xi32, #tpu.memory_space<vmem>>, %arg6: memref<8x128xf32, #tpu.memory_space<vmem>>, %arg7: memref<!tpu.dma_semaphore, #tpu.memory_space<semaphore_mem>>) attributes {dimension_semantics = [#tpu.dimension_semantics<core_parallel>, #tpu.dimension_semantics<subcore_parallel>], iteration_bounds = array<i64: 2, 16>, scalar_prefetch = 0 : i64, scratch_operands = 3 : i64, tpu.core_type = #tpu.core_type<sc_vector_subcore>, window_params = [{transform_indices = #map}, {transform_indices = #map1}, {transform_indices = #map}]} {
    %mul3A = arith.constant 2 : i32
    %mul3A_0 = arith.muli %arg1, %mul3A : i32
    %add3A = arith.addi %mul3A_0, %arg0 : i32
    %mul3A_1 = arith.constant 8 : i32
    %mul3A_2 = arith.muli %add3A, %mul3A_1 : i32
    "tpu.region"() ({
      %run_scoped3A = tpu.sem_alloc : memref<!tpu.dma_semaphore, #tpu.memory_space<semaphore_mem>>
      %dma_start3A_7 = tpu.memref_slice %arg3[%mul3A_2] : memref<256xi32, #tpu.memory_space<hbm>> -> memref<8xi32, #tpu.memory_space<hbm>>
      %dma_start3A_8 = tpu.memref_slice %arg3[%mul3A_2] : memref<256xi32, #tpu.memory_space<hbm>> -> memref<8xi32, #tpu.memory_space<hbm>>
      tpu.enqueue_dma source(%dma_start3A_8 : memref<8xi32, #tpu.memory_space<hbm>>) target(%arg5 : memref<8xi32, #tpu.memory_space<vmem>>) target_semaphore(%run_scoped3A : memref<!tpu.dma_semaphore, #tpu.memory_space<semaphore_mem>>)
      %dma_wait3A_9 = tpu.memref_slice %arg3[%mul3A_2] : memref<256xi32, #tpu.memory_space<hbm>> -> memref<8xi32, #tpu.memory_space<hbm>>
      %dma_wait3A_10 = tpu.memref_slice %arg3[%mul3A_2] : memref<256xi32, #tpu.memory_space<hbm>> -> memref<8xi32, #tpu.memory_space<hbm>>
      tpu.wait_dma2 semaphore(%run_scoped3A : memref<!tpu.dma_semaphore, #tpu.memory_space<semaphore_mem>>) src(%dma_wait3A_10 : memref<8xi32, #tpu.memory_space<hbm>>) dst(%arg5 : memref<8xi32, #tpu.memory_space<vmem>>)
      tpu.yield
    }) : () -> ()
    %dma_start3A = arith.constant 0 : i32
    %dma_start3A_3 = arith.constant 0 : i32
    %dma_start3A_4 = tpu.memref_slice %arg2[%dma_start3A, %dma_start3A_3] : memref<8192x128xf32, #tpu.memory_space<hbm>> -> memref<8192x128xf32, #tpu.memory_space<hbm>>
    tpu.enqueue_indirect_dma source(%dma_start3A_4 : memref<8192x128xf32, #tpu.memory_space<hbm>>) target(%arg6 : memref<8x128xf32, #tpu.memory_space<vmem>>) offsets(%arg5 : memref<8xi32, #tpu.memory_space<vmem>>) semaphore(%arg7 : memref<!tpu.dma_semaphore, #tpu.memory_space<semaphore_mem>>)
    %dma_wait3A = arith.constant 0 : i32
    %dma_wait3A_5 = arith.constant 0 : i32
    %dma_wait3A_6 = tpu.memref_slice %arg2[%dma_wait3A, %dma_wait3A_5] : memref<8192x128xf32, #tpu.memory_space<hbm>> -> memref<8192x128xf32, #tpu.memory_space<hbm>>
    tpu.wait_indirect_dma semaphore(%arg7 : memref<!tpu.dma_semaphore, #tpu.memory_space<semaphore_mem>>) src(%dma_wait3A_6 : memref<8192x128xf32, #tpu.memory_space<hbm>>) dst(%arg6 : memref<8x128xf32, #tpu.memory_space<vmem>>)
    "tpu.region"() ({
      %run_scoped3A = tpu.sem_alloc : memref<!tpu.dma_semaphore, #tpu.memory_space<semaphore_mem>>
      %dma_start3A_7 = arith.constant 0 : i32
      %dma_start3A_8 = tpu.memref_slice %arg4[%mul3A_2, %dma_start3A_7] : memref<256x128xf32, #tpu.memory_space<hbm>> -> memref<8x128xf32, #tpu.memory_space<hbm>>
      %dma_start3A_9 = arith.constant 0 : i32
      %dma_start3A_10 = tpu.memref_slice %arg4[%mul3A_2, %dma_start3A_9] : memref<256x128xf32, #tpu.memory_space<hbm>> -> memref<8x128xf32, #tpu.memory_space<hbm>>
      tpu.enqueue_dma source(%arg6 : memref<8x128xf32, #tpu.memory_space<vmem>>) target(%dma_start3A_10 : memref<8x128xf32, #tpu.memory_space<hbm>>) target_semaphore(%run_scoped3A : memref<!tpu.dma_semaphore, #tpu.memory_space<semaphore_mem>>)
      %dma_wait3A_11 = arith.constant 0 : i32
      %dma_wait3A_12 = tpu.memref_slice %arg4[%mul3A_2, %dma_wait3A_11] : memref<256x128xf32, #tpu.memory_space<hbm>> -> memref<8x128xf32, #tpu.memory_space<hbm>>
      %dma_wait3A_13 = arith.constant 0 : i32
      %dma_wait3A_14 = tpu.memref_slice %arg4[%mul3A_2, %dma_wait3A_13] : memref<256x128xf32, #tpu.memory_space<hbm>> -> memref<8x128xf32, #tpu.memory_space<hbm>>
      tpu.wait_dma2 semaphore(%run_scoped3A : memref<!tpu.dma_semaphore, #tpu.memory_space<semaphore_mem>>) src(%arg6 : memref<8x128xf32, #tpu.memory_space<vmem>>) dst(%dma_wait3A_14 : memref<8x128xf32, #tpu.memory_space<hbm>>)
      tpu.yield
    }) : () -> ()
    return
  }
}

#map = affine_map<(d0, d1) -> (0, 0)>
#map1 = affine_map<(d0, d1) -> (0)>
module attributes {stable_mosaic.version = 14 : i64} {
  func.func @k(%arg0: i32, %arg1: i32, %arg2: memref<8192x128xf32, #tpu.memory_space<hbm>>, %arg3: memref<4096xi32, #tpu.memory_space<hbm>>, %arg4: memref<4096x128xf32, #tpu.memory_space<hbm>>, %arg5: memref<128xi32, #tpu.memory_space<vmem>>, %arg6: memref<128x128xf32, #tpu.memory_space<vmem>>, %arg7: memref<!tpu.dma_semaphore, #tpu.memory_space<semaphore_mem>>) attributes {dimension_semantics = [#tpu.dimension_semantics<core_parallel>, #tpu.dimension_semantics<subcore_parallel>], iteration_bounds = array<i64: 2, 16>, scalar_prefetch = 0 : i64, scratch_operands = 3 : i64, tpu.core_type = #tpu.core_type<sc_vector_subcore>, window_params = [{transform_indices = #map}, {transform_indices = #map1}, {transform_indices = #map}]} {
    %mul3A = arith.constant 2 : i32
    %mul3A_0 = arith.muli %arg1, %mul3A : i32
    %add3A = arith.addi %mul3A_0, %arg0 : i32
    %mul3A_1 = arith.constant 128 : i32
    %mul3A_2 = arith.muli %add3A, %mul3A_1 : i32
    "tpu.region"() ({
      %run_scoped3A = tpu.sem_alloc : memref<!tpu.dma_semaphore, #tpu.memory_space<semaphore_mem>>
      %dma_start3A_7 = tpu.memref_slice %arg3[%mul3A_2] : memref<4096xi32, #tpu.memory_space<hbm>> -> memref<128xi32, #tpu.memory_space<hbm>>
      %dma_start3A_8 = tpu.memref_slice %arg3[%mul3A_2] : memref<4096xi32, #tpu.memory_space<hbm>> -> memref<128xi32, #tpu.memory_space<hbm>>
      tpu.enqueue_dma source(%dma_start3A_8 : memref<128xi32, #tpu.memory_space<hbm>>) target(%arg5 : memref<128xi32, #tpu.memory_space<vmem>>) target_semaphore(%run_scoped3A : memref<!tpu.dma_semaphore, #tpu.memory_space<semaphore_mem>>)
      %dma_wait3A_9 = tpu.memref_slice %arg3[%mul3A_2] : memref<4096xi32, #tpu.memory_space<hbm>> -> memref<128xi32, #tpu.memory_space<hbm>>
      %dma_wait3A_10 = tpu.memref_slice %arg3[%mul3A_2] : memref<4096xi32, #tpu.memory_space<hbm>> -> memref<128xi32, #tpu.memory_space<hbm>>
      tpu.wait_dma2 semaphore(%run_scoped3A : memref<!tpu.dma_semaphore, #tpu.memory_space<semaphore_mem>>) src(%dma_wait3A_10 : memref<128xi32, #tpu.memory_space<hbm>>) dst(%arg5 : memref<128xi32, #tpu.memory_space<vmem>>)
      tpu.yield
    }) : () -> ()
    %dma_start3A = arith.constant 0 : i32
    %dma_start3A_3 = arith.constant 0 : i32
    %dma_start3A_4 = tpu.memref_slice %arg2[%dma_start3A, %dma_start3A_3] : memref<8192x128xf32, #tpu.memory_space<hbm>> -> memref<8192x128xf32, #tpu.memory_space<hbm>>
    tpu.enqueue_indirect_dma source(%dma_start3A_4 : memref<8192x128xf32, #tpu.memory_space<hbm>>) target(%arg6 : memref<128x128xf32, #tpu.memory_space<vmem>>) offsets(%arg5 : memref<128xi32, #tpu.memory_space<vmem>>) semaphore(%arg7 : memref<!tpu.dma_semaphore, #tpu.memory_space<semaphore_mem>>)
    %dma_wait3A = arith.constant 0 : i32
    %dma_wait3A_5 = arith.constant 0 : i32
    %dma_wait3A_6 = tpu.memref_slice %arg2[%dma_wait3A, %dma_wait3A_5] : memref<8192x128xf32, #tpu.memory_space<hbm>> -> memref<8192x128xf32, #tpu.memory_space<hbm>>
    tpu.wait_indirect_dma semaphore(%arg7 : memref<!tpu.dma_semaphore, #tpu.memory_space<semaphore_mem>>) src(%dma_wait3A_6 : memref<8192x128xf32, #tpu.memory_space<hbm>>) dst(%arg6 : memref<128x128xf32, #tpu.memory_space<vmem>>)
    "tpu.region"() ({
      %run_scoped3A = tpu.sem_alloc : memref<!tpu.dma_semaphore, #tpu.memory_space<semaphore_mem>>
      %dma_start3A_7 = arith.constant 0 : i32
      %dma_start3A_8 = tpu.memref_slice %arg4[%mul3A_2, %dma_start3A_7] : memref<4096x128xf32, #tpu.memory_space<hbm>> -> memref<128x128xf32, #tpu.memory_space<hbm>>
      %dma_start3A_9 = arith.constant 0 : i32
      %dma_start3A_10 = tpu.memref_slice %arg4[%mul3A_2, %dma_start3A_9] : memref<4096x128xf32, #tpu.memory_space<hbm>> -> memref<128x128xf32, #tpu.memory_space<hbm>>
      tpu.enqueue_dma source(%arg6 : memref<128x128xf32, #tpu.memory_space<vmem>>) target(%dma_start3A_10 : memref<128x128xf32, #tpu.memory_space<hbm>>) target_semaphore(%run_scoped3A : memref<!tpu.dma_semaphore, #tpu.memory_space<semaphore_mem>>)
      %dma_wait3A_11 = arith.constant 0 : i32
      %dma_wait3A_12 = tpu.memref_slice %arg4[%mul3A_2, %dma_wait3A_11] : memref<4096x128xf32, #tpu.memory_space<hbm>> -> memref<128x128xf32, #tpu.memory_space<hbm>>
      %dma_wait3A_13 = arith.constant 0 : i32
      %dma_wait3A_14 = tpu.memref_slice %arg4[%mul3A_2, %dma_wait3A_13] : memref<4096x128xf32, #tpu.memory_space<hbm>> -> memref<128x128xf32, #tpu.memory_space<hbm>>
      tpu.wait_dma2 semaphore(%run_scoped3A : memref<!tpu.dma_semaphore, #tpu.memory_space<semaphore_mem>>) src(%arg6 : memref<128x128xf32, #tpu.memory_space<vmem>>) dst(%dma_wait3A_14 : memref<128x128xf32, #tpu.memory_space<hbm>>)
      tpu.yield
    }) : () -> ()
    return
  }
}

module attributes {stable_mosaic.version = 14 : i64} {
  func.func @_assign_body(%arg0: i32, %arg1: memref<1x256x96xf32, #tpu.memory_space<vmem>>, %arg2: memref<1x256xf32, #tpu.memory_space<vmem>>, %arg3: memref<8192x96xf32, #tpu.memory_space<vmem>>, %arg4: memref<1x8192xf32, #tpu.memory_space<vmem>>, %arg5: memref<1x1x1xi32, #tpu.memory_space<vmem>>, %arg6: memref<1x1x96xf32, #tpu.memory_space<vmem>>) attributes {dimension_semantics = [#tpu.dimension_semantics<arbitrary>], iteration_bounds = array<i64: 16>, scalar_prefetch = 0 : i64, scratch_operands = 0 : i64, tpu.core_type = #tpu.core_type<tc>, window_params = [{transform_indices = @transform_0, window_bounds = array<i64: 1, 256, 96>}, {pipeline_mode = #tpu.pipeline_mode<synchronous>, transform_indices = @transform_1, window_bounds = array<i64: 1, 256>}, {pipeline_mode = #tpu.pipeline_mode<synchronous>, transform_indices = @transform_2, window_bounds = array<i64: 8192, 96>}, {pipeline_mode = #tpu.pipeline_mode<synchronous>, transform_indices = @transform_3, window_bounds = array<i64: 1, 8192>}, {transform_indices = @transform_4, window_bounds = array<i64: 1, 1, 1>}, {transform_indices = @transform_5, window_bounds = array<i64: 1, 1, 96>}]} {
    %get3A = arith.constant 0 : index
    %get3A_0 = arith.constant 0 : index
    %get3A_1 = arith.constant 0 : index
    %get3A_2 = vector.load %arg1[%get3A, %get3A_0, %get3A_1] : memref<1x256x96xf32, #tpu.memory_space<vmem>>, vector<1x256x96xf32>
    %get3A_3 = vector.shape_cast %get3A_2 : vector<1x256x96xf32> to vector<256x96xf32>
    %get3A_4 = arith.constant 0 : index
    %get3A_5 = arith.constant 0 : index
    %get3A_6 = vector.load %arg2[%get3A_4, %get3A_5] : memref<1x256xf32, #tpu.memory_space<vmem>>, vector<1x256xf32>
    %dot_general3A = arith.constant dense<0.000000e+00> : vector<1x96xf32>
    %dot_general3A_7 = tpu.matmul %get3A_6, %get3A_3, %dot_general3A {dimension_numbers = #tpu.dot_dimension_numbers<[1], [0], [0], [1], [0, 0, 1, 1], [], []>, precision = #tpu.contract_precision<fp32>, transpose_lhs_hint = false} : vector<1x256xf32>, vector<256x96xf32>, vector<1x96xf32> -> vector<1x96xf32>
    %swap3A = arith.constant 0 : index
    %swap3A_8 = arith.constant 0 : index
    %swap3A_9 = arith.constant 0 : index
    %swap3A_10 = vector.load %arg6[%swap3A, %swap3A_8, %swap3A_9] : memref<1x1x96xf32, #tpu.memory_space<vmem>>, vector<1x1x96xf32>
    %swap3A_11 = vector.shape_cast %swap3A_10 : vector<1x1x96xf32> to vector<1x96xf32>
    %swap3A_12 = vector.shape_cast %dot_general3A_7 : vector<1x96xf32> to vector<1x1x96xf32>
    tpu.vector_store %arg6[%swap3A, %swap3A_8, %swap3A_9], %swap3A_12 {strides = array<i32>} : memref<1x1x96xf32, #tpu.memory_space<vmem>>, vector<1x1x96xf32>,
    %broadcast_in_dim3A = arith.constant 0x7F800000 : f32
    %broadcast_in_dim3A_13 = vector.broadcast %broadcast_in_dim3A : f32 to vector<1x1xf32>
    %broadcast_in_dim3A_14 = arith.constant 0 : i32
    %broadcast_in_dim3A_15 = vector.broadcast %broadcast_in_dim3A_14 : i32 to vector<1x1xi32>
    %scan3A = arith.constant 0 : i32
    %scan3A_16 = arith.constant 4 : i32
    %scan3A_17 = arith.addi %scan3A, %scan3A_16 : i32
    %scan3A_18 = arith.constant 1 : i32
    %scan3A_19:2 = scf.for %scan3A_27 = %scan3A to %scan3A_17 step %scan3A_18 iter_args(%scan3A_28 = %broadcast_in_dim3A_13, %scan3A_29 = %broadcast_in_dim3A_15) -> (vector<1x1xf32>, vector<1x1xi32>)  : i32 {
      %mul3A = arith.constant 2048 : i32
      %mul3A_30 = arith.muli %scan3A_27, %mul3A : i32
      %get3A_31 = arith.index_cast %mul3A_30 : i32 to index
      %get3A_32 = arith.constant 0 : index
      %get3A_33 = vector.load %arg3[%get3A_31, %get3A_32] : memref<8192x96xf32, #tpu.memory_space<vmem>>, vector<2048x96xf32>
      %mul3A_34 = arith.constant 2048 : i32
      %mul3A_35 = arith.muli %scan3A_27, %mul3A_34 : i32
      %get3A_36 = arith.constant 0 : index
      %get3A_37 = arith.index_cast %mul3A_35 : i32 to index
      %get3A_38 = vector.load %arg4[%get3A_36, %get3A_37] : memref<1x8192xf32, #tpu.memory_space<vmem>>, vector<1x2048xf32>
      %dot_general3A_39 = arith.constant dense<0.000000e+00> : vector<1x2048xf32>
      %dot_general3A_40 = tpu.matmul %dot_general3A_7, %get3A_33, %dot_general3A_39 {dimension_numbers = #tpu.dot_dimension_numbers<[1], [1], [0], [0], [0, 0, 1, 0], [], []>, transpose_lhs_hint = false} : vector<1x96xf32>, vector<2048x96xf32>, vector<1x2048xf32> -> vector<1x2048xf32>
      %mul3A_41 = arith.constant 2.000000e+00 : f32
      %mul3A_42 = vector.broadcast %mul3A_41 : f32 to vector<1x2048xf32>
      %mul3A_43 = arith.mulf %mul3A_42, %dot_general3A_40 : vector<1x2048xf32>
      %sub3A = arith.subf %get3A_38, %mul3A_43 : vector<1x2048xf32>
      %reduce_min3A = arith.constant dense<0x7F800000> : vector<1xf32>
      %reduce_min3A_44 = vector.multi_reduction <minimumf>, %sub3A, %reduce_min3A [1] : vector<1x2048xf32> to vector<1xf32>
      %broadcast_in_dim3A_45 = vector.shape_cast %reduce_min3A_44 : vector<1xf32> to vector<1x1xf32>
      %iota3A = tpu.iota {dimensions = array<i32: 1>} : vector<1x2048xi32>
      %eq3A = vector.broadcast %broadcast_in_dim3A_45 : vector<1x1xf32> to vector<1x2048xf32>
      %eq3A_46 = arith.cmpf oeq, %sub3A, %eq3A : vector<1x2048xf32>
      %jit3A = arith.constant 2048 : i32
      %broadcast_in_dim3A_47 = vector.broadcast %jit3A : i32 to vector<1x2048xi32>
      %select_n3A = arith.select %eq3A_46, %iota3A, %broadcast_in_dim3A_47 : vector<1x2048xi1>, vector<1x2048xi32>
      %reduce_min3A_48 = arith.constant dense<2147483647> : vector<1xi32>
      %reduce_min3A_49 = vector.multi_reduction <minsi>, %select_n3A, %reduce_min3A_48 [1] : vector<1x2048xi32> to vector<1xi32>
      %broadcast_in_dim3A_50 = vector.shape_cast %reduce_min3A_49 : vector<1xi32> to vector<1x1xi32>
      %mul3A_51 = arith.constant 2048 : i32
      %mul3A_52 = arith.muli %scan3A_27, %mul3A_51 : i32
      %add3A = vector.broadcast %mul3A_52 : i32 to vector<1x1xi32>
      %add3A_53 = arith.addi %broadcast_in_dim3A_50, %add3A : vector<1x1xi32>
      %lt3A = arith.cmpf olt, %broadcast_in_dim3A_45, %scan3A_28 : vector<1x1xf32>
      %select_n3A_54 = arith.select %lt3A, %broadcast_in_dim3A_45, %scan3A_28 : vector<1x1xi1>, vector<1x1xf32>
      %select_n3A_55 = arith.select %lt3A, %add3A_53, %scan3A_29 : vector<1x1xi1>, vector<1x1xi32>
      scf.yield %select_n3A_54, %select_n3A_55 : vector<1x1xf32>, vector<1x1xi32>
    }
    %scan3A_20 = arith.constant 4 : i32
    %squeeze3A = vector.shape_cast %scan3A_19#1 : vector<1x1xi32> to vector<1xi32>
    %swap3A_21 = arith.constant 0 : index
    %swap3A_22 = arith.constant 0 : index
    %swap3A_23 = arith.constant 0 : index
    %swap3A_24 = vector.load %arg5[%swap3A_21, %swap3A_22, %swap3A_23] : memref<1x1x1xi32, #tpu.memory_space<vmem>>, vector<1x1x1xi32>
    %swap3A_25 = vector.shape_cast %swap3A_24 : vector<1x1x1xi32> to vector<1xi32>
    %swap3A_26 = vector.shape_cast %squeeze3A : vector<1xi32> to vector<1x1x1xi32>
    tpu.vector_store %arg5[%swap3A_21, %swap3A_22, %swap3A_23], %swap3A_26 {strides = array<i32>} : memref<1x1x1xi32, #tpu.memory_space<vmem>>, vector<1x1x1xi32>,
    return
  }
  func.func @transform_0(%arg0: i32) -> (i32, i32, i32) {
    %c0_i32 = arith.constant 0 : i32
    %c0_i32_0 = arith.constant 0 : i32
    %c0_i32_1 = arith.constant 0 : i32
    return %arg0, %c0_i32, %c0_i32_0 : i32, i32, i32
  }
  func.func @transform_1(%arg0: i32) -> (i32, i32) {
    %c0_i32 = arith.constant 0 : i32
    %c0_i32_0 = arith.constant 0 : i32
    %c0_i32_1 = arith.constant 0 : i32
    return %c0_i32, %c0_i32_0 : i32, i32
  }
  func.func @transform_2(%arg0: i32) -> (i32, i32) {
    %c0_i32 = arith.constant 0 : i32
    %c0_i32_0 = arith.constant 0 : i32
    %c0_i32_1 = arith.constant 0 : i32
    return %c0_i32, %c0_i32_0 : i32, i32
  }
  func.func @transform_3(%arg0: i32) -> (i32, i32) {
    %c0_i32 = arith.constant 0 : i32
    %c0_i32_0 = arith.constant 0 : i32
    %c0_i32_1 = arith.constant 0 : i32
    return %c0_i32, %c0_i32_0 : i32, i32
  }
  func.func @transform_4(%arg0: i32) -> (i32, i32, i32) {
    %c0_i32 = arith.constant 0 : i32
    %c0_i32_0 = arith.constant 0 : i32
    %c0_i32_1 = arith.constant 0 : i32
    return %arg0, %c0_i32, %c0_i32_0 : i32, i32, i32
  }
  func.func @transform_5(%arg0: i32) -> (i32, i32, i32) {
    %c0_i32 = arith.constant 0 : i32
    %c0_i32_0 = arith.constant 0 : i32
    %c0_i32_1 = arith.constant 0 : i32
    return %arg0, %c0_i32, %c0_i32_0 : i32, i32, i32
  }
}

module attributes {stable_mosaic.version = 14 : i64} {
  func.func @_up_body(%arg0: i32, %arg1: memref<1x1x96xf32, #tpu.memory_space<vmem>>, %arg2: memref<1x1x96xf32, #tpu.memory_space<vmem>>, %arg3: memref<16x1xf32, #tpu.memory_space<vmem>>, %arg4: memref<256x16xf32, #tpu.memory_space<vmem>>, %arg5: memref<1x256x96xf32, #tpu.memory_space<vmem>>, %arg6: memref<1x1xf32, #tpu.memory_space<vmem>>) attributes {dimension_semantics = [#tpu.dimension_semantics<arbitrary>], iteration_bounds = array<i64: 16>, scalar_prefetch = 0 : i64, scratch_operands = 0 : i64, tpu.core_type = #tpu.core_type<tc>, window_params = [{transform_indices = @transform_0, window_bounds = array<i64: 1, 1, 96>}, {transform_indices = @transform_1, window_bounds = array<i64: 1, 1, 96>}, {pipeline_mode = #tpu.pipeline_mode<synchronous>, transform_indices = @transform_2, window_bounds = array<i64: 16, 1>}, {pipeline_mode = #tpu.pipeline_mode<synchronous>, transform_indices = @transform_3, window_bounds = array<i64: 256, 16>}, {transform_indices = @transform_4, window_bounds = array<i64: 1, 256, 96>}, {pipeline_mode = #tpu.pipeline_mode<synchronous>, transform_indices = @transform_5, window_bounds = array<i64: 1, 1>}]} {
    %get3A = arith.constant 0 : index
    %get3A_0 = arith.constant 0 : index
    %get3A_1 = arith.constant 0 : index
    %get3A_2 = vector.load %arg1[%get3A, %get3A_0, %get3A_1] : memref<1x1x96xf32, #tpu.memory_space<vmem>>, vector<1x1x96xf32>
    %get3A_3 = vector.shape_cast %get3A_2 : vector<1x1x96xf32> to vector<1x96xf32>
    %get3A_4 = arith.constant 0 : index
    %get3A_5 = arith.constant 0 : index
    %get3A_6 = arith.constant 0 : index
    %get3A_7 = vector.load %arg2[%get3A_4, %get3A_5, %get3A_6] : memref<1x1x96xf32, #tpu.memory_space<vmem>>, vector<1x1x96xf32>
    %get3A_8 = vector.shape_cast %get3A_7 : vector<1x1x96xf32> to vector<1x96xf32>
    %sub3A = arith.subf %get3A_3, %get3A_8 : vector<1x96xf32>
    %mul3A = arith.mulf %sub3A, %sub3A : vector<1x96xf32>
    %reduce_sum3A = vector.shape_cast %mul3A : vector<1x96xf32> to vector<1x1x96xf32>
    %reduce_sum3A_9 = arith.constant dense<0.000000e+00> : vector<1xf32>
    %reduce_sum3A_10 = vector.multi_reduction <add>, %reduce_sum3A, %reduce_sum3A_9 [1, 2] : vector<1x1x96xf32> to vector<1xf32>
    %reduce_sum3A_11 = vector.shape_cast %reduce_sum3A_10 : vector<1xf32> to vector<1x1x1xf32>
    %reduce_sum3A_12 = vector.extract %reduce_sum3A_11[0, 0, 0] : f32 from vector<1x1x1xf32>
    %reshape3A = vector.broadcast %reduce_sum3A_12 : f32 to vector<1x1xf32>
    %eq3A = arith.constant 0 : i32
    %eq3A_13 = arith.cmpi eq, %arg0, %eq3A : i32
    %convert_element_type3A = arith.extui %eq3A_13 : i1 to i32
    %cond3A = arith.constant 0 : i32
    %cond3A_14 = arith.cmpi ne, %convert_element_type3A, %cond3A : i32
    scf.if %cond3A_14 {
      %broadcast_in_dim3A = arith.constant 0.000000e+00 : f32
      %broadcast_in_dim3A_37 = vector.broadcast %broadcast_in_dim3A : f32 to vector<1x1xf32>
      %swap3A_38 = arith.constant 0 : index
      %swap3A_39 = arith.constant 0 : index
      %swap3A_40 = vector.load %arg6[%swap3A_38, %swap3A_39] : memref<1x1xf32, #tpu.memory_space<vmem>>, vector<1x1xf32>
      tpu.vector_store %arg6[%swap3A_38, %swap3A_39], %broadcast_in_dim3A_37 {strides = array<i32>} : memref<1x1xf32, #tpu.memory_space<vmem>>, vector<1x1xf32>,
    } else {
    }
    %get3A_15 = arith.constant 0 : index
    %get3A_16 = arith.constant 0 : index
    %get3A_17 = vector.load %arg6[%get3A_15, %get3A_16] : memref<1x1xf32, #tpu.memory_space<vmem>>, vector<1x1xf32>
    %add3A = arith.addf %get3A_17, %reshape3A : vector<1x1xf32>
    %swap3A = arith.constant 0 : index
    %swap3A_18 = arith.constant 0 : index
    %swap3A_19 = vector.load %arg6[%swap3A, %swap3A_18] : memref<1x1xf32, #tpu.memory_space<vmem>>, vector<1x1xf32>
    tpu.vector_store %arg6[%swap3A, %swap3A_18], %add3A {strides = array<i32>} : memref<1x1xf32, #tpu.memory_space<vmem>>, vector<1x1xf32>,
    %sub3A_20 = arith.subf %get3A_3, %get3A_8 : vector<1x96xf32>
    %add3A_21 = arith.addf %get3A_8, %sub3A_20 : vector<1x96xf32>
    %get3A_22 = arith.constant 0 : index
    %get3A_23 = arith.constant 0 : index
    %get3A_24 = vector.load %arg3[%get3A_22, %get3A_23] : memref<16x1xf32, #tpu.memory_space<vmem>>, vector<16x1xf32>
    %dot_general3A = arith.constant dense<0.000000e+00> : vector<16x96xf32>
    %dot_general3A_25 = tpu.matmul %get3A_24, %add3A_21, %dot_general3A {dimension_numbers = #tpu.dot_dimension_numbers<[1], [0], [0], [1], [0, 0, 1, 1], [], []>, precision = #tpu.contract_precision<fp32>, transpose_lhs_hint = false} : vector<16x1xf32>, vector<1x96xf32>, vector<16x96xf32> -> vector<16x96xf32>
    %get3A_26 = arith.constant 0 : index
    %get3A_27 = arith.constant 0 : index
    %get3A_28 = vector.load %arg4[%get3A_26, %get3A_27] : memref<256x16xf32, #tpu.memory_space<vmem>>, vector<256x16xf32>
    %dot_general3A_29 = arith.constant dense<0.000000e+00> : vector<256x96xf32>
    %dot_general3A_30 = tpu.matmul %get3A_28, %dot_general3A_25, %dot_general3A_29 {dimension_numbers = #tpu.dot_dimension_numbers<[1], [0], [0], [1], [0, 0, 1, 1], [], []>, precision = #tpu.contract_precision<fp32>, transpose_lhs_hint = false} : vector<256x16xf32>, vector<16x96xf32>, vector<256x96xf32> -> vector<256x96xf32>
    %swap3A_31 = arith.constant 0 : index
    %swap3A_32 = arith.constant 0 : index
    %swap3A_33 = arith.constant 0 : index
    %swap3A_34 = vector.load %arg5[%swap3A_31, %swap3A_32, %swap3A_33] : memref<1x256x96xf32, #tpu.memory_space<vmem>>, vector<1x256x96xf32>
    %swap3A_35 = vector.shape_cast %swap3A_34 : vector<1x256x96xf32> to vector<256x96xf32>
    %swap3A_36 = vector.shape_cast %dot_general3A_30 : vector<256x96xf32> to vector<1x256x96xf32>
    tpu.vector_store %arg5[%swap3A_31, %swap3A_32, %swap3A_33], %swap3A_36 {strides = array<i32>} : memref<1x256x96xf32, #tpu.memory_space<vmem>>, vector<1x256x96xf32>,
    return
  }
  func.func @transform_0(%arg0: i32) -> (i32, i32, i32) {
    %c0_i32 = arith.constant 0 : i32
    %c0_i32_0 = arith.constant 0 : i32
    %c0_i32_1 = arith.constant 0 : i32
    return %arg0, %c0_i32, %c0_i32_0 : i32, i32, i32
  }
  func.func @transform_1(%arg0: i32) -> (i32, i32, i32) {
    %c0_i32 = arith.constant 0 : i32
    %c0_i32_0 = arith.constant 0 : i32
    %c0_i32_1 = arith.constant 0 : i32
    return %arg0, %c0_i32, %c0_i32_0 : i32, i32, i32
  }
  func.func @transform_2(%arg0: i32) -> (i32, i32) {
    %c0_i32 = arith.constant 0 : i32
    %c0_i32_0 = arith.constant 0 : i32
    %c0_i32_1 = arith.constant 0 : i32
    return %c0_i32, %c0_i32_0 : i32, i32
  }
  func.func @transform_3(%arg0: i32) -> (i32, i32) {
    %c0_i32 = arith.constant 0 : i32
    %c0_i32_0 = arith.constant 0 : i32
    %c0_i32_1 = arith.constant 0 : i32
    return %c0_i32, %c0_i32_0 : i32, i32
  }
  func.func @transform_4(%arg0: i32) -> (i32, i32, i32) {
    %c0_i32 = arith.constant 0 : i32
    %c0_i32_0 = arith.constant 0 : i32
    %c0_i32_1 = arith.constant 0 : i32
    return %arg0, %c0_i32, %c0_i32_0 : i32, i32, i32
  }
  func.func @transform_5(%arg0: i32) -> (i32, i32) {
    %c0_i32 = arith.constant 0 : i32
    %c0_i32_0 = arith.constant 0 : i32
    %c0_i32_1 = arith.constant 0 : i32
    return %c0_i32, %c0_i32_0 : i32, i32
  }
}

module attributes {stable_mosaic.version = 14 : i64} {
  func.func @_assign_body(%arg0: i32, %arg1: memref<1x256x96xf32, #tpu.memory_space<vmem>>, %arg2: memref<1x256x96xf32, #tpu.memory_space<vmem>>, %arg3: memref<1x256x96xf32, #tpu.memory_space<vmem>>, %arg4: memref<1x96xf32, #tpu.memory_space<vmem>>, %arg5: memref<4x256xf32, #tpu.memory_space<vmem>>, %arg6: memref<8192x96xf32, #tpu.memory_space<vmem>>, %arg7: memref<1x8192xf32, #tpu.memory_space<vmem>>, %arg8: memref<1x1x4xi32, #tpu.memory_space<vmem>>, %arg9: memref<1x4x96xf32, #tpu.memory_space<vmem>>, %arg10: memref<1x256x96xf32, #tpu.memory_space<vmem>>) attributes {dimension_semantics = [#tpu.dimension_semantics<arbitrary>], iteration_bounds = array<i64: 16>, scalar_prefetch = 0 : i64, scratch_operands = 0 : i64, tpu.core_type = #tpu.core_type<tc>, window_params = [{transform_indices = @transform_0, window_bounds = array<i64: 1, 256, 96>}, {transform_indices = @transform_1, window_bounds = array<i64: 1, 256, 96>}, {transform_indices = @transform_2, window_bounds = array<i64: 1, 256, 96>}, {pipeline_mode = #tpu.pipeline_mode<synchronous>, transform_indices = @transform_3, window_bounds = array<i64: 1, 96>}, {pipeline_mode = #tpu.pipeline_mode<synchronous>, transform_indices = @transform_4, window_bounds = array<i64: 4, 256>}, {pipeline_mode = #tpu.pipeline_mode<synchronous>, transform_indices = @transform_5, window_bounds = array<i64: 8192, 96>}, {pipeline_mode = #tpu.pipeline_mode<synchronous>, transform_indices = @transform_6, window_bounds = array<i64: 1, 8192>}, {transform_indices = @transform_7, window_bounds = array<i64: 1, 1, 4>}, {transform_indices = @transform_8, window_bounds = array<i64: 1, 4, 96>}, {transform_indices = @transform_9, window_bounds = array<i64: 1, 256, 96>}]} {
    %get3A = arith.constant 0 : index
    %get3A_0 = arith.constant 0 : index
    %get3A_1 = arith.constant 0 : index
    %get3A_2 = vector.load %arg2[%get3A, %get3A_0, %get3A_1] : memref<1x256x96xf32, #tpu.memory_space<vmem>>, vector<1x256x96xf32>
    %get3A_3 = vector.shape_cast %get3A_2 : vector<1x256x96xf32> to vector<256x96xf32>
    %mul3A = arith.constant 5.000000e-01 : f32
    %mul3A_4 = vector.broadcast %mul3A : f32 to vector<256x96xf32>
    %mul3A_5 = arith.mulf %mul3A_4, %get3A_3 : vector<256x96xf32>
    %get3A_6 = arith.constant 0 : index
    %get3A_7 = arith.constant 0 : index
    %get3A_8 = arith.constant 0 : index
    %get3A_9 = vector.load %arg3[%get3A_6, %get3A_7, %get3A_8] : memref<1x256x96xf32, #tpu.memory_space<vmem>>, vector<1x256x96xf32>
    %get3A_10 = vector.shape_cast %get3A_9 : vector<1x256x96xf32> to vector<256x96xf32>
    %get3A_11 = arith.constant 0 : index
    %get3A_12 = arith.constant 0 : index
    %get3A_13 = vector.load %arg4[%get3A_11, %get3A_12] : memref<1x96xf32, #tpu.memory_space<vmem>>, vector<1x96xf32>
    %add3A = vector.broadcast %get3A_13 : vector<1x96xf32> to vector<256x96xf32>
    %add3A_14 = arith.addf %get3A_10, %add3A : vector<256x96xf32>
    %mul3A_15 = arith.constant 5.000000e-01 : f32
    %mul3A_16 = vector.broadcast %mul3A_15 : f32 to vector<256x96xf32>
    %mul3A_17 = arith.mulf %mul3A_16, %add3A_14 : vector<256x96xf32>
    %add3A_18 = arith.addf %mul3A_5, %mul3A_17 : vector<256x96xf32>
    %get3A_19 = arith.constant 0 : index
    %get3A_20 = arith.constant 0 : index
    %get3A_21 = arith.constant 0 : index
    %get3A_22 = vector.load %arg1[%get3A_19, %get3A_20, %get3A_21] : memref<1x256x96xf32, #tpu.memory_space<vmem>>, vector<1x256x96xf32>
    %get3A_23 = vector.shape_cast %get3A_22 : vector<1x256x96xf32> to vector<256x96xf32>
    %sub3A = arith.subf %get3A_23, %add3A_18 : vector<256x96xf32>
    %swap3A = arith.constant 0 : index
    %swap3A_24 = arith.constant 0 : index
    %swap3A_25 = arith.constant 0 : index
    %swap3A_26 = vector.load %arg10[%swap3A, %swap3A_24, %swap3A_25] : memref<1x256x96xf32, #tpu.memory_space<vmem>>, vector<1x256x96xf32>
    %swap3A_27 = vector.shape_cast %swap3A_26 : vector<1x256x96xf32> to vector<256x96xf32>
    %swap3A_28 = vector.shape_cast %sub3A : vector<256x96xf32> to vector<1x256x96xf32>
    tpu.vector_store %arg10[%swap3A, %swap3A_24, %swap3A_25], %swap3A_28 {strides = array<i32>} : memref<1x256x96xf32, #tpu.memory_space<vmem>>, vector<1x256x96xf32>,
    %get3A_29 = arith.constant 0 : index
    %get3A_30 = arith.constant 0 : index
    %get3A_31 = vector.load %arg5[%get3A_29, %get3A_30] : memref<4x256xf32, #tpu.memory_space<vmem>>, vector<4x256xf32>
    %dot_general3A = arith.constant dense<0.000000e+00> : vector<4x96xf32>
    %dot_general3A_32 = tpu.matmul %get3A_31, %sub3A, %dot_general3A {dimension_numbers = #tpu.dot_dimension_numbers<[1], [0], [0], [1], [0, 0, 1, 1], [], []>, precision = #tpu.contract_precision<fp32>, transpose_lhs_hint = false} : vector<4x256xf32>, vector<256x96xf32>, vector<4x96xf32> -> vector<4x96xf32>
    %swap3A_33 = arith.constant 0 : index
    %swap3A_34 = arith.constant 0 : index
    %swap3A_35 = arith.constant 0 : index
    %swap3A_36 = vector.load %arg9[%swap3A_33, %swap3A_34, %swap3A_35] : memref<1x4x96xf32, #tpu.memory_space<vmem>>, vector<1x4x96xf32>
    %swap3A_37 = vector.shape_cast %swap3A_36 : vector<1x4x96xf32> to vector<4x96xf32>
    %swap3A_38 = vector.shape_cast %dot_general3A_32 : vector<4x96xf32> to vector<1x4x96xf32>
    tpu.vector_store %arg9[%swap3A_33, %swap3A_34, %swap3A_35], %swap3A_38 {strides = array<i32>} : memref<1x4x96xf32, #tpu.memory_space<vmem>>, vector<1x4x96xf32>,
    %broadcast_in_dim3A = arith.constant 0x7F800000 : f32
    %broadcast_in_dim3A_39 = vector.broadcast %broadcast_in_dim3A : f32 to vector<4x1xf32>
    %broadcast_in_dim3A_40 = arith.constant 0 : i32
    %broadcast_in_dim3A_41 = vector.broadcast %broadcast_in_dim3A_40 : i32 to vector<4x1xi32>
    %scan3A = arith.constant 0 : i32
    %scan3A_42 = arith.constant 4 : i32
    %scan3A_43 = arith.addi %scan3A, %scan3A_42 : i32
    %scan3A_44 = arith.constant 1 : i32
    %scan3A_45:2 = scf.for %scan3A_53 = %scan3A to %scan3A_43 step %scan3A_44 iter_args(%scan3A_54 = %broadcast_in_dim3A_39, %scan3A_55 = %broadcast_in_dim3A_41) -> (vector<4x1xf32>, vector<4x1xi32>)  : i32 {
      %mul3A_56 = arith.constant 2048 : i32
      %mul3A_57 = arith.muli %scan3A_53, %mul3A_56 : i32
      %get3A_58 = arith.index_cast %mul3A_57 : i32 to index
      %get3A_59 = arith.constant 0 : index
      %get3A_60 = vector.load %arg6[%get3A_58, %get3A_59] : memref<8192x96xf32, #tpu.memory_space<vmem>>, vector<2048x96xf32>
      %mul3A_61 = arith.constant 2048 : i32
      %mul3A_62 = arith.muli %scan3A_53, %mul3A_61 : i32
      %get3A_63 = arith.constant 0 : index
      %get3A_64 = arith.index_cast %mul3A_62 : i32 to index
      %get3A_65 = vector.load %arg7[%get3A_63, %get3A_64] : memref<1x8192xf32, #tpu.memory_space<vmem>>, vector<1x2048xf32>
      %dot_general3A_66 = arith.constant dense<0.000000e+00> : vector<4x2048xf32>
      %dot_general3A_67 = tpu.matmul %dot_general3A_32, %get3A_60, %dot_general3A_66 {dimension_numbers = #tpu.dot_dimension_numbers<[1], [1], [0], [0], [0, 0, 1, 0], [], []>, transpose_lhs_hint = false} : vector<4x96xf32>, vector<2048x96xf32>, vector<4x2048xf32> -> vector<4x2048xf32>
      %mul3A_68 = arith.constant 2.000000e+00 : f32
      %mul3A_69 = vector.broadcast %mul3A_68 : f32 to vector<4x2048xf32>
      %mul3A_70 = arith.mulf %mul3A_69, %dot_general3A_67 : vector<4x2048xf32>
      %sub3A_71 = vector.broadcast %get3A_65 : vector<1x2048xf32> to vector<4x2048xf32>
      %sub3A_72 = arith.subf %sub3A_71, %mul3A_70 : vector<4x2048xf32>
      %reduce_min3A = arith.constant dense<0x7F800000> : vector<4xf32>
      %reduce_min3A_73 = vector.multi_reduction <minimumf>, %sub3A_72, %reduce_min3A [1] : vector<4x2048xf32> to vector<4xf32>
      %broadcast_in_dim3A_74 = vector.shape_cast %reduce_min3A_73 : vector<4xf32> to vector<4x1xf32>
      %iota3A = tpu.iota {dimensions = array<i32: 1>} : vector<4x2048xi32>
      %eq3A = vector.broadcast %broadcast_in_dim3A_74 : vector<4x1xf32> to vector<4x2048xf32>
      %eq3A_75 = arith.cmpf oeq, %sub3A_72, %eq3A : vector<4x2048xf32>
      %jit3A = arith.constant 2048 : i32
      %broadcast_in_dim3A_76 = vector.broadcast %jit3A : i32 to vector<4x2048xi32>
      %select_n3A = arith.select %eq3A_75, %iota3A, %broadcast_in_dim3A_76 : vector<4x2048xi1>, vector<4x2048xi32>
      %reduce_min3A_77 = arith.constant dense<2147483647> : vector<4xi32>
      %reduce_min3A_78 = vector.multi_reduction <minsi>, %select_n3A, %reduce_min3A_77 [1] : vector<4x2048xi32> to vector<4xi32>
      %broadcast_in_dim3A_79 = vector.shape_cast %reduce_min3A_78 : vector<4xi32> to vector<4x1xi32>
      %mul3A_80 = arith.constant 2048 : i32
      %mul3A_81 = arith.muli %scan3A_53, %mul3A_80 : i32
      %add3A_82 = vector.broadcast %mul3A_81 : i32 to vector<4x1xi32>
      %add3A_83 = arith.addi %broadcast_in_dim3A_79, %add3A_82 : vector<4x1xi32>
      %lt3A = arith.cmpf olt, %broadcast_in_dim3A_74, %scan3A_54 : vector<4x1xf32>
      %select_n3A_84 = arith.select %lt3A, %broadcast_in_dim3A_74, %scan3A_54 : vector<4x1xi1>, vector<4x1xf32>
      %select_n3A_85 = arith.select %lt3A, %add3A_83, %scan3A_55 : vector<4x1xi1>, vector<4x1xi32>
      scf.yield %select_n3A_84, %select_n3A_85 : vector<4x1xf32>, vector<4x1xi32>
    }
    %scan3A_46 = arith.constant 4 : i32
    %squeeze3A = vector.shape_cast %scan3A_45#1 : vector<4x1xi32> to vector<4xi32>
    %swap3A_47 = arith.constant 0 : index
    %swap3A_48 = arith.constant 0 : index
    %swap3A_49 = arith.constant 0 : index
    %swap3A_50 = vector.load %arg8[%swap3A_47, %swap3A_48, %swap3A_49] : memref<1x1x4xi32, #tpu.memory_space<vmem>>, vector<1x1x4xi32>
    %swap3A_51 = vector.shape_cast %swap3A_50 : vector<1x1x4xi32> to vector<4xi32>
    %swap3A_52 = vector.shape_cast %squeeze3A : vector<4xi32> to vector<1x1x4xi32>
    tpu.vector_store %arg8[%swap3A_47, %swap3A_48, %swap3A_49], %swap3A_52 {strides = array<i32>} : memref<1x1x4xi32, #tpu.memory_space<vmem>>, vector<1x1x4xi32>,
    return
  }
  func.func @transform_0(%arg0: i32) -> (i32, i32, i32) {
    %c0_i32 = arith.constant 0 : i32
    %c0_i32_0 = arith.constant 0 : i32
    %c0_i32_1 = arith.constant 0 : i32
    return %arg0, %c0_i32, %c0_i32_0 : i32, i32, i32
  }
  func.func @transform_1(%arg0: i32) -> (i32, i32, i32) {
    %c0_i32 = arith.constant 0 : i32
    %c0_i32_0 = arith.constant 0 : i32
    %c0_i32_1 = arith.constant 0 : i32
    return %arg0, %c0_i32, %c0_i32_0 : i32, i32, i32
  }
  func.func @transform_2(%arg0: i32) -> (i32, i32, i32) {
    %c0_i32 = arith.constant 0 : i32
    %c0_i32_0 = arith.constant 0 : i32
    %c0_i32_1 = arith.constant 0 : i32
    return %arg0, %c0_i32, %c0_i32_0 : i32, i32, i32
  }
  func.func @transform_3(%arg0: i32) -> (i32, i32) {
    %c0_i32 = arith.constant 0 : i32
    %c0_i32_0 = arith.constant 0 : i32
    %c0_i32_1 = arith.constant 0 : i32
    return %c0_i32, %c0_i32_0 : i32, i32
  }
  func.func @transform_4(%arg0: i32) -> (i32, i32) {
    %c0_i32 = arith.constant 0 : i32
    %c0_i32_0 = arith.constant 0 : i32
    %c0_i32_1 = arith.constant 0 : i32
    return %c0_i32, %c0_i32_0 : i32, i32
  }
  func.func @transform_5(%arg0: i32) -> (i32, i32) {
    %c0_i32 = arith.constant 0 : i32
    %c0_i32_0 = arith.constant 0 : i32
    %c0_i32_1 = arith.constant 0 : i32
    return %c0_i32, %c0_i32_0 : i32, i32
  }
  func.func @transform_6(%arg0: i32) -> (i32, i32) {
    %c0_i32 = arith.constant 0 : i32
    %c0_i32_0 = arith.constant 0 : i32
    %c0_i32_1 = arith.constant 0 : i32
    return %c0_i32, %c0_i32_0 : i32, i32
  }
  func.func @transform_7(%arg0: i32) -> (i32, i32, i32) {
    %c0_i32 = arith.constant 0 : i32
    %c0_i32_0 = arith.constant 0 : i32
    %c0_i32_1 = arith.constant 0 : i32
    return %arg0, %c0_i32, %c0_i32_0 : i32, i32, i32
  }
  func.func @transform_8(%arg0: i32) -> (i32, i32, i32) {
    %c0_i32 = arith.constant 0 : i32
    %c0_i32_0 = arith.constant 0 : i32
    %c0_i32_1 = arith.constant 0 : i32
    return %arg0, %c0_i32, %c0_i32_0 : i32, i32, i32
  }
  func.func @transform_9(%arg0: i32) -> (i32, i32, i32) {
    %c0_i32 = arith.constant 0 : i32
    %c0_i32_0 = arith.constant 0 : i32
    %c0_i32_1 = arith.constant 0 : i32
    return %arg0, %c0_i32, %c0_i32_0 : i32, i32, i32
  }
}

module attributes {stable_mosaic.version = 14 : i64} {
  func.func @_up_body(%arg0: i32, %arg1: memref<1x4x96xf32, #tpu.memory_space<vmem>>, %arg2: memref<1x4x96xf32, #tpu.memory_space<vmem>>, %arg3: memref<32x4xf32, #tpu.memory_space<vmem>>, %arg4: memref<256x32xf32, #tpu.memory_space<vmem>>, %arg5: memref<1x256x96xf32, #tpu.memory_space<vmem>>, %arg6: memref<1x1xf32, #tpu.memory_space<vmem>>) attributes {dimension_semantics = [#tpu.dimension_semantics<arbitrary>], iteration_bounds = array<i64: 16>, scalar_prefetch = 0 : i64, scratch_operands = 0 : i64, tpu.core_type = #tpu.core_type<tc>, window_params = [{transform_indices = @transform_0, window_bounds = array<i64: 1, 4, 96>}, {transform_indices = @transform_1, window_bounds = array<i64: 1, 4, 96>}, {pipeline_mode = #tpu.pipeline_mode<synchronous>, transform_indices = @transform_2, window_bounds = array<i64: 32, 4>}, {pipeline_mode = #tpu.pipeline_mode<synchronous>, transform_indices = @transform_3, window_bounds = array<i64: 256, 32>}, {transform_indices = @transform_4, window_bounds = array<i64: 1, 256, 96>}, {pipeline_mode = #tpu.pipeline_mode<synchronous>, transform_indices = @transform_5, window_bounds = array<i64: 1, 1>}]} {
    %get3A = arith.constant 0 : index
    %get3A_0 = arith.constant 0 : index
    %get3A_1 = arith.constant 0 : index
    %get3A_2 = vector.load %arg1[%get3A, %get3A_0, %get3A_1] : memref<1x4x96xf32, #tpu.memory_space<vmem>>, vector<1x4x96xf32>
    %get3A_3 = vector.shape_cast %get3A_2 : vector<1x4x96xf32> to vector<4x96xf32>
    %get3A_4 = arith.constant 0 : index
    %get3A_5 = arith.constant 0 : index
    %get3A_6 = arith.constant 0 : index
    %get3A_7 = vector.load %arg2[%get3A_4, %get3A_5, %get3A_6] : memref<1x4x96xf32, #tpu.memory_space<vmem>>, vector<1x4x96xf32>
    %get3A_8 = vector.shape_cast %get3A_7 : vector<1x4x96xf32> to vector<4x96xf32>
    %sub3A = arith.subf %get3A_3, %get3A_8 : vector<4x96xf32>
    %mul3A = arith.mulf %sub3A, %sub3A : vector<4x96xf32>
    %reduce_sum3A = vector.shape_cast %mul3A : vector<4x96xf32> to vector<1x4x96xf32>
    %reduce_sum3A_9 = arith.constant dense<0.000000e+00> : vector<1xf32>
    %reduce_sum3A_10 = vector.multi_reduction <add>, %reduce_sum3A, %reduce_sum3A_9 [1, 2] : vector<1x4x96xf32> to vector<1xf32>
    %reduce_sum3A_11 = vector.shape_cast %reduce_sum3A_10 : vector<1xf32> to vector<1x1x1xf32>
    %reduce_sum3A_12 = vector.extract %reduce_sum3A_11[0, 0, 0] : f32 from vector<1x1x1xf32>
    %reshape3A = vector.broadcast %reduce_sum3A_12 : f32 to vector<1x1xf32>
    %eq3A = arith.constant 0 : i32
    %eq3A_13 = arith.cmpi eq, %arg0, %eq3A : i32
    %convert_element_type3A = arith.extui %eq3A_13 : i1 to i32
    %cond3A = arith.constant 0 : i32
    %cond3A_14 = arith.cmpi ne, %convert_element_type3A, %cond3A : i32
    scf.if %cond3A_14 {
      %broadcast_in_dim3A = arith.constant 0.000000e+00 : f32
      %broadcast_in_dim3A_37 = vector.broadcast %broadcast_in_dim3A : f32 to vector<1x1xf32>
      %swap3A_38 = arith.constant 0 : index
      %swap3A_39 = arith.constant 0 : index
      %swap3A_40 = vector.load %arg6[%swap3A_38, %swap3A_39] : memref<1x1xf32, #tpu.memory_space<vmem>>, vector<1x1xf32>
      tpu.vector_store %arg6[%swap3A_38, %swap3A_39], %broadcast_in_dim3A_37 {strides = array<i32>} : memref<1x1xf32, #tpu.memory_space<vmem>>, vector<1x1xf32>,
    } else {
    }
    %get3A_15 = arith.constant 0 : index
    %get3A_16 = arith.constant 0 : index
    %get3A_17 = vector.load %arg6[%get3A_15, %get3A_16] : memref<1x1xf32, #tpu.memory_space<vmem>>, vector<1x1xf32>
    %add3A = arith.addf %get3A_17, %reshape3A : vector<1x1xf32>
    %swap3A = arith.constant 0 : index
    %swap3A_18 = arith.constant 0 : index
    %swap3A_19 = vector.load %arg6[%swap3A, %swap3A_18] : memref<1x1xf32, #tpu.memory_space<vmem>>, vector<1x1xf32>
    tpu.vector_store %arg6[%swap3A, %swap3A_18], %add3A {strides = array<i32>} : memref<1x1xf32, #tpu.memory_space<vmem>>, vector<1x1xf32>,
    %sub3A_20 = arith.subf %get3A_3, %get3A_8 : vector<4x96xf32>
    %add3A_21 = arith.addf %get3A_8, %sub3A_20 : vector<4x96xf32>
    %get3A_22 = arith.constant 0 : index
    %get3A_23 = arith.constant 0 : index
    %get3A_24 = vector.load %arg3[%get3A_22, %get3A_23] : memref<32x4xf32, #tpu.memory_space<vmem>>, vector<32x4xf32>
    %dot_general3A = arith.constant dense<0.000000e+00> : vector<32x96xf32>
    %dot_general3A_25 = tpu.matmul %get3A_24, %add3A_21, %dot_general3A {dimension_numbers = #tpu.dot_dimension_numbers<[1], [0], [0], [1], [0, 0, 1, 1], [], []>, precision = #tpu.contract_precision<fp32>, transpose_lhs_hint = false} : vector<32x4xf32>, vector<4x96xf32>, vector<32x96xf32> -> vector<32x96xf32>
    %get3A_26 = arith.constant 0 : index
    %get3A_27 = arith.constant 0 : index
    %get3A_28 = vector.load %arg4[%get3A_26, %get3A_27] : memref<256x32xf32, #tpu.memory_space<vmem>>, vector<256x32xf32>
    %dot_general3A_29 = arith.constant dense<0.000000e+00> : vector<256x96xf32>
    %dot_general3A_30 = tpu.matmul %get3A_28, %dot_general3A_25, %dot_general3A_29 {dimension_numbers = #tpu.dot_dimension_numbers<[1], [0], [0], [1], [0, 0, 1, 1], [], []>, precision = #tpu.contract_precision<fp32>, transpose_lhs_hint = false} : vector<256x32xf32>, vector<32x96xf32>, vector<256x96xf32> -> vector<256x96xf32>
    %swap3A_31 = arith.constant 0 : index
    %swap3A_32 = arith.constant 0 : index
    %swap3A_33 = arith.constant 0 : index
    %swap3A_34 = vector.load %arg5[%swap3A_31, %swap3A_32, %swap3A_33] : memref<1x256x96xf32, #tpu.memory_space<vmem>>, vector<1x256x96xf32>
    %swap3A_35 = vector.shape_cast %swap3A_34 : vector<1x256x96xf32> to vector<256x96xf32>
    %swap3A_36 = vector.shape_cast %dot_general3A_30 : vector<256x96xf32> to vector<1x256x96xf32>
    tpu.vector_store %arg5[%swap3A_31, %swap3A_32, %swap3A_33], %swap3A_36 {strides = array<i32>} : memref<1x256x96xf32, #tpu.memory_space<vmem>>, vector<1x256x96xf32>,
    return
  }
  func.func @transform_0(%arg0: i32) -> (i32, i32, i32) {
    %c0_i32 = arith.constant 0 : i32
    %c0_i32_0 = arith.constant 0 : i32
    %c0_i32_1 = arith.constant 0 : i32
    return %arg0, %c0_i32, %c0_i32_0 : i32, i32, i32
  }
  func.func @transform_1(%arg0: i32) -> (i32, i32, i32) {
    %c0_i32 = arith.constant 0 : i32
    %c0_i32_0 = arith.constant 0 : i32
    %c0_i32_1 = arith.constant 0 : i32
    return %arg0, %c0_i32, %c0_i32_0 : i32, i32, i32
  }
  func.func @transform_2(%arg0: i32) -> (i32, i32) {
    %c0_i32 = arith.constant 0 : i32
    %c0_i32_0 = arith.constant 0 : i32
    %c0_i32_1 = arith.constant 0 : i32
    return %c0_i32, %c0_i32_0 : i32, i32
  }
  func.func @transform_3(%arg0: i32) -> (i32, i32) {
    %c0_i32 = arith.constant 0 : i32
    %c0_i32_0 = arith.constant 0 : i32
    %c0_i32_1 = arith.constant 0 : i32
    return %c0_i32, %c0_i32_0 : i32, i32
  }
  func.func @transform_4(%arg0: i32) -> (i32, i32, i32) {
    %c0_i32 = arith.constant 0 : i32
    %c0_i32_0 = arith.constant 0 : i32
    %c0_i32_1 = arith.constant 0 : i32
    return %arg0, %c0_i32, %c0_i32_0 : i32, i32, i32
  }
  func.func @transform_5(%arg0: i32) -> (i32, i32) {
    %c0_i32 = arith.constant 0 : i32
    %c0_i32_0 = arith.constant 0 : i32
    %c0_i32_1 = arith.constant 0 : i32
    return %c0_i32, %c0_i32_0 : i32, i32
  }
}

module attributes {stable_mosaic.version = 14 : i64} {
  func.func @_assign_body(%arg0: i32, %arg1: memref<1x256x96xf32, #tpu.memory_space<vmem>>, %arg2: memref<1x256x96xf32, #tpu.memory_space<vmem>>, %arg3: memref<1x256x96xf32, #tpu.memory_space<vmem>>, %arg4: memref<1x96xf32, #tpu.memory_space<vmem>>, %arg5: memref<16x256xf32, #tpu.memory_space<vmem>>, %arg6: memref<8192x96xf32, #tpu.memory_space<vmem>>, %arg7: memref<1x8192xf32, #tpu.memory_space<vmem>>, %arg8: memref<1x1x16xi32, #tpu.memory_space<vmem>>, %arg9: memref<1x16x96xf32, #tpu.memory_space<vmem>>, %arg10: memref<1x256x96xf32, #tpu.memory_space<vmem>>) attributes {dimension_semantics = [#tpu.dimension_semantics<arbitrary>], iteration_bounds = array<i64: 16>, scalar_prefetch = 0 : i64, scratch_operands = 0 : i64, tpu.core_type = #tpu.core_type<tc>, window_params = [{transform_indices = @transform_0, window_bounds = array<i64: 1, 256, 96>}, {transform_indices = @transform_1, window_bounds = array<i64: 1, 256, 96>}, {transform_indices = @transform_2, window_bounds = array<i64: 1, 256, 96>}, {pipeline_mode = #tpu.pipeline_mode<synchronous>, transform_indices = @transform_3, window_bounds = array<i64: 1, 96>}, {pipeline_mode = #tpu.pipeline_mode<synchronous>, transform_indices = @transform_4, window_bounds = array<i64: 16, 256>}, {pipeline_mode = #tpu.pipeline_mode<synchronous>, transform_indices = @transform_5, window_bounds = array<i64: 8192, 96>}, {pipeline_mode = #tpu.pipeline_mode<synchronous>, transform_indices = @transform_6, window_bounds = array<i64: 1, 8192>}, {transform_indices = @transform_7, window_bounds = array<i64: 1, 1, 16>}, {transform_indices = @transform_8, window_bounds = array<i64: 1, 16, 96>}, {transform_indices = @transform_9, window_bounds = array<i64: 1, 256, 96>}]} {
    %get3A = arith.constant 0 : index
    %get3A_0 = arith.constant 0 : index
    %get3A_1 = arith.constant 0 : index
    %get3A_2 = vector.load %arg2[%get3A, %get3A_0, %get3A_1] : memref<1x256x96xf32, #tpu.memory_space<vmem>>, vector<1x256x96xf32>
    %get3A_3 = vector.shape_cast %get3A_2 : vector<1x256x96xf32> to vector<256x96xf32>
    %mul3A = arith.constant 5.000000e-01 : f32
    %mul3A_4 = vector.broadcast %mul3A : f32 to vector<256x96xf32>
    %mul3A_5 = arith.mulf %mul3A_4, %get3A_3 : vector<256x96xf32>
    %get3A_6 = arith.constant 0 : index
    %get3A_7 = arith.constant 0 : index
    %get3A_8 = arith.constant 0 : index
    %get3A_9 = vector.load %arg3[%get3A_6, %get3A_7, %get3A_8] : memref<1x256x96xf32, #tpu.memory_space<vmem>>, vector<1x256x96xf32>
    %get3A_10 = vector.shape_cast %get3A_9 : vector<1x256x96xf32> to vector<256x96xf32>
    %get3A_11 = arith.constant 0 : index
    %get3A_12 = arith.constant 0 : index
    %get3A_13 = vector.load %arg4[%get3A_11, %get3A_12] : memref<1x96xf32, #tpu.memory_space<vmem>>, vector<1x96xf32>
    %add3A = vector.broadcast %get3A_13 : vector<1x96xf32> to vector<256x96xf32>
    %add3A_14 = arith.addf %get3A_10, %add3A : vector<256x96xf32>
    %mul3A_15 = arith.constant 5.000000e-01 : f32
    %mul3A_16 = vector.broadcast %mul3A_15 : f32 to vector<256x96xf32>
    %mul3A_17 = arith.mulf %mul3A_16, %add3A_14 : vector<256x96xf32>
    %add3A_18 = arith.addf %mul3A_5, %mul3A_17 : vector<256x96xf32>
    %get3A_19 = arith.constant 0 : index
    %get3A_20 = arith.constant 0 : index
    %get3A_21 = arith.constant 0 : index
    %get3A_22 = vector.load %arg1[%get3A_19, %get3A_20, %get3A_21] : memref<1x256x96xf32, #tpu.memory_space<vmem>>, vector<1x256x96xf32>
    %get3A_23 = vector.shape_cast %get3A_22 : vector<1x256x96xf32> to vector<256x96xf32>
    %sub3A = arith.subf %get3A_23, %add3A_18 : vector<256x96xf32>
    %swap3A = arith.constant 0 : index
    %swap3A_24 = arith.constant 0 : index
    %swap3A_25 = arith.constant 0 : index
    %swap3A_26 = vector.load %arg10[%swap3A, %swap3A_24, %swap3A_25] : memref<1x256x96xf32, #tpu.memory_space<vmem>>, vector<1x256x96xf32>
    %swap3A_27 = vector.shape_cast %swap3A_26 : vector<1x256x96xf32> to vector<256x96xf32>
    %swap3A_28 = vector.shape_cast %sub3A : vector<256x96xf32> to vector<1x256x96xf32>
    tpu.vector_store %arg10[%swap3A, %swap3A_24, %swap3A_25], %swap3A_28 {strides = array<i32>} : memref<1x256x96xf32, #tpu.memory_space<vmem>>, vector<1x256x96xf32>,
    %get3A_29 = arith.constant 0 : index
    %get3A_30 = arith.constant 0 : index
    %get3A_31 = vector.load %arg5[%get3A_29, %get3A_30] : memref<16x256xf32, #tpu.memory_space<vmem>>, vector<16x256xf32>
    %dot_general3A = arith.constant dense<0.000000e+00> : vector<16x96xf32>
    %dot_general3A_32 = tpu.matmul %get3A_31, %sub3A, %dot_general3A {dimension_numbers = #tpu.dot_dimension_numbers<[1], [0], [0], [1], [0, 0, 1, 1], [], []>, precision = #tpu.contract_precision<fp32>, transpose_lhs_hint = false} : vector<16x256xf32>, vector<256x96xf32>, vector<16x96xf32> -> vector<16x96xf32>
    %swap3A_33 = arith.constant 0 : index
    %swap3A_34 = arith.constant 0 : index
    %swap3A_35 = arith.constant 0 : index
    %swap3A_36 = vector.load %arg9[%swap3A_33, %swap3A_34, %swap3A_35] : memref<1x16x96xf32, #tpu.memory_space<vmem>>, vector<1x16x96xf32>
    %swap3A_37 = vector.shape_cast %swap3A_36 : vector<1x16x96xf32> to vector<16x96xf32>
    %swap3A_38 = vector.shape_cast %dot_general3A_32 : vector<16x96xf32> to vector<1x16x96xf32>
    tpu.vector_store %arg9[%swap3A_33, %swap3A_34, %swap3A_35], %swap3A_38 {strides = array<i32>} : memref<1x16x96xf32, #tpu.memory_space<vmem>>, vector<1x16x96xf32>,
    %broadcast_in_dim3A = arith.constant 0x7F800000 : f32
    %broadcast_in_dim3A_39 = vector.broadcast %broadcast_in_dim3A : f32 to vector<16x1xf32>
    %broadcast_in_dim3A_40 = arith.constant 0 : i32
    %broadcast_in_dim3A_41 = vector.broadcast %broadcast_in_dim3A_40 : i32 to vector<16x1xi32>
    %scan3A = arith.constant 0 : i32
    %scan3A_42 = arith.constant 4 : i32
    %scan3A_43 = arith.addi %scan3A, %scan3A_42 : i32
    %scan3A_44 = arith.constant 1 : i32
    %scan3A_45:2 = scf.for %scan3A_53 = %scan3A to %scan3A_43 step %scan3A_44 iter_args(%scan3A_54 = %broadcast_in_dim3A_39, %scan3A_55 = %broadcast_in_dim3A_41) -> (vector<16x1xf32>, vector<16x1xi32>)  : i32 {
      %mul3A_56 = arith.constant 2048 : i32
      %mul3A_57 = arith.muli %scan3A_53, %mul3A_56 : i32
      %get3A_58 = arith.index_cast %mul3A_57 : i32 to index
      %get3A_59 = arith.constant 0 : index
      %get3A_60 = vector.load %arg6[%get3A_58, %get3A_59] : memref<8192x96xf32, #tpu.memory_space<vmem>>, vector<2048x96xf32>
      %mul3A_61 = arith.constant 2048 : i32
      %mul3A_62 = arith.muli %scan3A_53, %mul3A_61 : i32
      %get3A_63 = arith.constant 0 : index
      %get3A_64 = arith.index_cast %mul3A_62 : i32 to index
      %get3A_65 = vector.load %arg7[%get3A_63, %get3A_64] : memref<1x8192xf32, #tpu.memory_space<vmem>>, vector<1x2048xf32>
      %dot_general3A_66 = arith.constant dense<0.000000e+00> : vector<16x2048xf32>
      %dot_general3A_67 = tpu.matmul %dot_general3A_32, %get3A_60, %dot_general3A_66 {dimension_numbers = #tpu.dot_dimension_numbers<[1], [1], [0], [0], [0, 0, 1, 0], [], []>, transpose_lhs_hint = false} : vector<16x96xf32>, vector<2048x96xf32>, vector<16x2048xf32> -> vector<16x2048xf32>
      %mul3A_68 = arith.constant 2.000000e+00 : f32
      %mul3A_69 = vector.broadcast %mul3A_68 : f32 to vector<16x2048xf32>
      %mul3A_70 = arith.mulf %mul3A_69, %dot_general3A_67 : vector<16x2048xf32>
      %sub3A_71 = vector.broadcast %get3A_65 : vector<1x2048xf32> to vector<16x2048xf32>
      %sub3A_72 = arith.subf %sub3A_71, %mul3A_70 : vector<16x2048xf32>
      %reduce_min3A = arith.constant dense<0x7F800000> : vector<16xf32>
      %reduce_min3A_73 = vector.multi_reduction <minimumf>, %sub3A_72, %reduce_min3A [1] : vector<16x2048xf32> to vector<16xf32>
      %broadcast_in_dim3A_74 = vector.shape_cast %reduce_min3A_73 : vector<16xf32> to vector<16x1xf32>
      %iota3A = tpu.iota {dimensions = array<i32: 1>} : vector<16x2048xi32>
      %eq3A = vector.broadcast %broadcast_in_dim3A_74 : vector<16x1xf32> to vector<16x2048xf32>
      %eq3A_75 = arith.cmpf oeq, %sub3A_72, %eq3A : vector<16x2048xf32>
      %jit3A = arith.constant 2048 : i32
      %broadcast_in_dim3A_76 = vector.broadcast %jit3A : i32 to vector<16x2048xi32>
      %select_n3A = arith.select %eq3A_75, %iota3A, %broadcast_in_dim3A_76 : vector<16x2048xi1>, vector<16x2048xi32>
      %reduce_min3A_77 = arith.constant dense<2147483647> : vector<16xi32>
      %reduce_min3A_78 = vector.multi_reduction <minsi>, %select_n3A, %reduce_min3A_77 [1] : vector<16x2048xi32> to vector<16xi32>
      %broadcast_in_dim3A_79 = vector.shape_cast %reduce_min3A_78 : vector<16xi32> to vector<16x1xi32>
      %mul3A_80 = arith.constant 2048 : i32
      %mul3A_81 = arith.muli %scan3A_53, %mul3A_80 : i32
      %add3A_82 = vector.broadcast %mul3A_81 : i32 to vector<16x1xi32>
      %add3A_83 = arith.addi %broadcast_in_dim3A_79, %add3A_82 : vector<16x1xi32>
      %lt3A = arith.cmpf olt, %broadcast_in_dim3A_74, %scan3A_54 : vector<16x1xf32>
      %select_n3A_84 = arith.select %lt3A, %broadcast_in_dim3A_74, %scan3A_54 : vector<16x1xi1>, vector<16x1xf32>
      %select_n3A_85 = arith.select %lt3A, %add3A_83, %scan3A_55 : vector<16x1xi1>, vector<16x1xi32>
      scf.yield %select_n3A_84, %select_n3A_85 : vector<16x1xf32>, vector<16x1xi32>
    }
    %scan3A_46 = arith.constant 4 : i32
    %squeeze3A = vector.shape_cast %scan3A_45#1 : vector<16x1xi32> to vector<16xi32>
    %swap3A_47 = arith.constant 0 : index
    %swap3A_48 = arith.constant 0 : index
    %swap3A_49 = arith.constant 0 : index
    %swap3A_50 = vector.load %arg8[%swap3A_47, %swap3A_48, %swap3A_49] : memref<1x1x16xi32, #tpu.memory_space<vmem>>, vector<1x1x16xi32>
    %swap3A_51 = vector.shape_cast %swap3A_50 : vector<1x1x16xi32> to vector<16xi32>
    %swap3A_52 = vector.shape_cast %squeeze3A : vector<16xi32> to vector<1x1x16xi32>
    tpu.vector_store %arg8[%swap3A_47, %swap3A_48, %swap3A_49], %swap3A_52 {strides = array<i32>} : memref<1x1x16xi32, #tpu.memory_space<vmem>>, vector<1x1x16xi32>,
    return
  }
  func.func @transform_0(%arg0: i32) -> (i32, i32, i32) {
    %c0_i32 = arith.constant 0 : i32
    %c0_i32_0 = arith.constant 0 : i32
    %c0_i32_1 = arith.constant 0 : i32
    return %arg0, %c0_i32, %c0_i32_0 : i32, i32, i32
  }
  func.func @transform_1(%arg0: i32) -> (i32, i32, i32) {
    %c0_i32 = arith.constant 0 : i32
    %c0_i32_0 = arith.constant 0 : i32
    %c0_i32_1 = arith.constant 0 : i32
    return %arg0, %c0_i32, %c0_i32_0 : i32, i32, i32
  }
  func.func @transform_2(%arg0: i32) -> (i32, i32, i32) {
    %c0_i32 = arith.constant 0 : i32
    %c0_i32_0 = arith.constant 0 : i32
    %c0_i32_1 = arith.constant 0 : i32
    return %arg0, %c0_i32, %c0_i32_0 : i32, i32, i32
  }
  func.func @transform_3(%arg0: i32) -> (i32, i32) {
    %c0_i32 = arith.constant 0 : i32
    %c0_i32_0 = arith.constant 0 : i32
    %c0_i32_1 = arith.constant 0 : i32
    return %c0_i32, %c0_i32_0 : i32, i32
  }
  func.func @transform_4(%arg0: i32) -> (i32, i32) {
    %c0_i32 = arith.constant 0 : i32
    %c0_i32_0 = arith.constant 0 : i32
    %c0_i32_1 = arith.constant 0 : i32
    return %c0_i32, %c0_i32_0 : i32, i32
  }
  func.func @transform_5(%arg0: i32) -> (i32, i32) {
    %c0_i32 = arith.constant 0 : i32
    %c0_i32_0 = arith.constant 0 : i32
    %c0_i32_1 = arith.constant 0 : i32
    return %c0_i32, %c0_i32_0 : i32, i32
  }
  func.func @transform_6(%arg0: i32) -> (i32, i32) {
    %c0_i32 = arith.constant 0 : i32
    %c0_i32_0 = arith.constant 0 : i32
    %c0_i32_1 = arith.constant 0 : i32
    return %c0_i32, %c0_i32_0 : i32, i32
  }
  func.func @transform_7(%arg0: i32) -> (i32, i32, i32) {
    %c0_i32 = arith.constant 0 : i32
    %c0_i32_0 = arith.constant 0 : i32
    %c0_i32_1 = arith.constant 0 : i32
    return %arg0, %c0_i32, %c0_i32_0 : i32, i32, i32
  }
  func.func @transform_8(%arg0: i32) -> (i32, i32, i32) {
    %c0_i32 = arith.constant 0 : i32
    %c0_i32_0 = arith.constant 0 : i32
    %c0_i32_1 = arith.constant 0 : i32
    return %arg0, %c0_i32, %c0_i32_0 : i32, i32, i32
  }
  func.func @transform_9(%arg0: i32) -> (i32, i32, i32) {
    %c0_i32 = arith.constant 0 : i32
    %c0_i32_0 = arith.constant 0 : i32
    %c0_i32_1 = arith.constant 0 : i32
    return %arg0, %c0_i32, %c0_i32_0 : i32, i32, i32
  }
}

module attributes {stable_mosaic.version = 14 : i64} {
  func.func @_up_body(%arg0: i32, %arg1: memref<1x16x96xf32, #tpu.memory_space<vmem>>, %arg2: memref<1x16x96xf32, #tpu.memory_space<vmem>>, %arg3: memref<64x16xf32, #tpu.memory_space<vmem>>, %arg4: memref<256x64xf32, #tpu.memory_space<vmem>>, %arg5: memref<1x256x96xf32, #tpu.memory_space<vmem>>, %arg6: memref<1x1xf32, #tpu.memory_space<vmem>>) attributes {dimension_semantics = [#tpu.dimension_semantics<arbitrary>], iteration_bounds = array<i64: 16>, scalar_prefetch = 0 : i64, scratch_operands = 0 : i64, tpu.core_type = #tpu.core_type<tc>, window_params = [{transform_indices = @transform_0, window_bounds = array<i64: 1, 16, 96>}, {transform_indices = @transform_1, window_bounds = array<i64: 1, 16, 96>}, {pipeline_mode = #tpu.pipeline_mode<synchronous>, transform_indices = @transform_2, window_bounds = array<i64: 64, 16>}, {pipeline_mode = #tpu.pipeline_mode<synchronous>, transform_indices = @transform_3, window_bounds = array<i64: 256, 64>}, {transform_indices = @transform_4, window_bounds = array<i64: 1, 256, 96>}, {pipeline_mode = #tpu.pipeline_mode<synchronous>, transform_indices = @transform_5, window_bounds = array<i64: 1, 1>}]} {
    %get3A = arith.constant 0 : index
    %get3A_0 = arith.constant 0 : index
    %get3A_1 = arith.constant 0 : index
    %get3A_2 = vector.load %arg1[%get3A, %get3A_0, %get3A_1] : memref<1x16x96xf32, #tpu.memory_space<vmem>>, vector<1x16x96xf32>
    %get3A_3 = vector.shape_cast %get3A_2 : vector<1x16x96xf32> to vector<16x96xf32>
    %get3A_4 = arith.constant 0 : index
    %get3A_5 = arith.constant 0 : index
    %get3A_6 = arith.constant 0 : index
    %get3A_7 = vector.load %arg2[%get3A_4, %get3A_5, %get3A_6] : memref<1x16x96xf32, #tpu.memory_space<vmem>>, vector<1x16x96xf32>
    %get3A_8 = vector.shape_cast %get3A_7 : vector<1x16x96xf32> to vector<16x96xf32>
    %sub3A = arith.subf %get3A_3, %get3A_8 : vector<16x96xf32>
    %mul3A = arith.mulf %sub3A, %sub3A : vector<16x96xf32>
    %reduce_sum3A = vector.shape_cast %mul3A : vector<16x96xf32> to vector<1x16x96xf32>
    %reduce_sum3A_9 = arith.constant dense<0.000000e+00> : vector<1xf32>
    %reduce_sum3A_10 = vector.multi_reduction <add>, %reduce_sum3A, %reduce_sum3A_9 [1, 2] : vector<1x16x96xf32> to vector<1xf32>
    %reduce_sum3A_11 = vector.shape_cast %reduce_sum3A_10 : vector<1xf32> to vector<1x1x1xf32>
    %reduce_sum3A_12 = vector.extract %reduce_sum3A_11[0, 0, 0] : f32 from vector<1x1x1xf32>
    %reshape3A = vector.broadcast %reduce_sum3A_12 : f32 to vector<1x1xf32>
    %eq3A = arith.constant 0 : i32
    %eq3A_13 = arith.cmpi eq, %arg0, %eq3A : i32
    %convert_element_type3A = arith.extui %eq3A_13 : i1 to i32
    %cond3A = arith.constant 0 : i32
    %cond3A_14 = arith.cmpi ne, %convert_element_type3A, %cond3A : i32
    scf.if %cond3A_14 {
      %broadcast_in_dim3A = arith.constant 0.000000e+00 : f32
      %broadcast_in_dim3A_37 = vector.broadcast %broadcast_in_dim3A : f32 to vector<1x1xf32>
      %swap3A_38 = arith.constant 0 : index
      %swap3A_39 = arith.constant 0 : index
      %swap3A_40 = vector.load %arg6[%swap3A_38, %swap3A_39] : memref<1x1xf32, #tpu.memory_space<vmem>>, vector<1x1xf32>
      tpu.vector_store %arg6[%swap3A_38, %swap3A_39], %broadcast_in_dim3A_37 {strides = array<i32>} : memref<1x1xf32, #tpu.memory_space<vmem>>, vector<1x1xf32>,
    } else {
    }
    %get3A_15 = arith.constant 0 : index
    %get3A_16 = arith.constant 0 : index
    %get3A_17 = vector.load %arg6[%get3A_15, %get3A_16] : memref<1x1xf32, #tpu.memory_space<vmem>>, vector<1x1xf32>
    %add3A = arith.addf %get3A_17, %reshape3A : vector<1x1xf32>
    %swap3A = arith.constant 0 : index
    %swap3A_18 = arith.constant 0 : index
    %swap3A_19 = vector.load %arg6[%swap3A, %swap3A_18] : memref<1x1xf32, #tpu.memory_space<vmem>>, vector<1x1xf32>
    tpu.vector_store %arg6[%swap3A, %swap3A_18], %add3A {strides = array<i32>} : memref<1x1xf32, #tpu.memory_space<vmem>>, vector<1x1xf32>,
    %sub3A_20 = arith.subf %get3A_3, %get3A_8 : vector<16x96xf32>
    %add3A_21 = arith.addf %get3A_8, %sub3A_20 : vector<16x96xf32>
    %get3A_22 = arith.constant 0 : index
    %get3A_23 = arith.constant 0 : index
    %get3A_24 = vector.load %arg3[%get3A_22, %get3A_23] : memref<64x16xf32, #tpu.memory_space<vmem>>, vector<64x16xf32>
    %dot_general3A = arith.constant dense<0.000000e+00> : vector<64x96xf32>
    %dot_general3A_25 = tpu.matmul %get3A_24, %add3A_21, %dot_general3A {dimension_numbers = #tpu.dot_dimension_numbers<[1], [0], [0], [1], [0, 0, 1, 1], [], []>, precision = #tpu.contract_precision<fp32>, transpose_lhs_hint = false} : vector<64x16xf32>, vector<16x96xf32>, vector<64x96xf32> -> vector<64x96xf32>
    %get3A_26 = arith.constant 0 : index
    %get3A_27 = arith.constant 0 : index
    %get3A_28 = vector.load %arg4[%get3A_26, %get3A_27] : memref<256x64xf32, #tpu.memory_space<vmem>>, vector<256x64xf32>
    %dot_general3A_29 = arith.constant dense<0.000000e+00> : vector<256x96xf32>
    %dot_general3A_30 = tpu.matmul %get3A_28, %dot_general3A_25, %dot_general3A_29 {dimension_numbers = #tpu.dot_dimension_numbers<[1], [0], [0], [1], [0, 0, 1, 1], [], []>, precision = #tpu.contract_precision<fp32>, transpose_lhs_hint = false} : vector<256x64xf32>, vector<64x96xf32>, vector<256x96xf32> -> vector<256x96xf32>
    %swap3A_31 = arith.constant 0 : index
    %swap3A_32 = arith.constant 0 : index
    %swap3A_33 = arith.constant 0 : index
    %swap3A_34 = vector.load %arg5[%swap3A_31, %swap3A_32, %swap3A_33] : memref<1x256x96xf32, #tpu.memory_space<vmem>>, vector<1x256x96xf32>
    %swap3A_35 = vector.shape_cast %swap3A_34 : vector<1x256x96xf32> to vector<256x96xf32>
    %swap3A_36 = vector.shape_cast %dot_general3A_30 : vector<256x96xf32> to vector<1x256x96xf32>
    tpu.vector_store %arg5[%swap3A_31, %swap3A_32, %swap3A_33], %swap3A_36 {strides = array<i32>} : memref<1x256x96xf32, #tpu.memory_space<vmem>>, vector<1x256x96xf32>,
    return
  }
  func.func @transform_0(%arg0: i32) -> (i32, i32, i32) {
    %c0_i32 = arith.constant 0 : i32
    %c0_i32_0 = arith.constant 0 : i32
    %c0_i32_1 = arith.constant 0 : i32
    return %arg0, %c0_i32, %c0_i32_0 : i32, i32, i32
  }
  func.func @transform_1(%arg0: i32) -> (i32, i32, i32) {
    %c0_i32 = arith.constant 0 : i32
    %c0_i32_0 = arith.constant 0 : i32
    %c0_i32_1 = arith.constant 0 : i32
    return %arg0, %c0_i32, %c0_i32_0 : i32, i32, i32
  }
  func.func @transform_2(%arg0: i32) -> (i32, i32) {
    %c0_i32 = arith.constant 0 : i32
    %c0_i32_0 = arith.constant 0 : i32
    %c0_i32_1 = arith.constant 0 : i32
    return %c0_i32, %c0_i32_0 : i32, i32
  }
  func.func @transform_3(%arg0: i32) -> (i32, i32) {
    %c0_i32 = arith.constant 0 : i32
    %c0_i32_0 = arith.constant 0 : i32
    %c0_i32_1 = arith.constant 0 : i32
    return %c0_i32, %c0_i32_0 : i32, i32
  }
  func.func @transform_4(%arg0: i32) -> (i32, i32, i32) {
    %c0_i32 = arith.constant 0 : i32
    %c0_i32_0 = arith.constant 0 : i32
    %c0_i32_1 = arith.constant 0 : i32
    return %arg0, %c0_i32, %c0_i32_0 : i32, i32, i32
  }
  func.func @transform_5(%arg0: i32) -> (i32, i32) {
    %c0_i32 = arith.constant 0 : i32
    %c0_i32_0 = arith.constant 0 : i32
    %c0_i32_1 = arith.constant 0 : i32
    return %c0_i32, %c0_i32_0 : i32, i32
  }
}

module attributes {stable_mosaic.version = 14 : i64} {
  func.func @_assign_body(%arg0: i32, %arg1: memref<1x256x96xf32, #tpu.memory_space<vmem>>, %arg2: memref<1x256x96xf32, #tpu.memory_space<vmem>>, %arg3: memref<1x256x96xf32, #tpu.memory_space<vmem>>, %arg4: memref<1x96xf32, #tpu.memory_space<vmem>>, %arg5: memref<64x256xf32, #tpu.memory_space<vmem>>, %arg6: memref<8192x96xf32, #tpu.memory_space<vmem>>, %arg7: memref<1x8192xf32, #tpu.memory_space<vmem>>, %arg8: memref<1x1x64xi32, #tpu.memory_space<vmem>>, %arg9: memref<1x64x96xf32, #tpu.memory_space<vmem>>, %arg10: memref<1x256x96xf32, #tpu.memory_space<vmem>>) attributes {dimension_semantics = [#tpu.dimension_semantics<arbitrary>], iteration_bounds = array<i64: 16>, scalar_prefetch = 0 : i64, scratch_operands = 0 : i64, tpu.core_type = #tpu.core_type<tc>, window_params = [{transform_indices = @transform_0, window_bounds = array<i64: 1, 256, 96>}, {transform_indices = @transform_1, window_bounds = array<i64: 1, 256, 96>}, {transform_indices = @transform_2, window_bounds = array<i64: 1, 256, 96>}, {pipeline_mode = #tpu.pipeline_mode<synchronous>, transform_indices = @transform_3, window_bounds = array<i64: 1, 96>}, {pipeline_mode = #tpu.pipeline_mode<synchronous>, transform_indices = @transform_4, window_bounds = array<i64: 64, 256>}, {pipeline_mode = #tpu.pipeline_mode<synchronous>, transform_indices = @transform_5, window_bounds = array<i64: 8192, 96>}, {pipeline_mode = #tpu.pipeline_mode<synchronous>, transform_indices = @transform_6, window_bounds = array<i64: 1, 8192>}, {transform_indices = @transform_7, window_bounds = array<i64: 1, 1, 64>}, {transform_indices = @transform_8, window_bounds = array<i64: 1, 64, 96>}, {transform_indices = @transform_9, window_bounds = array<i64: 1, 256, 96>}]} {
    %get3A = arith.constant 0 : index
    %get3A_0 = arith.constant 0 : index
    %get3A_1 = arith.constant 0 : index
    %get3A_2 = vector.load %arg2[%get3A, %get3A_0, %get3A_1] : memref<1x256x96xf32, #tpu.memory_space<vmem>>, vector<1x256x96xf32>
    %get3A_3 = vector.shape_cast %get3A_2 : vector<1x256x96xf32> to vector<256x96xf32>
    %mul3A = arith.constant 5.000000e-01 : f32
    %mul3A_4 = vector.broadcast %mul3A : f32 to vector<256x96xf32>
    %mul3A_5 = arith.mulf %mul3A_4, %get3A_3 : vector<256x96xf32>
    %get3A_6 = arith.constant 0 : index
    %get3A_7 = arith.constant 0 : index
    %get3A_8 = arith.constant 0 : index
    %get3A_9 = vector.load %arg3[%get3A_6, %get3A_7, %get3A_8] : memref<1x256x96xf32, #tpu.memory_space<vmem>>, vector<1x256x96xf32>
    %get3A_10 = vector.shape_cast %get3A_9 : vector<1x256x96xf32> to vector<256x96xf32>
    %get3A_11 = arith.constant 0 : index
    %get3A_12 = arith.constant 0 : index
    %get3A_13 = vector.load %arg4[%get3A_11, %get3A_12] : memref<1x96xf32, #tpu.memory_space<vmem>>, vector<1x96xf32>
    %add3A = vector.broadcast %get3A_13 : vector<1x96xf32> to vector<256x96xf32>
    %add3A_14 = arith.addf %get3A_10, %add3A : vector<256x96xf32>
    %mul3A_15 = arith.constant 5.000000e-01 : f32
    %mul3A_16 = vector.broadcast %mul3A_15 : f32 to vector<256x96xf32>
    %mul3A_17 = arith.mulf %mul3A_16, %add3A_14 : vector<256x96xf32>
    %add3A_18 = arith.addf %mul3A_5, %mul3A_17 : vector<256x96xf32>
    %get3A_19 = arith.constant 0 : index
    %get3A_20 = arith.constant 0 : index
    %get3A_21 = arith.constant 0 : index
    %get3A_22 = vector.load %arg1[%get3A_19, %get3A_20, %get3A_21] : memref<1x256x96xf32, #tpu.memory_space<vmem>>, vector<1x256x96xf32>
    %get3A_23 = vector.shape_cast %get3A_22 : vector<1x256x96xf32> to vector<256x96xf32>
    %sub3A = arith.subf %get3A_23, %add3A_18 : vector<256x96xf32>
    %swap3A = arith.constant 0 : index
    %swap3A_24 = arith.constant 0 : index
    %swap3A_25 = arith.constant 0 : index
    %swap3A_26 = vector.load %arg10[%swap3A, %swap3A_24, %swap3A_25] : memref<1x256x96xf32, #tpu.memory_space<vmem>>, vector<1x256x96xf32>
    %swap3A_27 = vector.shape_cast %swap3A_26 : vector<1x256x96xf32> to vector<256x96xf32>
    %swap3A_28 = vector.shape_cast %sub3A : vector<256x96xf32> to vector<1x256x96xf32>
    tpu.vector_store %arg10[%swap3A, %swap3A_24, %swap3A_25], %swap3A_28 {strides = array<i32>} : memref<1x256x96xf32, #tpu.memory_space<vmem>>, vector<1x256x96xf32>,
    %get3A_29 = arith.constant 0 : index
    %get3A_30 = arith.constant 0 : index
    %get3A_31 = vector.load %arg5[%get3A_29, %get3A_30] : memref<64x256xf32, #tpu.memory_space<vmem>>, vector<64x256xf32>
    %dot_general3A = arith.constant dense<0.000000e+00> : vector<64x96xf32>
    %dot_general3A_32 = tpu.matmul %get3A_31, %sub3A, %dot_general3A {dimension_numbers = #tpu.dot_dimension_numbers<[1], [0], [0], [1], [0, 0, 1, 1], [], []>, precision = #tpu.contract_precision<fp32>, transpose_lhs_hint = false} : vector<64x256xf32>, vector<256x96xf32>, vector<64x96xf32> -> vector<64x96xf32>
    %swap3A_33 = arith.constant 0 : index
    %swap3A_34 = arith.constant 0 : index
    %swap3A_35 = arith.constant 0 : index
    %swap3A_36 = vector.load %arg9[%swap3A_33, %swap3A_34, %swap3A_35] : memref<1x64x96xf32, #tpu.memory_space<vmem>>, vector<1x64x96xf32>
    %swap3A_37 = vector.shape_cast %swap3A_36 : vector<1x64x96xf32> to vector<64x96xf32>
    %swap3A_38 = vector.shape_cast %dot_general3A_32 : vector<64x96xf32> to vector<1x64x96xf32>
    tpu.vector_store %arg9[%swap3A_33, %swap3A_34, %swap3A_35], %swap3A_38 {strides = array<i32>} : memref<1x64x96xf32, #tpu.memory_space<vmem>>, vector<1x64x96xf32>,
    %broadcast_in_dim3A = arith.constant 0x7F800000 : f32
    %broadcast_in_dim3A_39 = vector.broadcast %broadcast_in_dim3A : f32 to vector<64x1xf32>
    %broadcast_in_dim3A_40 = arith.constant 0 : i32
    %broadcast_in_dim3A_41 = vector.broadcast %broadcast_in_dim3A_40 : i32 to vector<64x1xi32>
    %scan3A = arith.constant 0 : i32
    %scan3A_42 = arith.constant 4 : i32
    %scan3A_43 = arith.addi %scan3A, %scan3A_42 : i32
    %scan3A_44 = arith.constant 1 : i32
    %scan3A_45:2 = scf.for %scan3A_53 = %scan3A to %scan3A_43 step %scan3A_44 iter_args(%scan3A_54 = %broadcast_in_dim3A_39, %scan3A_55 = %broadcast_in_dim3A_41) -> (vector<64x1xf32>, vector<64x1xi32>)  : i32 {
      %mul3A_56 = arith.constant 2048 : i32
      %mul3A_57 = arith.muli %scan3A_53, %mul3A_56 : i32
      %get3A_58 = arith.index_cast %mul3A_57 : i32 to index
      %get3A_59 = arith.constant 0 : index
      %get3A_60 = vector.load %arg6[%get3A_58, %get3A_59] : memref<8192x96xf32, #tpu.memory_space<vmem>>, vector<2048x96xf32>
      %mul3A_61 = arith.constant 2048 : i32
      %mul3A_62 = arith.muli %scan3A_53, %mul3A_61 : i32
      %get3A_63 = arith.constant 0 : index
      %get3A_64 = arith.index_cast %mul3A_62 : i32 to index
      %get3A_65 = vector.load %arg7[%get3A_63, %get3A_64] : memref<1x8192xf32, #tpu.memory_space<vmem>>, vector<1x2048xf32>
      %dot_general3A_66 = arith.constant dense<0.000000e+00> : vector<64x2048xf32>
      %dot_general3A_67 = tpu.matmul %dot_general3A_32, %get3A_60, %dot_general3A_66 {dimension_numbers = #tpu.dot_dimension_numbers<[1], [1], [0], [0], [0, 0, 1, 0], [], []>, transpose_lhs_hint = false} : vector<64x96xf32>, vector<2048x96xf32>, vector<64x2048xf32> -> vector<64x2048xf32>
      %mul3A_68 = arith.constant 2.000000e+00 : f32
      %mul3A_69 = vector.broadcast %mul3A_68 : f32 to vector<64x2048xf32>
      %mul3A_70 = arith.mulf %mul3A_69, %dot_general3A_67 : vector<64x2048xf32>
      %sub3A_71 = vector.broadcast %get3A_65 : vector<1x2048xf32> to vector<64x2048xf32>
      %sub3A_72 = arith.subf %sub3A_71, %mul3A_70 : vector<64x2048xf32>
      %reduce_min3A = arith.constant dense<0x7F800000> : vector<64xf32>
      %reduce_min3A_73 = vector.multi_reduction <minimumf>, %sub3A_72, %reduce_min3A [1] : vector<64x2048xf32> to vector<64xf32>
      %broadcast_in_dim3A_74 = vector.shape_cast %reduce_min3A_73 : vector<64xf32> to vector<64x1xf32>
      %iota3A = tpu.iota {dimensions = array<i32: 1>} : vector<64x2048xi32>
      %eq3A = vector.broadcast %broadcast_in_dim3A_74 : vector<64x1xf32> to vector<64x2048xf32>
      %eq3A_75 = arith.cmpf oeq, %sub3A_72, %eq3A : vector<64x2048xf32>
      %jit3A = arith.constant 2048 : i32
      %broadcast_in_dim3A_76 = vector.broadcast %jit3A : i32 to vector<64x2048xi32>
      %select_n3A = arith.select %eq3A_75, %iota3A, %broadcast_in_dim3A_76 : vector<64x2048xi1>, vector<64x2048xi32>
      %reduce_min3A_77 = arith.constant dense<2147483647> : vector<64xi32>
      %reduce_min3A_78 = vector.multi_reduction <minsi>, %select_n3A, %reduce_min3A_77 [1] : vector<64x2048xi32> to vector<64xi32>
      %broadcast_in_dim3A_79 = vector.shape_cast %reduce_min3A_78 : vector<64xi32> to vector<64x1xi32>
      %mul3A_80 = arith.constant 2048 : i32
      %mul3A_81 = arith.muli %scan3A_53, %mul3A_80 : i32
      %add3A_82 = vector.broadcast %mul3A_81 : i32 to vector<64x1xi32>
      %add3A_83 = arith.addi %broadcast_in_dim3A_79, %add3A_82 : vector<64x1xi32>
      %lt3A = arith.cmpf olt, %broadcast_in_dim3A_74, %scan3A_54 : vector<64x1xf32>
      %select_n3A_84 = arith.select %lt3A, %broadcast_in_dim3A_74, %scan3A_54 : vector<64x1xi1>, vector<64x1xf32>
      %select_n3A_85 = arith.select %lt3A, %add3A_83, %scan3A_55 : vector<64x1xi1>, vector<64x1xi32>
      scf.yield %select_n3A_84, %select_n3A_85 : vector<64x1xf32>, vector<64x1xi32>
    }
    %scan3A_46 = arith.constant 4 : i32
    %squeeze3A = vector.shape_cast %scan3A_45#1 : vector<64x1xi32> to vector<64xi32>
    %swap3A_47 = arith.constant 0 : index
    %swap3A_48 = arith.constant 0 : index
    %swap3A_49 = arith.constant 0 : index
    %swap3A_50 = vector.load %arg8[%swap3A_47, %swap3A_48, %swap3A_49] : memref<1x1x64xi32, #tpu.memory_space<vmem>>, vector<1x1x64xi32>
    %swap3A_51 = vector.shape_cast %swap3A_50 : vector<1x1x64xi32> to vector<64xi32>
    %swap3A_52 = vector.shape_cast %squeeze3A : vector<64xi32> to vector<1x1x64xi32>
    tpu.vector_store %arg8[%swap3A_47, %swap3A_48, %swap3A_49], %swap3A_52 {strides = array<i32>} : memref<1x1x64xi32, #tpu.memory_space<vmem>>, vector<1x1x64xi32>,
    return
  }
  func.func @transform_0(%arg0: i32) -> (i32, i32, i32) {
    %c0_i32 = arith.constant 0 : i32
    %c0_i32_0 = arith.constant 0 : i32
    %c0_i32_1 = arith.constant 0 : i32
    return %arg0, %c0_i32, %c0_i32_0 : i32, i32, i32
  }
  func.func @transform_1(%arg0: i32) -> (i32, i32, i32) {
    %c0_i32 = arith.constant 0 : i32
    %c0_i32_0 = arith.constant 0 : i32
    %c0_i32_1 = arith.constant 0 : i32
    return %arg0, %c0_i32, %c0_i32_0 : i32, i32, i32
  }
  func.func @transform_2(%arg0: i32) -> (i32, i32, i32) {
    %c0_i32 = arith.constant 0 : i32
    %c0_i32_0 = arith.constant 0 : i32
    %c0_i32_1 = arith.constant 0 : i32
    return %arg0, %c0_i32, %c0_i32_0 : i32, i32, i32
  }
  func.func @transform_3(%arg0: i32) -> (i32, i32) {
    %c0_i32 = arith.constant 0 : i32
    %c0_i32_0 = arith.constant 0 : i32
    %c0_i32_1 = arith.constant 0 : i32
    return %c0_i32, %c0_i32_0 : i32, i32
  }
  func.func @transform_4(%arg0: i32) -> (i32, i32) {
    %c0_i32 = arith.constant 0 : i32
    %c0_i32_0 = arith.constant 0 : i32
    %c0_i32_1 = arith.constant 0 : i32
    return %c0_i32, %c0_i32_0 : i32, i32
  }
  func.func @transform_5(%arg0: i32) -> (i32, i32) {
    %c0_i32 = arith.constant 0 : i32
    %c0_i32_0 = arith.constant 0 : i32
    %c0_i32_1 = arith.constant 0 : i32
    return %c0_i32, %c0_i32_0 : i32, i32
  }
  func.func @transform_6(%arg0: i32) -> (i32, i32) {
    %c0_i32 = arith.constant 0 : i32
    %c0_i32_0 = arith.constant 0 : i32
    %c0_i32_1 = arith.constant 0 : i32
    return %c0_i32, %c0_i32_0 : i32, i32
  }
  func.func @transform_7(%arg0: i32) -> (i32, i32, i32) {
    %c0_i32 = arith.constant 0 : i32
    %c0_i32_0 = arith.constant 0 : i32
    %c0_i32_1 = arith.constant 0 : i32
    return %arg0, %c0_i32, %c0_i32_0 : i32, i32, i32
  }
  func.func @transform_8(%arg0: i32) -> (i32, i32, i32) {
    %c0_i32 = arith.constant 0 : i32
    %c0_i32_0 = arith.constant 0 : i32
    %c0_i32_1 = arith.constant 0 : i32
    return %arg0, %c0_i32, %c0_i32_0 : i32, i32, i32
  }
  func.func @transform_9(%arg0: i32) -> (i32, i32, i32) {
    %c0_i32 = arith.constant 0 : i32
    %c0_i32_0 = arith.constant 0 : i32
    %c0_i32_1 = arith.constant 0 : i32
    return %arg0, %c0_i32, %c0_i32_0 : i32, i32, i32
  }
}

module attributes {stable_mosaic.version = 14 : i64} {
  func.func @_up_body(%arg0: i32, %arg1: memref<1x64x96xf32, #tpu.memory_space<vmem>>, %arg2: memref<1x64x96xf32, #tpu.memory_space<vmem>>, %arg3: memref<128x64xf32, #tpu.memory_space<vmem>>, %arg4: memref<256x128xf32, #tpu.memory_space<vmem>>, %arg5: memref<1x256x96xf32, #tpu.memory_space<vmem>>, %arg6: memref<1x1xf32, #tpu.memory_space<vmem>>) attributes {dimension_semantics = [#tpu.dimension_semantics<arbitrary>], iteration_bounds = array<i64: 16>, scalar_prefetch = 0 : i64, scratch_operands = 0 : i64, tpu.core_type = #tpu.core_type<tc>, window_params = [{transform_indices = @transform_0, window_bounds = array<i64: 1, 64, 96>}, {transform_indices = @transform_1, window_bounds = array<i64: 1, 64, 96>}, {pipeline_mode = #tpu.pipeline_mode<synchronous>, transform_indices = @transform_2, window_bounds = array<i64: 128, 64>}, {pipeline_mode = #tpu.pipeline_mode<synchronous>, transform_indices = @transform_3, window_bounds = array<i64: 256, 128>}, {transform_indices = @transform_4, window_bounds = array<i64: 1, 256, 96>}, {pipeline_mode = #tpu.pipeline_mode<synchronous>, transform_indices = @transform_5, window_bounds = array<i64: 1, 1>}]} {
    %get3A = arith.constant 0 : index
    %get3A_0 = arith.constant 0 : index
    %get3A_1 = arith.constant 0 : index
    %get3A_2 = vector.load %arg1[%get3A, %get3A_0, %get3A_1] : memref<1x64x96xf32, #tpu.memory_space<vmem>>, vector<1x64x96xf32>
    %get3A_3 = vector.shape_cast %get3A_2 : vector<1x64x96xf32> to vector<64x96xf32>
    %get3A_4 = arith.constant 0 : index
    %get3A_5 = arith.constant 0 : index
    %get3A_6 = arith.constant 0 : index
    %get3A_7 = vector.load %arg2[%get3A_4, %get3A_5, %get3A_6] : memref<1x64x96xf32, #tpu.memory_space<vmem>>, vector<1x64x96xf32>
    %get3A_8 = vector.shape_cast %get3A_7 : vector<1x64x96xf32> to vector<64x96xf32>
    %sub3A = arith.subf %get3A_3, %get3A_8 : vector<64x96xf32>
    %mul3A = arith.mulf %sub3A, %sub3A : vector<64x96xf32>
    %reduce_sum3A = vector.shape_cast %mul3A : vector<64x96xf32> to vector<1x64x96xf32>
    %reduce_sum3A_9 = arith.constant dense<0.000000e+00> : vector<1xf32>
    %reduce_sum3A_10 = vector.multi_reduction <add>, %reduce_sum3A, %reduce_sum3A_9 [1, 2] : vector<1x64x96xf32> to vector<1xf32>
    %reduce_sum3A_11 = vector.shape_cast %reduce_sum3A_10 : vector<1xf32> to vector<1x1x1xf32>
    %reduce_sum3A_12 = vector.extract %reduce_sum3A_11[0, 0, 0] : f32 from vector<1x1x1xf32>
    %reshape3A = vector.broadcast %reduce_sum3A_12 : f32 to vector<1x1xf32>
    %eq3A = arith.constant 0 : i32
    %eq3A_13 = arith.cmpi eq, %arg0, %eq3A : i32
    %convert_element_type3A = arith.extui %eq3A_13 : i1 to i32
    %cond3A = arith.constant 0 : i32
    %cond3A_14 = arith.cmpi ne, %convert_element_type3A, %cond3A : i32
    scf.if %cond3A_14 {
      %broadcast_in_dim3A = arith.constant 0.000000e+00 : f32
      %broadcast_in_dim3A_37 = vector.broadcast %broadcast_in_dim3A : f32 to vector<1x1xf32>
      %swap3A_38 = arith.constant 0 : index
      %swap3A_39 = arith.constant 0 : index
      %swap3A_40 = vector.load %arg6[%swap3A_38, %swap3A_39] : memref<1x1xf32, #tpu.memory_space<vmem>>, vector<1x1xf32>
      tpu.vector_store %arg6[%swap3A_38, %swap3A_39], %broadcast_in_dim3A_37 {strides = array<i32>} : memref<1x1xf32, #tpu.memory_space<vmem>>, vector<1x1xf32>,
    } else {
    }
    %get3A_15 = arith.constant 0 : index
    %get3A_16 = arith.constant 0 : index
    %get3A_17 = vector.load %arg6[%get3A_15, %get3A_16] : memref<1x1xf32, #tpu.memory_space<vmem>>, vector<1x1xf32>
    %add3A = arith.addf %get3A_17, %reshape3A : vector<1x1xf32>
    %swap3A = arith.constant 0 : index
    %swap3A_18 = arith.constant 0 : index
    %swap3A_19 = vector.load %arg6[%swap3A, %swap3A_18] : memref<1x1xf32, #tpu.memory_space<vmem>>, vector<1x1xf32>
    tpu.vector_store %arg6[%swap3A, %swap3A_18], %add3A {strides = array<i32>} : memref<1x1xf32, #tpu.memory_space<vmem>>, vector<1x1xf32>,
    %sub3A_20 = arith.subf %get3A_3, %get3A_8 : vector<64x96xf32>
    %add3A_21 = arith.addf %get3A_8, %sub3A_20 : vector<64x96xf32>
    %get3A_22 = arith.constant 0 : index
    %get3A_23 = arith.constant 0 : index
    %get3A_24 = vector.load %arg3[%get3A_22, %get3A_23] : memref<128x64xf32, #tpu.memory_space<vmem>>, vector<128x64xf32>
    %dot_general3A = arith.constant dense<0.000000e+00> : vector<128x96xf32>
    %dot_general3A_25 = tpu.matmul %get3A_24, %add3A_21, %dot_general3A {dimension_numbers = #tpu.dot_dimension_numbers<[1], [0], [0], [1], [0, 0, 1, 1], [], []>, precision = #tpu.contract_precision<fp32>, transpose_lhs_hint = false} : vector<128x64xf32>, vector<64x96xf32>, vector<128x96xf32> -> vector<128x96xf32>
    %get3A_26 = arith.constant 0 : index
    %get3A_27 = arith.constant 0 : index
    %get3A_28 = vector.load %arg4[%get3A_26, %get3A_27] : memref<256x128xf32, #tpu.memory_space<vmem>>, vector<256x128xf32>
    %dot_general3A_29 = arith.constant dense<0.000000e+00> : vector<256x96xf32>
    %dot_general3A_30 = tpu.matmul %get3A_28, %dot_general3A_25, %dot_general3A_29 {dimension_numbers = #tpu.dot_dimension_numbers<[1], [0], [0], [1], [0, 0, 1, 1], [], []>, precision = #tpu.contract_precision<fp32>, transpose_lhs_hint = false} : vector<256x128xf32>, vector<128x96xf32>, vector<256x96xf32> -> vector<256x96xf32>
    %swap3A_31 = arith.constant 0 : index
    %swap3A_32 = arith.constant 0 : index
    %swap3A_33 = arith.constant 0 : index
    %swap3A_34 = vector.load %arg5[%swap3A_31, %swap3A_32, %swap3A_33] : memref<1x256x96xf32, #tpu.memory_space<vmem>>, vector<1x256x96xf32>
    %swap3A_35 = vector.shape_cast %swap3A_34 : vector<1x256x96xf32> to vector<256x96xf32>
    %swap3A_36 = vector.shape_cast %dot_general3A_30 : vector<256x96xf32> to vector<1x256x96xf32>
    tpu.vector_store %arg5[%swap3A_31, %swap3A_32, %swap3A_33], %swap3A_36 {strides = array<i32>} : memref<1x256x96xf32, #tpu.memory_space<vmem>>, vector<1x256x96xf32>,
    return
  }
  func.func @transform_0(%arg0: i32) -> (i32, i32, i32) {
    %c0_i32 = arith.constant 0 : i32
    %c0_i32_0 = arith.constant 0 : i32
    %c0_i32_1 = arith.constant 0 : i32
    return %arg0, %c0_i32, %c0_i32_0 : i32, i32, i32
  }
  func.func @transform_1(%arg0: i32) -> (i32, i32, i32) {
    %c0_i32 = arith.constant 0 : i32
    %c0_i32_0 = arith.constant 0 : i32
    %c0_i32_1 = arith.constant 0 : i32
    return %arg0, %c0_i32, %c0_i32_0 : i32, i32, i32
  }
  func.func @transform_2(%arg0: i32) -> (i32, i32) {
    %c0_i32 = arith.constant 0 : i32
    %c0_i32_0 = arith.constant 0 : i32
    %c0_i32_1 = arith.constant 0 : i32
    return %c0_i32, %c0_i32_0 : i32, i32
  }
  func.func @transform_3(%arg0: i32) -> (i32, i32) {
    %c0_i32 = arith.constant 0 : i32
    %c0_i32_0 = arith.constant 0 : i32
    %c0_i32_1 = arith.constant 0 : i32
    return %c0_i32, %c0_i32_0 : i32, i32
  }
  func.func @transform_4(%arg0: i32) -> (i32, i32, i32) {
    %c0_i32 = arith.constant 0 : i32
    %c0_i32_0 = arith.constant 0 : i32
    %c0_i32_1 = arith.constant 0 : i32
    return %arg0, %c0_i32, %c0_i32_0 : i32, i32, i32
  }
  func.func @transform_5(%arg0: i32) -> (i32, i32) {
    %c0_i32 = arith.constant 0 : i32
    %c0_i32_0 = arith.constant 0 : i32
    %c0_i32_1 = arith.constant 0 : i32
    return %c0_i32, %c0_i32_0 : i32, i32
  }
}

module attributes {stable_mosaic.version = 14 : i64} {
  func.func @_assign_body(%arg0: i32, %arg1: memref<1x256x96xf32, #tpu.memory_space<vmem>>, %arg2: memref<1x256x96xf32, #tpu.memory_space<vmem>>, %arg3: memref<1x256x96xf32, #tpu.memory_space<vmem>>, %arg4: memref<1x96xf32, #tpu.memory_space<vmem>>, %arg5: memref<256x256xf32, #tpu.memory_space<vmem>>, %arg6: memref<8192x96xf32, #tpu.memory_space<vmem>>, %arg7: memref<1x8192xf32, #tpu.memory_space<vmem>>, %arg8: memref<1x1x256xi32, #tpu.memory_space<vmem>>, %arg9: memref<1x256x96xf32, #tpu.memory_space<vmem>>, %arg10: memref<1x256x96xf32, #tpu.memory_space<vmem>>) attributes {dimension_semantics = [#tpu.dimension_semantics<arbitrary>], iteration_bounds = array<i64: 16>, scalar_prefetch = 0 : i64, scratch_operands = 0 : i64, tpu.core_type = #tpu.core_type<tc>, window_params = [{transform_indices = @transform_0, window_bounds = array<i64: 1, 256, 96>}, {transform_indices = @transform_1, window_bounds = array<i64: 1, 256, 96>}, {transform_indices = @transform_2, window_bounds = array<i64: 1, 256, 96>}, {pipeline_mode = #tpu.pipeline_mode<synchronous>, transform_indices = @transform_3, window_bounds = array<i64: 1, 96>}, {pipeline_mode = #tpu.pipeline_mode<synchronous>, transform_indices = @transform_4, window_bounds = array<i64: 256, 256>}, {pipeline_mode = #tpu.pipeline_mode<synchronous>, transform_indices = @transform_5, window_bounds = array<i64: 8192, 96>}, {pipeline_mode = #tpu.pipeline_mode<synchronous>, transform_indices = @transform_6, window_bounds = array<i64: 1, 8192>}, {transform_indices = @transform_7, window_bounds = array<i64: 1, 1, 256>}, {transform_indices = @transform_8, window_bounds = array<i64: 1, 256, 96>}, {transform_indices = @transform_9, window_bounds = array<i64: 1, 256, 96>}]} {
    %get3A = arith.constant 0 : index
    %get3A_0 = arith.constant 0 : index
    %get3A_1 = arith.constant 0 : index
    %get3A_2 = vector.load %arg2[%get3A, %get3A_0, %get3A_1] : memref<1x256x96xf32, #tpu.memory_space<vmem>>, vector<1x256x96xf32>
    %get3A_3 = vector.shape_cast %get3A_2 : vector<1x256x96xf32> to vector<256x96xf32>
    %mul3A = arith.constant 5.000000e-01 : f32
    %mul3A_4 = vector.broadcast %mul3A : f32 to vector<256x96xf32>
    %mul3A_5 = arith.mulf %mul3A_4, %get3A_3 : vector<256x96xf32>
    %get3A_6 = arith.constant 0 : index
    %get3A_7 = arith.constant 0 : index
    %get3A_8 = arith.constant 0 : index
    %get3A_9 = vector.load %arg3[%get3A_6, %get3A_7, %get3A_8] : memref<1x256x96xf32, #tpu.memory_space<vmem>>, vector<1x256x96xf32>
    %get3A_10 = vector.shape_cast %get3A_9 : vector<1x256x96xf32> to vector<256x96xf32>
    %get3A_11 = arith.constant 0 : index
    %get3A_12 = arith.constant 0 : index
    %get3A_13 = vector.load %arg4[%get3A_11, %get3A_12] : memref<1x96xf32, #tpu.memory_space<vmem>>, vector<1x96xf32>
    %add3A = vector.broadcast %get3A_13 : vector<1x96xf32> to vector<256x96xf32>
    %add3A_14 = arith.addf %get3A_10, %add3A : vector<256x96xf32>
    %mul3A_15 = arith.constant 5.000000e-01 : f32
    %mul3A_16 = vector.broadcast %mul3A_15 : f32 to vector<256x96xf32>
    %mul3A_17 = arith.mulf %mul3A_16, %add3A_14 : vector<256x96xf32>
    %add3A_18 = arith.addf %mul3A_5, %mul3A_17 : vector<256x96xf32>
    %get3A_19 = arith.constant 0 : index
    %get3A_20 = arith.constant 0 : index
    %get3A_21 = arith.constant 0 : index
    %get3A_22 = vector.load %arg1[%get3A_19, %get3A_20, %get3A_21] : memref<1x256x96xf32, #tpu.memory_space<vmem>>, vector<1x256x96xf32>
    %get3A_23 = vector.shape_cast %get3A_22 : vector<1x256x96xf32> to vector<256x96xf32>
    %sub3A = arith.subf %get3A_23, %add3A_18 : vector<256x96xf32>
    %swap3A = arith.constant 0 : index
    %swap3A_24 = arith.constant 0 : index
    %swap3A_25 = arith.constant 0 : index
    %swap3A_26 = vector.load %arg10[%swap3A, %swap3A_24, %swap3A_25] : memref<1x256x96xf32, #tpu.memory_space<vmem>>, vector<1x256x96xf32>
    %swap3A_27 = vector.shape_cast %swap3A_26 : vector<1x256x96xf32> to vector<256x96xf32>
    %swap3A_28 = vector.shape_cast %sub3A : vector<256x96xf32> to vector<1x256x96xf32>
    tpu.vector_store %arg10[%swap3A, %swap3A_24, %swap3A_25], %swap3A_28 {strides = array<i32>} : memref<1x256x96xf32, #tpu.memory_space<vmem>>, vector<1x256x96xf32>,
    %swap3A_29 = arith.constant 0 : index
    %swap3A_30 = arith.constant 0 : index
    %swap3A_31 = arith.constant 0 : index
    %swap3A_32 = vector.load %arg9[%swap3A_29, %swap3A_30, %swap3A_31] : memref<1x256x96xf32, #tpu.memory_space<vmem>>, vector<1x256x96xf32>
    %swap3A_33 = vector.shape_cast %swap3A_32 : vector<1x256x96xf32> to vector<256x96xf32>
    %swap3A_34 = vector.shape_cast %sub3A : vector<256x96xf32> to vector<1x256x96xf32>
    tpu.vector_store %arg9[%swap3A_29, %swap3A_30, %swap3A_31], %swap3A_34 {strides = array<i32>} : memref<1x256x96xf32, #tpu.memory_space<vmem>>, vector<1x256x96xf32>,
    %broadcast_in_dim3A = arith.constant 0x7F800000 : f32
    %broadcast_in_dim3A_35 = vector.broadcast %broadcast_in_dim3A : f32 to vector<256x1xf32>
    %broadcast_in_dim3A_36 = arith.constant 0 : i32
    %broadcast_in_dim3A_37 = vector.broadcast %broadcast_in_dim3A_36 : i32 to vector<256x1xi32>
    %scan3A = arith.constant 0 : i32
    %scan3A_38 = arith.constant 4 : i32
    %scan3A_39 = arith.addi %scan3A, %scan3A_38 : i32
    %scan3A_40 = arith.constant 1 : i32
    %scan3A_41:2 = scf.for %scan3A_49 = %scan3A to %scan3A_39 step %scan3A_40 iter_args(%scan3A_50 = %broadcast_in_dim3A_35, %scan3A_51 = %broadcast_in_dim3A_37) -> (vector<256x1xf32>, vector<256x1xi32>)  : i32 {
      %mul3A_52 = arith.constant 2048 : i32
      %mul3A_53 = arith.muli %scan3A_49, %mul3A_52 : i32
      %get3A_54 = arith.index_cast %mul3A_53 : i32 to index
      %get3A_55 = arith.constant 0 : index
      %get3A_56 = vector.load %arg6[%get3A_54, %get3A_55] : memref<8192x96xf32, #tpu.memory_space<vmem>>, vector<2048x96xf32>
      %mul3A_57 = arith.constant 2048 : i32
      %mul3A_58 = arith.muli %scan3A_49, %mul3A_57 : i32
      %get3A_59 = arith.constant 0 : index
      %get3A_60 = arith.index_cast %mul3A_58 : i32 to index
      %get3A_61 = vector.load %arg7[%get3A_59, %get3A_60] : memref<1x8192xf32, #tpu.memory_space<vmem>>, vector<1x2048xf32>
      %dot_general3A = arith.constant dense<0.000000e+00> : vector<256x2048xf32>
      %dot_general3A_62 = tpu.matmul %sub3A, %get3A_56, %dot_general3A {dimension_numbers = #tpu.dot_dimension_numbers<[1], [1], [0], [0], [0, 0, 1, 0], [], []>, transpose_lhs_hint = false} : vector<256x96xf32>, vector<2048x96xf32>, vector<256x2048xf32> -> vector<256x2048xf32>
      %mul3A_63 = arith.constant 2.000000e+00 : f32
      %mul3A_64 = vector.broadcast %mul3A_63 : f32 to vector<256x2048xf32>
      %mul3A_65 = arith.mulf %mul3A_64, %dot_general3A_62 : vector<256x2048xf32>
      %sub3A_66 = vector.broadcast %get3A_61 : vector<1x2048xf32> to vector<256x2048xf32>
      %sub3A_67 = arith.subf %sub3A_66, %mul3A_65 : vector<256x2048xf32>
      %reduce_min3A = arith.constant dense<0x7F800000> : vector<256xf32>
      %reduce_min3A_68 = vector.multi_reduction <minimumf>, %sub3A_67, %reduce_min3A [1] : vector<256x2048xf32> to vector<256xf32>
      %broadcast_in_dim3A_69 = vector.shape_cast %reduce_min3A_68 : vector<256xf32> to vector<256x1xf32>
      %iota3A = tpu.iota {dimensions = array<i32: 1>} : vector<256x2048xi32>
      %eq3A = vector.broadcast %broadcast_in_dim3A_69 : vector<256x1xf32> to vector<256x2048xf32>
      %eq3A_70 = arith.cmpf oeq, %sub3A_67, %eq3A : vector<256x2048xf32>
      %jit3A = arith.constant 2048 : i32
      %broadcast_in_dim3A_71 = vector.broadcast %jit3A : i32 to vector<256x2048xi32>
      %select_n3A = arith.select %eq3A_70, %iota3A, %broadcast_in_dim3A_71 : vector<256x2048xi1>, vector<256x2048xi32>
      %reduce_min3A_72 = arith.constant dense<2147483647> : vector<256xi32>
      %reduce_min3A_73 = vector.multi_reduction <minsi>, %select_n3A, %reduce_min3A_72 [1] : vector<256x2048xi32> to vector<256xi32>
      %broadcast_in_dim3A_74 = vector.shape_cast %reduce_min3A_73 : vector<256xi32> to vector<256x1xi32>
      %mul3A_75 = arith.constant 2048 : i32
      %mul3A_76 = arith.muli %scan3A_49, %mul3A_75 : i32
      %add3A_77 = vector.broadcast %mul3A_76 : i32 to vector<256x1xi32>
      %add3A_78 = arith.addi %broadcast_in_dim3A_74, %add3A_77 : vector<256x1xi32>
      %lt3A = arith.cmpf olt, %broadcast_in_dim3A_69, %scan3A_50 : vector<256x1xf32>
      %select_n3A_79 = arith.select %lt3A, %broadcast_in_dim3A_69, %scan3A_50 : vector<256x1xi1>, vector<256x1xf32>
      %select_n3A_80 = arith.select %lt3A, %add3A_78, %scan3A_51 : vector<256x1xi1>, vector<256x1xi32>
      scf.yield %select_n3A_79, %select_n3A_80 : vector<256x1xf32>, vector<256x1xi32>
    }
    %scan3A_42 = arith.constant 4 : i32
    %squeeze3A = vector.shape_cast %scan3A_41#1 : vector<256x1xi32> to vector<256xi32>
    %swap3A_43 = arith.constant 0 : index
    %swap3A_44 = arith.constant 0 : index
    %swap3A_45 = arith.constant 0 : index
    %swap3A_46 = vector.load %arg8[%swap3A_43, %swap3A_44, %swap3A_45] : memref<1x1x256xi32, #tpu.memory_space<vmem>>, vector<1x1x256xi32>
    %swap3A_47 = vector.shape_cast %swap3A_46 : vector<1x1x256xi32> to vector<256xi32>
    %swap3A_48 = vector.shape_cast %squeeze3A : vector<256xi32> to vector<1x1x256xi32>
    tpu.vector_store %arg8[%swap3A_43, %swap3A_44, %swap3A_45], %swap3A_48 {strides = array<i32>} : memref<1x1x256xi32, #tpu.memory_space<vmem>>, vector<1x1x256xi32>,
    return
  }
  func.func @transform_0(%arg0: i32) -> (i32, i32, i32) {
    %c0_i32 = arith.constant 0 : i32
    %c0_i32_0 = arith.constant 0 : i32
    %c0_i32_1 = arith.constant 0 : i32
    return %arg0, %c0_i32, %c0_i32_0 : i32, i32, i32
  }
  func.func @transform_1(%arg0: i32) -> (i32, i32, i32) {
    %c0_i32 = arith.constant 0 : i32
    %c0_i32_0 = arith.constant 0 : i32
    %c0_i32_1 = arith.constant 0 : i32
    return %arg0, %c0_i32, %c0_i32_0 : i32, i32, i32
  }
  func.func @transform_2(%arg0: i32) -> (i32, i32, i32) {
    %c0_i32 = arith.constant 0 : i32
    %c0_i32_0 = arith.constant 0 : i32
    %c0_i32_1 = arith.constant 0 : i32
    return %arg0, %c0_i32, %c0_i32_0 : i32, i32, i32
  }
  func.func @transform_3(%arg0: i32) -> (i32, i32) {
    %c0_i32 = arith.constant 0 : i32
    %c0_i32_0 = arith.constant 0 : i32
    %c0_i32_1 = arith.constant 0 : i32
    return %c0_i32, %c0_i32_0 : i32, i32
  }
  func.func @transform_4(%arg0: i32) -> (i32, i32) {
    %c0_i32 = arith.constant 0 : i32
    %c0_i32_0 = arith.constant 0 : i32
    %c0_i32_1 = arith.constant 0 : i32
    return %c0_i32, %c0_i32_0 : i32, i32
  }
  func.func @transform_5(%arg0: i32) -> (i32, i32) {
    %c0_i32 = arith.constant 0 : i32
    %c0_i32_0 = arith.constant 0 : i32
    %c0_i32_1 = arith.constant 0 : i32
    return %c0_i32, %c0_i32_0 : i32, i32
  }
  func.func @transform_6(%arg0: i32) -> (i32, i32) {
    %c0_i32 = arith.constant 0 : i32
    %c0_i32_0 = arith.constant 0 : i32
    %c0_i32_1 = arith.constant 0 : i32
    return %c0_i32, %c0_i32_0 : i32, i32
  }
  func.func @transform_7(%arg0: i32) -> (i32, i32, i32) {
    %c0_i32 = arith.constant 0 : i32
    %c0_i32_0 = arith.constant 0 : i32
    %c0_i32_1 = arith.constant 0 : i32
    return %arg0, %c0_i32, %c0_i32_0 : i32, i32, i32
  }
  func.func @transform_8(%arg0: i32) -> (i32, i32, i32) {
    %c0_i32 = arith.constant 0 : i32
    %c0_i32_0 = arith.constant 0 : i32
    %c0_i32_1 = arith.constant 0 : i32
    return %arg0, %c0_i32, %c0_i32_0 : i32, i32, i32
  }
  func.func @transform_9(%arg0: i32) -> (i32, i32, i32) {
    %c0_i32 = arith.constant 0 : i32
    %c0_i32_0 = arith.constant 0 : i32
    %c0_i32_1 = arith.constant 0 : i32
    return %arg0, %c0_i32, %c0_i32_0 : i32, i32, i32
  }
}

module attributes {stable_mosaic.version = 14 : i64} {
  func.func @_up_body(%arg0: i32, %arg1: memref<1x256x96xf32, #tpu.memory_space<vmem>>, %arg2: memref<1x256x96xf32, #tpu.memory_space<vmem>>, %arg3: memref<1x256x96xf32, #tpu.memory_space<vmem>>, %arg4: memref<1x1xf32, #tpu.memory_space<vmem>>) attributes {dimension_semantics = [#tpu.dimension_semantics<arbitrary>], iteration_bounds = array<i64: 16>, scalar_prefetch = 0 : i64, scratch_operands = 0 : i64, tpu.core_type = #tpu.core_type<tc>, window_params = [{transform_indices = @transform_0, window_bounds = array<i64: 1, 256, 96>}, {transform_indices = @transform_1, window_bounds = array<i64: 1, 256, 96>}, {transform_indices = @transform_2, window_bounds = array<i64: 1, 256, 96>}, {pipeline_mode = #tpu.pipeline_mode<synchronous>, transform_indices = @transform_3, window_bounds = array<i64: 1, 1>}]} {
    %get3A = arith.constant 0 : index
    %get3A_0 = arith.constant 0 : index
    %get3A_1 = arith.constant 0 : index
    %get3A_2 = vector.load %arg1[%get3A, %get3A_0, %get3A_1] : memref<1x256x96xf32, #tpu.memory_space<vmem>>, vector<1x256x96xf32>
    %get3A_3 = vector.shape_cast %get3A_2 : vector<1x256x96xf32> to vector<256x96xf32>
    %get3A_4 = arith.constant 0 : index
    %get3A_5 = arith.constant 0 : index
    %get3A_6 = arith.constant 0 : index
    %get3A_7 = vector.load %arg2[%get3A_4, %get3A_5, %get3A_6] : memref<1x256x96xf32, #tpu.memory_space<vmem>>, vector<1x256x96xf32>
    %get3A_8 = vector.shape_cast %get3A_7 : vector<1x256x96xf32> to vector<256x96xf32>
    %sub3A = arith.subf %get3A_3, %get3A_8 : vector<256x96xf32>
    %mul3A = arith.mulf %sub3A, %sub3A : vector<256x96xf32>
    %reduce_sum3A = vector.shape_cast %mul3A : vector<256x96xf32> to vector<1x256x96xf32>
    %reduce_sum3A_9 = arith.constant dense<0.000000e+00> : vector<1xf32>
    %reduce_sum3A_10 = vector.multi_reduction <add>, %reduce_sum3A, %reduce_sum3A_9 [1, 2] : vector<1x256x96xf32> to vector<1xf32>
    %reduce_sum3A_11 = vector.shape_cast %reduce_sum3A_10 : vector<1xf32> to vector<1x1x1xf32>
    %reduce_sum3A_12 = vector.extract %reduce_sum3A_11[0, 0, 0] : f32 from vector<1x1x1xf32>
    %reshape3A = vector.broadcast %reduce_sum3A_12 : f32 to vector<1x1xf32>
    %eq3A = arith.constant 0 : i32
    %eq3A_13 = arith.cmpi eq, %arg0, %eq3A : i32
    %convert_element_type3A = arith.extui %eq3A_13 : i1 to i32
    %cond3A = arith.constant 0 : i32
    %cond3A_14 = arith.cmpi ne, %convert_element_type3A, %cond3A : i32
    scf.if %cond3A_14 {
      %broadcast_in_dim3A = arith.constant 0.000000e+00 : f32
      %broadcast_in_dim3A_28 = vector.broadcast %broadcast_in_dim3A : f32 to vector<1x1xf32>
      %swap3A_29 = arith.constant 0 : index
      %swap3A_30 = arith.constant 0 : index
      %swap3A_31 = vector.load %arg4[%swap3A_29, %swap3A_30] : memref<1x1xf32, #tpu.memory_space<vmem>>, vector<1x1xf32>
      tpu.vector_store %arg4[%swap3A_29, %swap3A_30], %broadcast_in_dim3A_28 {strides = array<i32>} : memref<1x1xf32, #tpu.memory_space<vmem>>, vector<1x1xf32>,
    } else {
    }
    %get3A_15 = arith.constant 0 : index
    %get3A_16 = arith.constant 0 : index
    %get3A_17 = vector.load %arg4[%get3A_15, %get3A_16] : memref<1x1xf32, #tpu.memory_space<vmem>>, vector<1x1xf32>
    %add3A = arith.addf %get3A_17, %reshape3A : vector<1x1xf32>
    %swap3A = arith.constant 0 : index
    %swap3A_18 = arith.constant 0 : index
    %swap3A_19 = vector.load %arg4[%swap3A, %swap3A_18] : memref<1x1xf32, #tpu.memory_space<vmem>>, vector<1x1xf32>
    tpu.vector_store %arg4[%swap3A, %swap3A_18], %add3A {strides = array<i32>} : memref<1x1xf32, #tpu.memory_space<vmem>>, vector<1x1xf32>,
    %sub3A_20 = arith.subf %get3A_3, %get3A_8 : vector<256x96xf32>
    %add3A_21 = arith.addf %get3A_8, %sub3A_20 : vector<256x96xf32>
    %swap3A_22 = arith.constant 0 : index
    %swap3A_23 = arith.constant 0 : index
    %swap3A_24 = arith.constant 0 : index
    %swap3A_25 = vector.load %arg3[%swap3A_22, %swap3A_23, %swap3A_24] : memref<1x256x96xf32, #tpu.memory_space<vmem>>, vector<1x256x96xf32>
    %swap3A_26 = vector.shape_cast %swap3A_25 : vector<1x256x96xf32> to vector<256x96xf32>
    %swap3A_27 = vector.shape_cast %add3A_21 : vector<256x96xf32> to vector<1x256x96xf32>
    tpu.vector_store %arg3[%swap3A_22, %swap3A_23, %swap3A_24], %swap3A_27 {strides = array<i32>} : memref<1x256x96xf32, #tpu.memory_space<vmem>>, vector<1x256x96xf32>,
    return
  }
  func.func @transform_0(%arg0: i32) -> (i32, i32, i32) {
    %c0_i32 = arith.constant 0 : i32
    %c0_i32_0 = arith.constant 0 : i32
    %c0_i32_1 = arith.constant 0 : i32
    return %arg0, %c0_i32, %c0_i32_0 : i32, i32, i32
  }
  func.func @transform_1(%arg0: i32) -> (i32, i32, i32) {
    %c0_i32 = arith.constant 0 : i32
    %c0_i32_0 = arith.constant 0 : i32
    %c0_i32_1 = arith.constant 0 : i32
    return %arg0, %c0_i32, %c0_i32_0 : i32, i32, i32
  }
  func.func @transform_2(%arg0: i32) -> (i32, i32, i32) {
    %c0_i32 = arith.constant 0 : i32
    %c0_i32_0 = arith.constant 0 : i32
    %c0_i32_1 = arith.constant 0 : i32
    return %arg0, %c0_i32, %c0_i32_0 : i32, i32, i32
  }
  func.func @transform_3(%arg0: i32) -> (i32, i32) {
    %c0_i32 = arith.constant 0 : i32
    %c0_i32_0 = arith.constant 0 : i32
    %c0_i32_1 = arith.constant 0 : i32
    return %c0_i32, %c0_i32_0 : i32, i32
  }
}

module attributes {stable_mosaic.version = 14 : i64} {
  func.func @_mix_body(%arg0: i32, %arg1: memref<1x256x96xf32, #tpu.memory_space<vmem>>, %arg2: memref<1x256x96xf32, #tpu.memory_space<vmem>>, %arg3: memref<1x256x96xf32, #tpu.memory_space<vmem>>, %arg4: memref<1x96xf32, #tpu.memory_space<vmem>>, %arg5: memref<1x256x96xf32, #tpu.memory_space<vmem>>, %arg6: memref<1x256x96xf32, #tpu.memory_space<vmem>>, %arg7: memref<1x256x96xf32, #tpu.memory_space<vmem>>) attributes {dimension_semantics = [#tpu.dimension_semantics<arbitrary>], iteration_bounds = array<i64: 16>, scalar_prefetch = 0 : i64, scratch_operands = 0 : i64, tpu.core_type = #tpu.core_type<tc>, window_params = [{transform_indices = @transform_0, window_bounds = array<i64: 1, 256, 96>}, {transform_indices = @transform_1, window_bounds = array<i64: 1, 256, 96>}, {transform_indices = @transform_2, window_bounds = array<i64: 1, 256, 96>}, {pipeline_mode = #tpu.pipeline_mode<synchronous>, transform_indices = @transform_3, window_bounds = array<i64: 1, 96>}, {transform_indices = @transform_4, window_bounds = array<i64: 1, 256, 96>}, {transform_indices = @transform_5, window_bounds = array<i64: 1, 256, 96>}, {transform_indices = @transform_6, window_bounds = array<i64: 1, 256, 96>}]} {
    %get3A = arith.constant 0 : index
    %get3A_0 = arith.constant 0 : index
    %get3A_1 = arith.constant 0 : index
    %get3A_2 = vector.load %arg1[%get3A, %get3A_0, %get3A_1] : memref<1x256x96xf32, #tpu.memory_space<vmem>>, vector<1x256x96xf32>
    %get3A_3 = vector.shape_cast %get3A_2 : vector<1x256x96xf32> to vector<256x96xf32>
    %mul3A = arith.constant 5.000000e-01 : f32
    %mul3A_4 = vector.broadcast %mul3A : f32 to vector<256x96xf32>
    %mul3A_5 = arith.mulf %mul3A_4, %get3A_3 : vector<256x96xf32>
    %get3A_6 = arith.constant 0 : index
    %get3A_7 = arith.constant 0 : index
    %get3A_8 = arith.constant 0 : index
    %get3A_9 = vector.load %arg2[%get3A_6, %get3A_7, %get3A_8] : memref<1x256x96xf32, #tpu.memory_space<vmem>>, vector<1x256x96xf32>
    %get3A_10 = vector.shape_cast %get3A_9 : vector<1x256x96xf32> to vector<256x96xf32>
    %get3A_11 = arith.constant 0 : index
    %get3A_12 = arith.constant 0 : index
    %get3A_13 = vector.load %arg4[%get3A_11, %get3A_12] : memref<1x96xf32, #tpu.memory_space<vmem>>, vector<1x96xf32>
    %add3A = vector.broadcast %get3A_13 : vector<1x96xf32> to vector<256x96xf32>
    %add3A_14 = arith.addf %get3A_10, %add3A : vector<256x96xf32>
    %mul3A_15 = arith.constant 5.000000e-01 : f32
    %mul3A_16 = vector.broadcast %mul3A_15 : f32 to vector<256x96xf32>
    %mul3A_17 = arith.mulf %mul3A_16, %add3A_14 : vector<256x96xf32>
    %add3A_18 = arith.addf %mul3A_5, %mul3A_17 : vector<256x96xf32>
    %get3A_19 = arith.constant 0 : index
    %get3A_20 = arith.constant 0 : index
    %get3A_21 = arith.constant 0 : index
    %get3A_22 = vector.load %arg3[%get3A_19, %get3A_20, %get3A_21] : memref<1x256x96xf32, #tpu.memory_space<vmem>>, vector<1x256x96xf32>
    %get3A_23 = vector.shape_cast %get3A_22 : vector<1x256x96xf32> to vector<256x96xf32>
    %sub3A = arith.subf %get3A_23, %add3A_18 : vector<256x96xf32>
    %swap3A = arith.constant 0 : index
    %swap3A_24 = arith.constant 0 : index
    %swap3A_25 = arith.constant 0 : index
    %swap3A_26 = vector.load %arg6[%swap3A, %swap3A_24, %swap3A_25] : memref<1x256x96xf32, #tpu.memory_space<vmem>>, vector<1x256x96xf32>
    %swap3A_27 = vector.shape_cast %swap3A_26 : vector<1x256x96xf32> to vector<256x96xf32>
    %swap3A_28 = vector.shape_cast %sub3A : vector<256x96xf32> to vector<1x256x96xf32>
    tpu.vector_store %arg6[%swap3A, %swap3A_24, %swap3A_25], %swap3A_28 {strides = array<i32>} : memref<1x256x96xf32, #tpu.memory_space<vmem>>, vector<1x256x96xf32>,
    %get3A_29 = arith.constant 0 : index
    %get3A_30 = arith.constant 0 : index
    %get3A_31 = arith.constant 0 : index
    %get3A_32 = vector.load %arg5[%get3A_29, %get3A_30, %get3A_31] : memref<1x256x96xf32, #tpu.memory_space<vmem>>, vector<1x256x96xf32>
    %get3A_33 = vector.shape_cast %get3A_32 : vector<1x256x96xf32> to vector<256x96xf32>
    %sub3A_34 = arith.subf %get3A_33, %sub3A : vector<256x96xf32>
    %swap3A_35 = arith.constant 0 : index
    %swap3A_36 = arith.constant 0 : index
    %swap3A_37 = arith.constant 0 : index
    %swap3A_38 = vector.load %arg7[%swap3A_35, %swap3A_36, %swap3A_37] : memref<1x256x96xf32, #tpu.memory_space<vmem>>, vector<1x256x96xf32>
    %swap3A_39 = vector.shape_cast %swap3A_38 : vector<1x256x96xf32> to vector<256x96xf32>
    %swap3A_40 = vector.shape_cast %sub3A_34 : vector<256x96xf32> to vector<1x256x96xf32>
    tpu.vector_store %arg7[%swap3A_35, %swap3A_36, %swap3A_37], %swap3A_40 {strides = array<i32>} : memref<1x256x96xf32, #tpu.memory_space<vmem>>, vector<1x256x96xf32>,
    return
  }
  func.func @transform_0(%arg0: i32) -> (i32, i32, i32) {
    %c0_i32 = arith.constant 0 : i32
    %c0_i32_0 = arith.constant 0 : i32
    %c0_i32_1 = arith.constant 0 : i32
    return %arg0, %c0_i32, %c0_i32_0 : i32, i32, i32
  }
  func.func @transform_1(%arg0: i32) -> (i32, i32, i32) {
    %c0_i32 = arith.constant 0 : i32
    %c0_i32_0 = arith.constant 0 : i32
    %c0_i32_1 = arith.constant 0 : i32
    return %arg0, %c0_i32, %c0_i32_0 : i32, i32, i32
  }
  func.func @transform_2(%arg0: i32) -> (i32, i32, i32) {
    %c0_i32 = arith.constant 0 : i32
    %c0_i32_0 = arith.constant 0 : i32
    %c0_i32_1 = arith.constant 0 : i32
    return %arg0, %c0_i32, %c0_i32_0 : i32, i32, i32
  }
  func.func @transform_3(%arg0: i32) -> (i32, i32) {
    %c0_i32 = arith.constant 0 : i32
    %c0_i32_0 = arith.constant 0 : i32
    %c0_i32_1 = arith.constant 0 : i32
    return %c0_i32, %c0_i32_0 : i32, i32
  }
  func.func @transform_4(%arg0: i32) -> (i32, i32, i32) {
    %c0_i32 = arith.constant 0 : i32
    %c0_i32_0 = arith.constant 0 : i32
    %c0_i32_1 = arith.constant 0 : i32
    return %arg0, %c0_i32, %c0_i32_0 : i32, i32, i32
  }
  func.func @transform_5(%arg0: i32) -> (i32, i32, i32) {
    %c0_i32 = arith.constant 0 : i32
    %c0_i32_0 = arith.constant 0 : i32
    %c0_i32_1 = arith.constant 0 : i32
    return %arg0, %c0_i32, %c0_i32_0 : i32, i32, i32
  }
  func.func @transform_6(%arg0: i32) -> (i32, i32, i32) {
    %c0_i32 = arith.constant 0 : i32
    %c0_i32_0 = arith.constant 0 : i32
    %c0_i32_1 = arith.constant 0 : i32
    return %arg0, %c0_i32, %c0_i32_0 : i32, i32, i32
  }
}

</mosaic_0001>

<sc_bundles>
// kernel: kernel.18.cloned.1.call-start
scs
__scs_entry_jumppad:
0x0: {  	(pc) =	sbr.rel $0x88, $3  }
0x1: {  	(tag) =	ssettag $0x0;
	lr =	simm.s32 $0x1  }
0x2: {  	[smem:$0x3F9D] =	sst lr;
	_ =	strace $0xD0000000  }
0x3: {  	_ = 	snop  }
0x4: {  	_ = 	snop  }
0x5: {  	_ = 	snop  }
0x6: {  	_ = 	snop  }
0x7: {  	_ = 	snop  }
__scs_overlays_trampoline_lowered:
0x8: {  	[smem:$0x3FAC] =	sst s0  }
0x9: {  	[smem:$0x3FAD] =	sst s1  }
0xa: {  	[smem:$0x3FAE] =	sst s2  }
0xb: {  	[smem:$0x3FAF] =	sst s3  }
0xc: {  	[smem:$0x3FB0] =	sst s4  }
0xd: {  	[smem:$0x3FB1] =	sst s5  }
0xe: {  	[smem:$0x3FB2] =	sst s6  }
0xf: {  	[smem:$0x3FB3] =	sst s7  }
0x10: {  	[smem:$0x3FB4] =	sst s8  }
0x11: {  	[smem:$0x3FB5] =	sst s9;
	s0 =	simm.s32 @!p0 $0x0  }
0x12: {  	s1 =	sld [smem:$0x3F9B];
	s0 =	simm.s32 @p0 $0x1  }
0x13: {  	[smem:$0x3FB6] =	sst s0;
	s0 =	simm.s32 @!p1 $0x0  }
0x14: {  	s2 =	sld [smem:$0x3F9A];
	s0 =	simm.s32 @p1 $0x1  }
0x15: {  	[smem:$0x3FB7] =	sst s0;
	s0 =	simm.s32 @!p2 $0x0  }
0x16: {  	s3 =	sld [smem:$0x3FDB];
	s0 =	simm.s32 @p2 $0x1  }
0x17: {  	s4 =	simm.s32 $0x1BF5;
	[smem:$0x3FB9] =	sst s0  }
0x18: {  	s0 =	sld [smem:$0x3F9C];
	_ =	swait.ge [sflag:s4], $0x0  }
0x19: {  	s7 =	sld [smem:$0x3F9D]  }
0x1a: {  	s8 =	sadd.s32 $0xFFFFE003, lr  }
0x1b: {  	s9 =	sadd.s32 $0xFFFFFEF7, lr;
	s5 =	simm.s32 $0xFFFFFFFF;
	p2 =	slt.u32 s8, $0xFFFFF086  }
0x1c: {  	p1 =	slt.u32 s9, $0xF7A;
	s5 =	simm.s32 @!p2 $0x0  }
0x1d: {  	s5 =	simm.s32 @p1 $0x1;
	p0 =	seq.s32 s7, s2  }
0x1e: {  	s7 =	smul.u32 @!p0 $0xF7A, s2;
	p2 =	seq.s32 @!p0 s5, $0x0  }
0x1f: {  	s9 =	smul.u32 $0xF7A, s1;
	s8 =	simm.s32 @!p0 $0x1BF5;
	p2 =	por !p2, p0  }
0x20: {  	[sflag:s8] =	ssyncset.s32 @!p0 $0xFFFFF086;
	s6 =	sadd.s32 @!p0 s3, s7;
	s7 =	simm.s32 @!p0 $0x108  }
0x21: {  	s3 =	sadd.s32 s3, s9;
	s6 =	sadd.s32 @!p0 $0x88, s6;
	s7 =	simm.s32 @p2 $0x1082  }
0x22: {  	[simem:s7], [sflag:s8] =	dma.local @!p0 [hbm:s6], $0xF7A  }
0x23: {  	s9 =	sor.u32 $0xD0000000, s2;
	s6 =	simm.s32 $0x108;
	_ =	swait.ge @!p0 [sflag:s8], $0x0  }
0x24: {  	s3 =	sadd.s32 $0x88, s3;
	s6 =	simm.s32 @!p1 $0x1082;
	[sflag:s4] =	ssyncset.s32 $0xFFFFF086  }
0x25: {  	[simem:s6], [sflag:s4] =	dma.local [hbm:s3], $0xF7A  }
0x26: {  	[smem:$0x3F9D] =	sst s1;
	(tag) =	ssettag s2;
	_ =	strace s9  }
0x27: {  	s1 =	sld [smem:$0x3FAD]  }
0x28: {  	s2 =	sld [smem:$0x3FAE]  }
0x29: {  	s4 =	sld [smem:$0x3FB0]  }
0x2a: {  	p0 =	seq.s32 s5, $0x0;
	s5 =	sld [smem:$0x3FB1]  }
0x2b: {  	s6 =	sld [smem:$0x3FB2]  }
0x2c: {  	s7 =	sld [smem:$0x3FB3]  }
0x2d: {  	s3 =	simm.s32 $0x108;
	s8 =	sld [smem:$0x3FB4]  }
0x2e: {  	s3 =	simm.s32 @!p0 $0x1082;
	s9 =	sld [smem:$0x3FB5]  }
0x2f: {  	lr =	sadd.s32 s0, s3;
	s0 =	sld [smem:$0x3FAC]  }
0x30: {  	s3 =	sld [smem:$0x3FAF]  }
0x31: {  	[smem:$0x3FB8] =	sst s10  }
0x32: {  	s10 =	sld [smem:$0x3FB6];
	_ =	sdelay $0x3  }
0x33: {  	p0 =	seq.s32 s10, $0x1;
	s10 =	sld [smem:$0x3FB8];
	_ =	sdelay $0x3  }
0x34: {  	[smem:$0x3FB8] =	sst s10  }
0x35: {  	s10 =	sld [smem:$0x3FB7];
	_ =	sdelay $0x3  }
0x36: {  	p1 =	seq.s32 s10, $0x1;
	s10 =	sld [smem:$0x3FB8];
	_ =	sdelay $0x3  }
0x37: {  	[smem:$0x3FB8] =	sst s10  }
0x38: {  	s10 =	sld [smem:$0x3FB9]  }
0x39: {  	_ = 	snop;
	(pc) =	sbr.ind lr, $3  }
0x3a: {  	_ = 	snop  }
0x3b: {  	_ = 	snop  }
0x3c: {  	p2 =	seq.s32 s10, $0x1;
	s10 =	sld [smem:$0x3FB8]  }
0x3d: {  	_ =	shalt  }
0x3e: {  	_ =	shalt  }
0x3f: {  	_ =	shalt  }
0x40: {  	_ =	shalt  }
0x41: {  	_ =	shalt  }
0x42: {  	_ =	shalt  }
0x43: {  	_ =	shalt  }
0x44: {  	_ =	shalt  }
0x45: {  	_ =	shalt  }
0x46: {  	_ =	shalt  }
0x47: {  	_ =	shalt  }
0x48: {  	_ =	shalt  }
0x49: {  	_ =	shalt  }
0x4a: {  	_ =	shalt  }
0x4b: {  	_ =	shalt  }
0x4c: {  	_ =	shalt  }
0x4d: {  	_ =	shalt  }
0x4e: {  	_ =	shalt  }
0x4f: {  	_ =	shalt  }
0x50: {  	_ =	shalt  }
0x51: {  	_ =	shalt  }
0x52: {  	_ =	shalt  }
0x53: {  	_ =	shalt  }
0x54: {  	_ =	shalt  }
0x55: {  	_ =	shalt  }
0x56: {  	_ =	shalt  }
0x57: {  	_ =	shalt  }
0x58: {  	_ =	shalt  }
0x59: {  	_ =	shalt  }
0x5a: {  	_ =	shalt  }
0x5b: {  	_ =	shalt  }
0x5c: {  	_ =	shalt  }
0x5d: {  	_ =	shalt  }
0x5e: {  	_ =	shalt  }
0x5f: {  	_ =	shalt  }
0x60: {  	_ =	shalt  }
0x61: {  	_ =	shalt  }
0x62: {  	_ =	shalt  }
0x63: {  	_ =	shalt  }
0x64: {  	_ =	shalt  }
0x65: {  	_ =	shalt  }
0x66: {  	_ =	shalt  }
0x67: {  	_ =	shalt  }
0x68: {  	_ =	shalt  }
0x69: {  	_ =	shalt  }
0x6a: {  	_ =	shalt  }
0x6b: {  	_ =	shalt  }
0x6c: {  	_ =	shalt  }
0x6d: {  	_ =	shalt  }
0x6e: {  	_ =	shalt  }
0x6f: {  	_ =	shalt  }
0x70: {  	_ =	shalt  }
0x71: {  	_ =	shalt  }
0x72: {  	_ =	shalt  }
0x73: {  	_ =	shalt  }
0x74: {  	_ =	shalt  }
0x75: {  	_ =	shalt  }
0x76: {  	_ =	shalt  }
0x77: {  	_ =	shalt  }
0x78: {  	_ =	shalt  }
0x79: {  	_ =	shalt  }
0x7a: {  	_ =	shalt  }
0x7b: {  	_ =	shalt  }
0x7c: {  	_ =	shalt  }
0x7d: {  	_ =	shalt  }
0x7e: {  	_ =	shalt  }
0x7f: {  	_ =	shalt  }
0x80: {  	_ =	shalt  }
0x81: {  	_ =	shalt  }
0x82: {  	_ =	shalt  }
0x83: {  	_ =	shalt  }
0x84: {  	_ =	shalt  }
0x85: {  	_ =	shalt  }
0x86: {  	_ =	shalt  }
0x87: {  	_ =	shalt  }
.Lfunc_end0:
.L_simem_size_0:
called_computation_lowered:
.L_overlay_start_0:
0x88: {  	s2 =	sld [smem:$0x3FD9]  }
0x89: {  	s3 =	sld [smem:$0x3FFE];
	_ =	sdelay $0x1  }
0x8a: {  	s1 =	srdreg.scid  }
0x8b: {  	s0 =	sand.u32 $0x1, s1  }
0x8c: {  	s14 =	sshll.u32 s0, $0xA;
	s2 =	sadd.s32 s3, s2  }
0x8d: {  	s2 =	sadd.s32 s2, s14  }
0x8e: {  	[smem:$0x3FC4] =	sst s2  }
0x8f: {  	_ = 	snop  }
0x90: {  	s2 =	sld [smem:$0x3FD0];
	_ =	sdelay $0x2  }
0x91: {  	s15 =	simm.s32 $0xA;
	s4 =	simm.s32 $0x10  }
0x92: {  	[smem:s4], [sflag:s15] =	dma.local [hbm:s2], $0x1  }
0x93: {  	_ =	swait.eq [sflag:s15], $0x1  }
0x94: {  	[sflag:s15] =	ssyncset.done $0x0  }
0x95: {  	s16 =	sld [smem:$0x12];
	[sflag:s15] =	ssyncadd.s32 $0xFFFFFFFF  }
0x96: {  	s17 =	sld [smem:$0x15];
	(tm) =	ssettm $0x1  }
0x97: {  	s18 =	sld [smem:$0x3FFB];
	_ =	sdelay $0x3  }
0x98: {  	_ =	strace s18  }
0x99: {  	s4 =	sld [smem:$0x3FFC];
	_ =	sdelay $0x3  }
0x9a: {  	_ =	strace s4  }
0x9b: {  	s4 =	sld [smem:$0x3FFD];
	_ =	sdelay $0x3  }
0x9c: {  	_ =	strace s4  }
0x9d: {  	_ =	strace $0x8FFFFFFF  }
0x9e: {  	s19 =	sld [smem:$0x3FDB];
	_ =	sdelay $0x1  }
0x9f: {  	s5 =	simm.s32 $_scs_section_size  }
0xa0: {  	s6 =	simm.s32 $_size__tile_overlayer_lowered;
	s7 =	simm.s32 $_tile_overlayer_lowered  }
0xa1: {  	s22 =	simm.s32 $0x1BFF;
	s21 =	sshll.u32 s7, $0x1;
	s4 =	sadd.s32 s5, s19  }
0xa2: {  	s8 =	simm.s32 $0x0;
	s20 =	sshll.u32 s6, $0x1;
	s6 =	sadd.s32 s21, s4  }
0xa3: {  	[timem:s8], [sflag:s22] =	dma.local [hbm:s6], s20  }
0xa4: {  	_ =	swait.ge [sflag:s22], s20  }
0xa5: {  	s5 =	ssub.s32 $0x0, s20;
	[sflag:s22] =	ssyncset.done $0x0  }
0xa6: {  	[sflag:s22] =	ssyncadd.s32 s5;
	_ =	sdelay $0x1  }
0xa7: {  	s23 =	simm.s32 $0x1B8B  }
0xa8: {  	_ =	swait.ge [sflag:s23], $0x1  }
0xa9: {  	[sflag:s23] =	ssyncset.done $0x0  }
0xaa: {  	s25 =	simm.s32 $0x1B8E;
	s24 =	sld [smem:$0x3FFE];
	[sflag:s23] =	ssyncadd.s32 $0xFFFFFFFF  }
0xab: {  	s26 =	simm.s32 $execute0_lowered;
	[smem:$0x3FD2] =	sst s25  }
0xac: {  	s6 =	sshll.u32 s26, $0x1;
	_ =	strace $0x80000046;
	[dreg:$0x1] =	wrdreg $0xFFFFFFFF  }
0xad: {  	s28 =	simm.s32 $_size_execute0_lowered;
	s4 =	sadd.s32 s4, s6;
	[dreg:$0x0] =	wrdreg $0x0  }
0xae: {  	s6 =	sshll.u32 s28, $0x1;
	[dreg:$0x2] =	wrdreg s4  }
0xaf: {  	[dreg:$0x3] =	wrdreg s6  }
0xb0: {  	[dreg:$0x4] =	wrdreg $0xC0  }
0xb1: {  	_ =	task [dreg:s8], $0x5FFFF  }
0xb2: {  	[dreg:$0x1] =	wrdreg $0xFFFFFFFF  }
0xb3: {  	[dreg:$0x0] =	wrdreg $0x60  }
0xb4: {  	[dreg:$0x2] =	wrdreg s24  }
0xb5: {  	[dreg:$0x3] =	wrdreg s16  }
0xb6: {  	[dreg:$0x4] =	wrdreg s17  }
0xb7: {  	[dreg:$0x5] =	wrdreg $0x9  }
0xb8: {  	_ =	task.clear_ibuf [dreg:s8], $0x6FFFF;
	_ =	strace $0x90000046  }
0xb9: {  	s29 =	simm.s32 $0x9;
	_ =	strace $0x80000048  }
0xba: {  	_ =	swait.ge [sflag:s29], $0x1  }
0xbb: {  	[sflag:s29] =	ssyncadd.s32 $0xFFFFFFFF  }
0xbc: {  	_ =	strace $0x90000048  }
0xbd: {  	_ =	sfence  }
0xbe: {  	s30 =	sld [smem:$0x0];
	_ =	sdelay $0x2  }
0xbf: {  	s31 =	sshll.u32 s1, $0xD;
	s1 =	sshrl.u32 s1, $0x2  }
0xc0: {  	s3 =	sand.u32 $0x4000, s31;
	s1 =	sadd.s32 s1, s30  }
0xc1: {  	s0 =	sor.u32 s3, s0;
	s1 =	sshll.u32 s1, $0x11  }
0xc2: {  	s0 =	sor.u32 s1, s0  }
0xc3: {  	s0 =	sadd.s32 $0x8F2B, s0  }
0xc4: {  	[sflag:s0] =	ssyncadd.remote.s32 $0x1  }
0xc5: {  	_ =	sfence.sel $0xFFFF  }
0xc6: {  	[dreg:$0x0] =	wrdreg $0xFFFFFFFF;
	(pc) =	sbr.abs _section_cstart, $3  }
0xc7: {  	[dreg:$0x1] =	wrdreg $0xFFFFFFFF  }
0xc8: {  	_ =	task.clear_ibuf [dreg:s8], $0x2FFFF;
	_ =	strace $0x9FFFFFFF  }
0xc9: {  	(tm) =	ssettm $0x7FFFFFFF  }
tec
execute0_lowered:
.L_overlay_start_1:
0x0: {  	(tag) =	ssettag $0x1  }
0x1: {  	s5 =	rddreg [dreg:$0x0]  }
0x2: {  	s1 =	srdreg.scid;
	s3 =	rddreg [dreg:$0x1]  }
0x3: {  	s0 =	stileid.u32;
	s9 =	rddreg [dreg:$0x2];
	s6 =	sand.u32 $0x1, s1  }
0x4: {  	s2 =	simm.s32 $0x0;
	s4 =	sshll.u32 s0, $0x4;
	s7 =	sshll.u32 s6, $0x3  }
0x5: {  	s8 =	simm.s32 $0x1;
	[smem:$0x7FF] =	sst s2;
	s10 =	sor.u32 s7, s4  }
0x6: {  	s1 =	rddreg [dreg:$0x3];
	_ =	strace $0x80000047;
	s4 =	sshrl.u32 s10, $0x3  }
0x7: {  	s11 =	ssub.s32 $0x2, s6;
	s4 =	sadd.s32 s3, s4;
	s3 =	simm.s32 $0x2  }
0x8: {  	[tilespmem:s2], [sflag:$0x2] =	stream.linear.gather [hbm4b:s4+s2], $0x8, $0x38;
	[tilespmem:$0x480] =	vst v63  }
0x9: {  	s5 =	sadd.s32 $0x2E00, s5;
	s12 =	sshrl.u32 s11, $0x1;
	_ =	swait.ge [sflag:s3], $0x8  }
0xa: {  	s6 =	simm.s32 $0x8;
	s11 =	ssub.s32 s11, s12;
	[sflag:s3] =	ssyncset.done $0x0  }
0xb: {  	s7 =	simm.s32 $0x80;
	s31 =	smax.u32 s11, $0x1;
	[sflag:s3] =	ssyncadd.s32 $0xFFFFFFF8  }
0xc: {  	[tilespmem:s7], [sflag:$0x1] =	stream.indirect.gather [hbm4b:s5+s6], $0x80, s2, s6, $0xb8;
	[tilespmem:$0x480] =	vst v63  }
0xd: {  	p0 =	sne.s32 s31, $0x1;
	_ =	swait.ge [sflag:s8], $0x400  }
.Ltmp0:
0xe: {  	s10 =	sshll.u32 s10, $0x4;
	[sflag:s8] =	ssyncset.done $0x0;
	(pc) =	sbr.rel @!p0 .LBB2_2-.Ltmp0, $4  }
0xf: {  	s9 =	sadd.s32 s9, s10;
	[sflag:s8] =	ssyncadd.s32 $0xFFFFFC00  }
0x10: {  	[hbm4b:s9+s2] =	stream.linear.scatter [tilespmem:s7], [sflag:$0x2], $0x400, $0x38;
	[tilespmem:$0x480] =	vst v63  }
0x11: {  	_ =	swait.ge [sflag:s3], $0x400  }
0x12: {  	s10 =	sadd.s32 $0xFFFFFFFF, s31;
	[sflag:s3] =	ssyncset.done $0x0  }
.LBB2_1:
0x13: {  	p0 =	sne.s32 s10, $0x1;
	s10 =	sadd.s32 $0xFFFFFFFF, s10;
	[sflag:s3] =	ssyncadd.s32 $0xFFFFFC00  }
0x14: {  	[tilespmem:s2], [sflag:$0x2] =	stream.linear.gather [hbm4b:s4+s2], $0x8, $0x38;
	[tilespmem:$0x480] =	vst v63  }
0x15: {  	_ =	swait.ge [sflag:s3], $0x8  }
0x16: {  	[sflag:s3] =	ssyncset.done $0x0  }
0x17: {  	[sflag:s3] =	ssyncadd.s32 $0xFFFFFFF8  }
0x18: {  	[tilespmem:s7], [sflag:$0x1] =	stream.indirect.gather [hbm4b:s5+s6], $0x80, s2, s6, $0xb8;
	[tilespmem:$0x480] =	vst v63  }
0x19: {  	_ =	swait.ge [sflag:s8], $0x400  }
.Ltmp1:
0x1a: {  	[sflag:s8] =	ssyncset.done $0x0;
	(pc) =	sbr.rel @p0 .LBB2_1-.Ltmp1, $4  }
0x1b: {  	[sflag:s8] =	ssyncadd.s32 $0xFFFFFC00  }
0x1c: {  	[hbm4b:s9+s2] =	stream.linear.scatter [tilespmem:s7], [sflag:$0x2], $0x400, $0x38;
	[tilespmem:$0x480] =	vst v63  }
0x1d: {  	_ =	swait.ge [sflag:s3], $0x400  }
0x1e: {  	[sflag:s3] =	ssyncset.done $0x0  }
.LBB2_2:
0x1f: {  	[sflag:s3] =	ssyncadd.s32 $0xFFFFFC00  }
0x20: {  	_ =	sfence.sel $0x180000  }
0x21: {  	[bflag:$0x0] =	sbarrier.arrive $0xFFFF  }
0x22: {  	p0 =	sne.s32 s0, $0x0;
	_ =	strace $0x90000047  }
0x23: {  	s0 =	sadd.s32 @!p0 $0x100000, s1;
	[bflag:$0x2] =	sbarrier.arrive $0xFFFF  }
0x24: {  	[sflag:s0] =	ssyncadd.tile.s32 @!p0 $0x1;
	_ =	shalt  }
.Lfunc_end2:
_tile_overlayer_lowered:
.L_overlay_start_2:
0x25: {  	(tag) =	ssettag $0x2  }
0x26: {  	s0 =	rddreg [dreg:$0x0];
	s2 =	stileid.u32  }
0x27: {  	s1 =	rddreg [dreg:$0x1];
	p0 =	sne.s32 s2, $0x0  }
0x28: {  	s3 =	rddreg [dreg:$0x2];
	[bflag:$0x3] =	sbarrier.arrive $0xFFFF;
	s2 =	simm.s32 @!p0 $0x1C02  }
0x29: {  	[timem:s3], [sflag:s2] =	dma.local @!p0 [hbm:s0], s1  }
0x2a: {  	s0 =	simm.s32 @!p0 $0x2  }
0x2b: {  	_ =	swait.ge @!p0 [sflag:s0], s1  }
0x2c: {  	s1 =	ssub.s32 @!p0 $0x0, s1;
	[sflag:s0] =	ssyncset.done @!p0 $0x0  }
0x2d: {  	[sflag:s0] =	ssyncadd.s32 @!p0 s1  }
0x2e: {  	[bflag:$0x3] =	sbarrier.arrive $0xFFFF  }
0x2f: {  	_ =	shalt  }

// kernel: kernel.21.cloned.1.call-start
scs
__scs_entry_jumppad:
0x0: {  	(pc) =	sbr.rel $0x88, $3  }
0x1: {  	(tag) =	ssettag $0x0;
	lr =	simm.s32 $0x1  }
0x2: {  	[smem:$0x3F9D] =	sst lr;
	_ =	strace $0xD0000000  }
0x3: {  	_ = 	snop  }
0x4: {  	_ = 	snop  }
0x5: {  	_ = 	snop  }
0x6: {  	_ = 	snop  }
0x7: {  	_ = 	snop  }
__scs_overlays_trampoline_lowered:
0x8: {  	[smem:$0x3FAC] =	sst s0  }
0x9: {  	[smem:$0x3FAD] =	sst s1  }
0xa: {  	[smem:$0x3FAE] =	sst s2  }
0xb: {  	[smem:$0x3FAF] =	sst s3  }
0xc: {  	[smem:$0x3FB0] =	sst s4  }
0xd: {  	[smem:$0x3FB1] =	sst s5  }
0xe: {  	[smem:$0x3FB2] =	sst s6  }
0xf: {  	[smem:$0x3FB3] =	sst s7  }
0x10: {  	[smem:$0x3FB4] =	sst s8  }
0x11: {  	[smem:$0x3FB5] =	sst s9;
	s0 =	simm.s32 @!p0 $0x0  }
0x12: {  	s1 =	sld [smem:$0x3F9B];
	s0 =	simm.s32 @p0 $0x1  }
0x13: {  	[smem:$0x3FB6] =	sst s0;
	s0 =	simm.s32 @!p1 $0x0  }
0x14: {  	s2 =	sld [smem:$0x3F9A];
	s0 =	simm.s32 @p1 $0x1  }
0x15: {  	[smem:$0x3FB7] =	sst s0;
	s0 =	simm.s32 @!p2 $0x0  }
0x16: {  	s3 =	sld [smem:$0x3FDB];
	s0 =	simm.s32 @p2 $0x1  }
0x17: {  	s4 =	simm.s32 $0x1BF5;
	[smem:$0x3FB9] =	sst s0  }
0x18: {  	s0 =	sld [smem:$0x3F9C];
	_ =	swait.ge [sflag:s4], $0x0  }
0x19: {  	s7 =	sld [smem:$0x3F9D]  }
0x1a: {  	s8 =	sadd.s32 $0xFFFFE003, lr  }
0x1b: {  	s9 =	sadd.s32 $0xFFFFFEF7, lr;
	s5 =	simm.s32 $0xFFFFFFFF;
	p2 =	slt.u32 s8, $0xFFFFF086  }
0x1c: {  	p1 =	slt.u32 s9, $0xF7A;
	s5 =	simm.s32 @!p2 $0x0  }
0x1d: {  	s5 =	simm.s32 @p1 $0x1;
	p0 =	seq.s32 s7, s2  }
0x1e: {  	s7 =	smul.u32 @!p0 $0xF7A, s2;
	p2 =	seq.s32 @!p0 s5, $0x0  }
0x1f: {  	s9 =	smul.u32 $0xF7A, s1;
	s8 =	simm.s32 @!p0 $0x1BF5;
	p2 =	por !p2, p0  }
0x20: {  	[sflag:s8] =	ssyncset.s32 @!p0 $0xFFFFF086;
	s6 =	sadd.s32 @!p0 s3, s7;
	s7 =	simm.s32 @!p0 $0x108  }
0x21: {  	s3 =	sadd.s32 s3, s9;
	s6 =	sadd.s32 @!p0 $0x88, s6;
	s7 =	simm.s32 @p2 $0x1082  }
0x22: {  	[simem:s7], [sflag:s8] =	dma.local @!p0 [hbm:s6], $0xF7A  }
0x23: {  	s9 =	sor.u32 $0xD0000000, s2;
	s6 =	simm.s32 $0x108;
	_ =	swait.ge @!p0 [sflag:s8], $0x0  }
0x24: {  	s3 =	sadd.s32 $0x88, s3;
	s6 =	simm.s32 @!p1 $0x1082;
	[sflag:s4] =	ssyncset.s32 $0xFFFFF086  }
0x25: {  	[simem:s6], [sflag:s4] =	dma.local [hbm:s3], $0xF7A  }
0x26: {  	[smem:$0x3F9D] =	sst s1;
	(tag) =	ssettag s2;
	_ =	strace s9  }
0x27: {  	s1 =	sld [smem:$0x3FAD]  }
0x28: {  	s2 =	sld [smem:$0x3FAE]  }
0x29: {  	s4 =	sld [smem:$0x3FB0]  }
0x2a: {  	p0 =	seq.s32 s5, $0x0;
	s5 =	sld [smem:$0x3FB1]  }
0x2b: {  	s6 =	sld [smem:$0x3FB2]  }
0x2c: {  	s7 =	sld [smem:$0x3FB3]  }
0x2d: {  	s3 =	simm.s32 $0x108;
	s8 =	sld [smem:$0x3FB4]  }
0x2e: {  	s3 =	simm.s32 @!p0 $0x1082;
	s9 =	sld [smem:$0x3FB5]  }
0x2f: {  	lr =	sadd.s32 s0, s3;
	s0 =	sld [smem:$0x3FAC]  }
0x30: {  	s3 =	sld [smem:$0x3FAF]  }
0x31: {  	[smem:$0x3FB8] =	sst s10  }
0x32: {  	s10 =	sld [smem:$0x3FB6];
	_ =	sdelay $0x3  }
0x33: {  	p0 =	seq.s32 s10, $0x1;
	s10 =	sld [smem:$0x3FB8];
	_ =	sdelay $0x3  }
0x34: {  	[smem:$0x3FB8] =	sst s10  }
0x35: {  	s10 =	sld [smem:$0x3FB7];
	_ =	sdelay $0x3  }
0x36: {  	p1 =	seq.s32 s10, $0x1;
	s10 =	sld [smem:$0x3FB8];
	_ =	sdelay $0x3  }
0x37: {  	[smem:$0x3FB8] =	sst s10  }
0x38: {  	s10 =	sld [smem:$0x3FB9]  }
0x39: {  	_ = 	snop;
	(pc) =	sbr.ind lr, $3  }
0x3a: {  	_ = 	snop  }
0x3b: {  	_ = 	snop  }
0x3c: {  	p2 =	seq.s32 s10, $0x1;
	s10 =	sld [smem:$0x3FB8]  }
0x3d: {  	_ =	shalt  }
0x3e: {  	_ =	shalt  }
0x3f: {  	_ =	shalt  }
0x40: {  	_ =	shalt  }
0x41: {  	_ =	shalt  }
0x42: {  	_ =	shalt  }
0x43: {  	_ =	shalt  }
0x44: {  	_ =	shalt  }
0x45: {  	_ =	shalt  }
0x46: {  	_ =	shalt  }
0x47: {  	_ =	shalt  }
0x48: {  	_ =	shalt  }
0x49: {  	_ =	shalt  }
0x4a: {  	_ =	shalt  }
0x4b: {  	_ =	shalt  }
0x4c: {  	_ =	shalt  }
0x4d: {  	_ =	shalt  }
0x4e: {  	_ =	shalt  }
0x4f: {  	_ =	shalt  }
0x50: {  	_ =	shalt  }
0x51: {  	_ =	shalt  }
0x52: {  	_ =	shalt  }
0x53: {  	_ =	shalt  }
0x54: {  	_ =	shalt  }
0x55: {  	_ =	shalt  }
0x56: {  	_ =	shalt  }
0x57: {  	_ =	shalt  }
0x58: {  	_ =	shalt  }
0x59: {  	_ =	shalt  }
0x5a: {  	_ =	shalt  }
0x5b: {  	_ =	shalt  }
0x5c: {  	_ =	shalt  }
0x5d: {  	_ =	shalt  }
0x5e: {  	_ =	shalt  }
0x5f: {  	_ =	shalt  }
0x60: {  	_ =	shalt  }
0x61: {  	_ =	shalt  }
0x62: {  	_ =	shalt  }
0x63: {  	_ =	shalt  }
0x64: {  	_ =	shalt  }
0x65: {  	_ =	shalt  }
0x66: {  	_ =	shalt  }
0x67: {  	_ =	shalt  }
0x68: {  	_ =	shalt  }
0x69: {  	_ =	shalt  }
0x6a: {  	_ =	shalt  }
0x6b: {  	_ =	shalt  }
0x6c: {  	_ =	shalt  }
0x6d: {  	_ =	shalt  }
0x6e: {  	_ =	shalt  }
0x6f: {  	_ =	shalt  }
0x70: {  	_ =	shalt  }
0x71: {  	_ =	shalt  }
0x72: {  	_ =	shalt  }
0x73: {  	_ =	shalt  }
0x74: {  	_ =	shalt  }
0x75: {  	_ =	shalt  }
0x76: {  	_ =	shalt  }
0x77: {  	_ =	shalt  }
0x78: {  	_ =	shalt  }
0x79: {  	_ =	shalt  }
0x7a: {  	_ =	shalt  }
0x7b: {  	_ =	shalt  }
0x7c: {  	_ =	shalt  }
0x7d: {  	_ =	shalt  }
0x7e: {  	_ =	shalt  }
0x7f: {  	_ =	shalt  }
0x80: {  	_ =	shalt  }
0x81: {  	_ =	shalt  }
0x82: {  	_ =	shalt  }
0x83: {  	_ =	shalt  }
0x84: {  	_ =	shalt  }
0x85: {  	_ =	shalt  }
0x86: {  	_ =	shalt  }
0x87: {  	_ =	shalt  }
.Lfunc_end0:
.L_simem_size_0:
called_computation.1_lowered:
.L_overlay_start_0:
0x88: {  	s2 =	sld [smem:$0x3FD9]  }
0x89: {  	s3 =	sld [smem:$0x3FFE];
	_ =	sdelay $0x1  }
0x8a: {  	s1 =	srdreg.scid  }
0x8b: {  	s0 =	sand.u32 $0x1, s1  }
0x8c: {  	s14 =	sshll.u32 s0, $0xA;
	s2 =	sadd.s32 s3, s2  }
0x8d: {  	s2 =	sadd.s32 s2, s14  }
0x8e: {  	[smem:$0x3FC4] =	sst s2  }
0x8f: {  	_ = 	snop  }
0x90: {  	s2 =	sld [smem:$0x3FD0];
	_ =	sdelay $0x2  }
0x91: {  	s15 =	simm.s32 $0xA;
	s4 =	simm.s32 $0x10  }
0x92: {  	[smem:s4], [sflag:s15] =	dma.local [hbm:s2], $0x1  }
0x93: {  	_ =	swait.eq [sflag:s15], $0x1  }
0x94: {  	[sflag:s15] =	ssyncset.done $0x0  }
0x95: {  	s16 =	sld [smem:$0x12];
	[sflag:s15] =	ssyncadd.s32 $0xFFFFFFFF  }
0x96: {  	s17 =	sld [smem:$0x15];
	(tm) =	ssettm $0x1  }
0x97: {  	s18 =	sld [smem:$0x3FFB];
	_ =	sdelay $0x3  }
0x98: {  	_ =	strace s18  }
0x99: {  	s4 =	sld [smem:$0x3FFC];
	_ =	sdelay $0x3  }
0x9a: {  	_ =	strace s4  }
0x9b: {  	s4 =	sld [smem:$0x3FFD];
	_ =	sdelay $0x3  }
0x9c: {  	_ =	strace s4  }
0x9d: {  	_ =	strace $0x8FFFFFFF  }
0x9e: {  	s19 =	sld [smem:$0x3FDB];
	_ =	sdelay $0x1  }
0x9f: {  	s5 =	simm.s32 $_scs_section_size  }
0xa0: {  	s6 =	simm.s32 $_size__tile_overlayer_lowered;
	s7 =	simm.s32 $_tile_overlayer_lowered  }
0xa1: {  	s22 =	simm.s32 $0x1BFF;
	s21 =	sshll.u32 s7, $0x1;
	s4 =	sadd.s32 s5, s19  }
0xa2: {  	s8 =	simm.s32 $0x0;
	s20 =	sshll.u32 s6, $0x1;
	s6 =	sadd.s32 s21, s4  }
0xa3: {  	[timem:s8], [sflag:s22] =	dma.local [hbm:s6], s20  }
0xa4: {  	_ =	swait.ge [sflag:s22], s20  }
0xa5: {  	s5 =	ssub.s32 $0x0, s20;
	[sflag:s22] =	ssyncset.done $0x0  }
0xa6: {  	[sflag:s22] =	ssyncadd.s32 s5;
	_ =	sdelay $0x1  }
0xa7: {  	s23 =	simm.s32 $0x1B8B  }
0xa8: {  	_ =	swait.ge [sflag:s23], $0x1  }
0xa9: {  	[sflag:s23] =	ssyncset.done $0x0  }
0xaa: {  	s25 =	simm.s32 $0x1B8E;
	s24 =	sld [smem:$0x3FFE];
	[sflag:s23] =	ssyncadd.s32 $0xFFFFFFFF  }
0xab: {  	s26 =	simm.s32 $execute0_lowered;
	[smem:$0x3FD2] =	sst s25  }
0xac: {  	s6 =	sshll.u32 s26, $0x1;
	_ =	strace $0x80000049;
	[dreg:$0x1] =	wrdreg $0xFFFFFFFF  }
0xad: {  	s28 =	simm.s32 $_size_execute0_lowered;
	s4 =	sadd.s32 s4, s6;
	[dreg:$0x0] =	wrdreg $0x0  }
0xae: {  	s6 =	sshll.u32 s28, $0x1;
	[dreg:$0x2] =	wrdreg s4  }
0xaf: {  	[dreg:$0x3] =	wrdreg s6  }
0xb0: {  	[dreg:$0x4] =	wrdreg $0xC0  }
0xb1: {  	_ =	task [dreg:s8], $0x5FFFF  }
0xb2: {  	[dreg:$0x1] =	wrdreg $0xFFFFFFFF  }
0xb3: {  	[dreg:$0x0] =	wrdreg $0x60  }
0xb4: {  	[dreg:$0x2] =	wrdreg s24  }
0xb5: {  	[dreg:$0x3] =	wrdreg s16  }
0xb6: {  	[dreg:$0x4] =	wrdreg s17  }
0xb7: {  	[dreg:$0x5] =	wrdreg $0x9  }
0xb8: {  	_ =	task.clear_ibuf [dreg:s8], $0x6FFFF;
	_ =	strace $0x90000049  }
0xb9: {  	s29 =	simm.s32 $0x9;
	_ =	strace $0x8000004B  }
0xba: {  	_ =	swait.ge [sflag:s29], $0x1  }
0xbb: {  	[sflag:s29] =	ssyncadd.s32 $0xFFFFFFFF  }
0xbc: {  	_ =	strace $0x9000004B  }
0xbd: {  	_ =	sfence  }
0xbe: {  	s30 =	sld [smem:$0x0];
	_ =	sdelay $0x2  }
0xbf: {  	s31 =	sshll.u32 s1, $0xD;
	s1 =	sshrl.u32 s1, $0x2  }
0xc0: {  	s3 =	sand.u32 $0x4000, s31;
	s1 =	sadd.s32 s1, s30  }
0xc1: {  	s0 =	sor.u32 s3, s0;
	s1 =	sshll.u32 s1, $0x11  }
0xc2: {  	s0 =	sor.u32 s1, s0  }
0xc3: {  	s0 =	sadd.s32 $0x8F2B, s0  }
0xc4: {  	[sflag:s0] =	ssyncadd.remote.s32 $0x1  }
0xc5: {  	_ =	sfence.sel $0xFFFF  }
0xc6: {  	[dreg:$0x0] =	wrdreg $0xFFFFFFFF;
	(pc) =	sbr.abs _section_cstart, $3  }
0xc7: {  	[dreg:$0x1] =	wrdreg $0xFFFFFFFF  }
0xc8: {  	_ =	task.clear_ibuf [dreg:s8], $0x2FFFF;
	_ =	strace $0x9FFFFFFF  }
0xc9: {  	(tm) =	ssettm $0x7FFFFFFF  }
tec
execute0_lowered:
.L_overlay_start_1:
0x0: {  	(tag) =	ssettag $0x1  }
0x1: {  	s5 =	rddreg [dreg:$0x0]  }
0x2: {  	s1 =	srdreg.scid;
	s3 =	rddreg [dreg:$0x1]  }
0x3: {  	s0 =	stileid.u32;
	s9 =	rddreg [dreg:$0x2];
	s6 =	sand.u32 $0x1, s1  }
0x4: {  	s2 =	simm.s32 $0x0;
	s4 =	sshll.u32 s0, $0x4;
	s7 =	sshll.u32 s6, $0x3  }
0x5: {  	s8 =	simm.s32 $0x1;
	[smem:$0x7FF] =	sst s2;
	s10 =	sor.u32 s7, s4  }
0x6: {  	s1 =	rddreg [dreg:$0x3];
	_ =	strace $0x8000004A;
	s4 =	sshrl.u32 s10, $0x3  }
0x7: {  	s11 =	ssub.s32 $0x2, s6;
	s4 =	sadd.s32 s3, s4;
	s3 =	simm.s32 $0x2  }
0x8: {  	[tilespmem:s2], [sflag:$0x2] =	stream.linear.gather [hbm4b:s4+s2], $0x8, $0x38;
	[tilespmem:$0x480] =	vst v63  }
0x9: {  	s5 =	sadd.s32 $0x2E00, s5;
	s12 =	sshrl.u32 s11, $0x1;
	_ =	swait.ge [sflag:s3], $0x8  }
0xa: {  	s6 =	simm.s32 $0x8;
	s11 =	ssub.s32 s11, s12;
	[sflag:s3] =	ssyncset.done $0x0  }
0xb: {  	s7 =	simm.s32 $0x80;
	s31 =	smax.u32 s11, $0x1;
	[sflag:s3] =	ssyncadd.s32 $0xFFFFFFF8  }
0xc: {  	[tilespmem:s7], [sflag:$0x1] =	stream.indirect.gather [hbm4b:s5+s6], $0x80, s2, s6, $0xb8;
	[tilespmem:$0x480] =	vst v63  }
0xd: {  	p0 =	sne.s32 s31, $0x1;
	_ =	swait.ge [sflag:s8], $0x400  }
.Ltmp0:
0xe: {  	s10 =	sshll.u32 s10, $0x4;
	[sflag:s8] =	ssyncset.done $0x0;
	(pc) =	sbr.rel @!p0 .LBB2_2-.Ltmp0, $4  }
0xf: {  	s9 =	sadd.s32 s9, s10;
	[sflag:s8] =	ssyncadd.s32 $0xFFFFFC00  }
0x10: {  	[hbm4b:s9+s2] =	stream.linear.scatter [tilespmem:s7], [sflag:$0x2], $0x400, $0x38;
	[tilespmem:$0x480] =	vst v63  }
0x11: {  	_ =	swait.ge [sflag:s3], $0x400  }
0x12: {  	s10 =	sadd.s32 $0xFFFFFFFF, s31;
	[sflag:s3] =	ssyncset.done $0x0  }
.LBB2_1:
0x13: {  	p0 =	sne.s32 s10, $0x1;
	s10 =	sadd.s32 $0xFFFFFFFF, s10;
	[sflag:s3] =	ssyncadd.s32 $0xFFFFFC00  }
0x14: {  	[tilespmem:s2], [sflag:$0x2] =	stream.linear.gather [hbm4b:s4+s2], $0x8, $0x38;
	[tilespmem:$0x480] =	vst v63  }
0x15: {  	_ =	swait.ge [sflag:s3], $0x8  }
0x16: {  	[sflag:s3] =	ssyncset.done $0x0  }
0x17: {  	[sflag:s3] =	ssyncadd.s32 $0xFFFFFFF8  }
0x18: {  	[tilespmem:s7], [sflag:$0x1] =	stream.indirect.gather [hbm4b:s5+s6], $0x80, s2, s6, $0xb8;
	[tilespmem:$0x480] =	vst v63  }
0x19: {  	_ =	swait.ge [sflag:s8], $0x400  }
.Ltmp1:
0x1a: {  	[sflag:s8] =	ssyncset.done $0x0;
	(pc) =	sbr.rel @p0 .LBB2_1-.Ltmp1, $4  }
0x1b: {  	[sflag:s8] =	ssyncadd.s32 $0xFFFFFC00  }
0x1c: {  	[hbm4b:s9+s2] =	stream.linear.scatter [tilespmem:s7], [sflag:$0x2], $0x400, $0x38;
	[tilespmem:$0x480] =	vst v63  }
0x1d: {  	_ =	swait.ge [sflag:s3], $0x400  }
0x1e: {  	[sflag:s3] =	ssyncset.done $0x0  }
.LBB2_2:
0x1f: {  	[sflag:s3] =	ssyncadd.s32 $0xFFFFFC00  }
0x20: {  	_ =	sfence.sel $0x180000  }
0x21: {  	[bflag:$0x0] =	sbarrier.arrive $0xFFFF  }
0x22: {  	p0 =	sne.s32 s0, $0x0;
	_ =	strace $0x9000004A  }
0x23: {  	s0 =	sadd.s32 @!p0 $0x100000, s1;
	[bflag:$0x2] =	sbarrier.arrive $0xFFFF  }
0x24: {  	[sflag:s0] =	ssyncadd.tile.s32 @!p0 $0x1;
	_ =	shalt  }
.Lfunc_end2:
_tile_overlayer_lowered:
.L_overlay_start_2:
0x25: {  	(tag) =	ssettag $0x2  }
0x26: {  	s0 =	rddreg [dreg:$0x0];
	s2 =	stileid.u32  }
0x27: {  	s1 =	rddreg [dreg:$0x1];
	p0 =	sne.s32 s2, $0x0  }
0x28: {  	s3 =	rddreg [dreg:$0x2];
	[bflag:$0x3] =	sbarrier.arrive $0xFFFF;
	s2 =	simm.s32 @!p0 $0x1C02  }
0x29: {  	[timem:s3], [sflag:s2] =	dma.local @!p0 [hbm:s0], s1  }
0x2a: {  	s0 =	simm.s32 @!p0 $0x2  }
0x2b: {  	_ =	swait.ge @!p0 [sflag:s0], s1  }
0x2c: {  	s1 =	ssub.s32 @!p0 $0x0, s1;
	[sflag:s0] =	ssyncset.done @!p0 $0x0  }
0x2d: {  	[sflag:s0] =	ssyncadd.s32 @!p0 s1  }
0x2e: {  	[bflag:$0x3] =	sbarrier.arrive $0xFFFF  }
0x2f: {  	_ =	shalt  }

// kernel: kernel.24.cloned.1.call-start
scs
__scs_entry_jumppad:
0x0: {  	(pc) =	sbr.rel $0x88, $3  }
0x1: {  	(tag) =	ssettag $0x0;
	lr =	simm.s32 $0x1  }
0x2: {  	[smem:$0x3F9D] =	sst lr;
	_ =	strace $0xD0000000  }
0x3: {  	_ = 	snop  }
0x4: {  	_ = 	snop  }
0x5: {  	_ = 	snop  }
0x6: {  	_ = 	snop  }
0x7: {  	_ = 	snop  }
__scs_overlays_trampoline_lowered:
0x8: {  	[smem:$0x3FAC] =	sst s0  }
0x9: {  	[smem:$0x3FAD] =	sst s1  }
0xa: {  	[smem:$0x3FAE] =	sst s2  }
0xb: {  	[smem:$0x3FAF] =	sst s3  }
0xc: {  	[smem:$0x3FB0] =	sst s4  }
0xd: {  	[smem:$0x3FB1] =	sst s5  }
0xe: {  	[smem:$0x3FB2] =	sst s6  }
0xf: {  	[smem:$0x3FB3] =	sst s7  }
0x10: {  	[smem:$0x3FB4] =	sst s8  }
0x11: {  	[smem:$0x3FB5] =	sst s9;
	s0 =	simm.s32 @!p0 $0x0  }
0x12: {  	s1 =	sld [smem:$0x3F9B];
	s0 =	simm.s32 @p0 $0x1  }
0x13: {  	[smem:$0x3FB6] =	sst s0;
	s0 =	simm.s32 @!p1 $0x0  }
0x14: {  	s2 =	sld [smem:$0x3F9A];
	s0 =	simm.s32 @p1 $0x1  }
0x15: {  	[smem:$0x3FB7] =	sst s0;
	s0 =	simm.s32 @!p2 $0x0  }
0x16: {  	s3 =	sld [smem:$0x3FDB];
	s0 =	simm.s32 @p2 $0x1  }
0x17: {  	s4 =	simm.s32 $0x1BF5;
	[smem:$0x3FB9] =	sst s0  }
0x18: {  	s0 =	sld [smem:$0x3F9C];
	_ =	swait.ge [sflag:s4], $0x0  }
0x19: {  	s7 =	sld [smem:$0x3F9D]  }
0x1a: {  	s8 =	sadd.s32 $0xFFFFE003, lr  }
0x1b: {  	s9 =	sadd.s32 $0xFFFFFEF7, lr;
	s5 =	simm.s32 $0xFFFFFFFF;
	p2 =	slt.u32 s8, $0xFFFFF086  }
0x1c: {  	p1 =	slt.u32 s9, $0xF7A;
	s5 =	simm.s32 @!p2 $0x0  }
0x1d: {  	s5 =	simm.s32 @p1 $0x1;
	p0 =	seq.s32 s7, s2  }
0x1e: {  	s7 =	smul.u32 @!p0 $0xF7A, s2;
	p2 =	seq.s32 @!p0 s5, $0x0  }
0x1f: {  	s9 =	smul.u32 $0xF7A, s1;
	s8 =	simm.s32 @!p0 $0x1BF5;
	p2 =	por !p2, p0  }
0x20: {  	[sflag:s8] =	ssyncset.s32 @!p0 $0xFFFFF086;
	s6 =	sadd.s32 @!p0 s3, s7;
	s7 =	simm.s32 @!p0 $0x108  }
0x21: {  	s3 =	sadd.s32 s3, s9;
	s6 =	sadd.s32 @!p0 $0x88, s6;
	s7 =	simm.s32 @p2 $0x1082  }
0x22: {  	[simem:s7], [sflag:s8] =	dma.local @!p0 [hbm:s6], $0xF7A  }
0x23: {  	s9 =	sor.u32 $0xD0000000, s2;
	s6 =	simm.s32 $0x108;
	_ =	swait.ge @!p0 [sflag:s8], $0x0  }
0x24: {  	s3 =	sadd.s32 $0x88, s3;
	s6 =	simm.s32 @!p1 $0x1082;
	[sflag:s4] =	ssyncset.s32 $0xFFFFF086  }
0x25: {  	[simem:s6], [sflag:s4] =	dma.local [hbm:s3], $0xF7A  }
0x26: {  	[smem:$0x3F9D] =	sst s1;
	(tag) =	ssettag s2;
	_ =	strace s9  }
0x27: {  	s1 =	sld [smem:$0x3FAD]  }
0x28: {  	s2 =	sld [smem:$0x3FAE]  }
0x29: {  	s4 =	sld [smem:$0x3FB0]  }
0x2a: {  	p0 =	seq.s32 s5, $0x0;
	s5 =	sld [smem:$0x3FB1]  }
0x2b: {  	s6 =	sld [smem:$0x3FB2]  }
0x2c: {  	s7 =	sld [smem:$0x3FB3]  }
0x2d: {  	s3 =	simm.s32 $0x108;
	s8 =	sld [smem:$0x3FB4]  }
0x2e: {  	s3 =	simm.s32 @!p0 $0x1082;
	s9 =	sld [smem:$0x3FB5]  }
0x2f: {  	lr =	sadd.s32 s0, s3;
	s0 =	sld [smem:$0x3FAC]  }
0x30: {  	s3 =	sld [smem:$0x3FAF]  }
0x31: {  	[smem:$0x3FB8] =	sst s10  }
0x32: {  	s10 =	sld [smem:$0x3FB6];
	_ =	sdelay $0x3  }
0x33: {  	p0 =	seq.s32 s10, $0x1;
	s10 =	sld [smem:$0x3FB8];
	_ =	sdelay $0x3  }
0x34: {  	[smem:$0x3FB8] =	sst s10  }
0x35: {  	s10 =	sld [smem:$0x3FB7];
	_ =	sdelay $0x3  }
0x36: {  	p1 =	seq.s32 s10, $0x1;
	s10 =	sld [smem:$0x3FB8];
	_ =	sdelay $0x3  }
0x37: {  	[smem:$0x3FB8] =	sst s10  }
0x38: {  	s10 =	sld [smem:$0x3FB9]  }
0x39: {  	_ = 	snop;
	(pc) =	sbr.ind lr, $3  }
0x3a: {  	_ = 	snop  }
0x3b: {  	_ = 	snop  }
0x3c: {  	p2 =	seq.s32 s10, $0x1;
	s10 =	sld [smem:$0x3FB8]  }
0x3d: {  	_ =	shalt  }
0x3e: {  	_ =	shalt  }
0x3f: {  	_ =	shalt  }
0x40: {  	_ =	shalt  }
0x41: {  	_ =	shalt  }
0x42: {  	_ =	shalt  }
0x43: {  	_ =	shalt  }
0x44: {  	_ =	shalt  }
0x45: {  	_ =	shalt  }
0x46: {  	_ =	shalt  }
0x47: {  	_ =	shalt  }
0x48: {  	_ =	shalt  }
0x49: {  	_ =	shalt  }
0x4a: {  	_ =	shalt  }
0x4b: {  	_ =	shalt  }
0x4c: {  	_ =	shalt  }
0x4d: {  	_ =	shalt  }
0x4e: {  	_ =	shalt  }
0x4f: {  	_ =	shalt  }
0x50: {  	_ =	shalt  }
0x51: {  	_ =	shalt  }
0x52: {  	_ =	shalt  }
0x53: {  	_ =	shalt  }
0x54: {  	_ =	shalt  }
0x55: {  	_ =	shalt  }
0x56: {  	_ =	shalt  }
0x57: {  	_ =	shalt  }
0x58: {  	_ =	shalt  }
0x59: {  	_ =	shalt  }
0x5a: {  	_ =	shalt  }
0x5b: {  	_ =	shalt  }
0x5c: {  	_ =	shalt  }
0x5d: {  	_ =	shalt  }
0x5e: {  	_ =	shalt  }
0x5f: {  	_ =	shalt  }
0x60: {  	_ =	shalt  }
0x61: {  	_ =	shalt  }
0x62: {  	_ =	shalt  }
0x63: {  	_ =	shalt  }
0x64: {  	_ =	shalt  }
0x65: {  	_ =	shalt  }
0x66: {  	_ =	shalt  }
0x67: {  	_ =	shalt  }
0x68: {  	_ =	shalt  }
0x69: {  	_ =	shalt  }
0x6a: {  	_ =	shalt  }
0x6b: {  	_ =	shalt  }
0x6c: {  	_ =	shalt  }
0x6d: {  	_ =	shalt  }
0x6e: {  	_ =	shalt  }
0x6f: {  	_ =	shalt  }
0x70: {  	_ =	shalt  }
0x71: {  	_ =	shalt  }
0x72: {  	_ =	shalt  }
0x73: {  	_ =	shalt  }
0x74: {  	_ =	shalt  }
0x75: {  	_ =	shalt  }
0x76: {  	_ =	shalt  }
0x77: {  	_ =	shalt  }
0x78: {  	_ =	shalt  }
0x79: {  	_ =	shalt  }
0x7a: {  	_ =	shalt  }
0x7b: {  	_ =	shalt  }
0x7c: {  	_ =	shalt  }
0x7d: {  	_ =	shalt  }
0x7e: {  	_ =	shalt  }
0x7f: {  	_ =	shalt  }
0x80: {  	_ =	shalt  }
0x81: {  	_ =	shalt  }
0x82: {  	_ =	shalt  }
0x83: {  	_ =	shalt  }
0x84: {  	_ =	shalt  }
0x85: {  	_ =	shalt  }
0x86: {  	_ =	shalt  }
0x87: {  	_ =	shalt  }
.Lfunc_end0:
.L_simem_size_0:
called_computation.2_lowered:
.L_overlay_start_0:
0x88: {  	s2 =	sld [smem:$0x3FD9]  }
0x89: {  	s3 =	sld [smem:$0x3FFE];
	_ =	sdelay $0x1  }
0x8a: {  	s1 =	srdreg.scid  }
0x8b: {  	s0 =	sand.u32 $0x1, s1  }
0x8c: {  	s14 =	sshll.u32 s0, $0xA;
	s2 =	sadd.s32 s3, s2  }
0x8d: {  	s2 =	sadd.s32 s2, s14  }
0x8e: {  	[smem:$0x3FC4] =	sst s2  }
0x8f: {  	_ = 	snop  }
0x90: {  	s2 =	sld [smem:$0x3FD0];
	_ =	sdelay $0x2  }
0x91: {  	s15 =	simm.s32 $0xA;
	s4 =	simm.s32 $0x10  }
0x92: {  	[smem:s4], [sflag:s15] =	dma.local [hbm:s2], $0x1  }
0x93: {  	_ =	swait.eq [sflag:s15], $0x1  }
0x94: {  	[sflag:s15] =	ssyncset.done $0x0  }
0x95: {  	s16 =	sld [smem:$0x12];
	[sflag:s15] =	ssyncadd.s32 $0xFFFFFFFF  }
0x96: {  	s17 =	sld [smem:$0x15];
	(tm) =	ssettm $0x1  }
0x97: {  	s18 =	sld [smem:$0x3FFB];
	_ =	sdelay $0x3  }
0x98: {  	_ =	strace s18  }
0x99: {  	s4 =	sld [smem:$0x3FFC];
	_ =	sdelay $0x3  }
0x9a: {  	_ =	strace s4  }
0x9b: {  	s4 =	sld [smem:$0x3FFD];
	_ =	sdelay $0x3  }
0x9c: {  	_ =	strace s4  }
0x9d: {  	_ =	strace $0x8FFFFFFF  }
0x9e: {  	s19 =	sld [smem:$0x3FDB];
	_ =	sdelay $0x1  }
0x9f: {  	s5 =	simm.s32 $_scs_section_size  }
0xa0: {  	s6 =	simm.s32 $_size__tile_overlayer_lowered;
	s7 =	simm.s32 $_tile_overlayer_lowered  }
0xa1: {  	s22 =	simm.s32 $0x1BFF;
	s21 =	sshll.u32 s7, $0x1;
	s4 =	sadd.s32 s5, s19  }
0xa2: {  	s8 =	simm.s32 $0x0;
	s20 =	sshll.u32 s6, $0x1;
	s6 =	sadd.s32 s21, s4  }
0xa3: {  	[timem:s8], [sflag:s22] =	dma.local [hbm:s6], s20  }
0xa4: {  	_ =	swait.ge [sflag:s22], s20  }
0xa5: {  	s5 =	ssub.s32 $0x0, s20;
	[sflag:s22] =	ssyncset.done $0x0  }
0xa6: {  	[sflag:s22] =	ssyncadd.s32 s5;
	_ =	sdelay $0x1  }
0xa7: {  	s23 =	simm.s32 $0x1B8B  }
0xa8: {  	_ =	swait.ge [sflag:s23], $0x1  }
0xa9: {  	[sflag:s23] =	ssyncset.done $0x0  }
0xaa: {  	s25 =	simm.s32 $0x1B8E;
	s24 =	sld [smem:$0x3FFE];
	[sflag:s23] =	ssyncadd.s32 $0xFFFFFFFF  }
0xab: {  	s26 =	simm.s32 $execute0_lowered;
	[smem:$0x3FD2] =	sst s25  }
0xac: {  	s6 =	sshll.u32 s26, $0x1;
	_ =	strace $0x8000004C;
	[dreg:$0x1] =	wrdreg $0xFFFFFFFF  }
0xad: {  	s28 =	simm.s32 $_size_execute0_lowered;
	s4 =	sadd.s32 s4, s6;
	[dreg:$0x0] =	wrdreg $0x0  }
0xae: {  	s6 =	sshll.u32 s28, $0x1;
	[dreg:$0x2] =	wrdreg s4  }
0xaf: {  	[dreg:$0x3] =	wrdreg s6  }
0xb0: {  	[dreg:$0x4] =	wrdreg $0xC0  }
0xb1: {  	_ =	task [dreg:s8], $0x5FFFF  }
0xb2: {  	[dreg:$0x1] =	wrdreg $0xFFFFFFFF  }
0xb3: {  	[dreg:$0x0] =	wrdreg $0x60  }
0xb4: {  	[dreg:$0x2] =	wrdreg s24  }
0xb5: {  	[dreg:$0x3] =	wrdreg s16  }
0xb6: {  	[dreg:$0x4] =	wrdreg s17  }
0xb7: {  	[dreg:$0x5] =	wrdreg $0x9  }
0xb8: {  	_ =	task.clear_ibuf [dreg:s8], $0x6FFFF;
	_ =	strace $0x9000004C  }
0xb9: {  	s29 =	simm.s32 $0x9;
	_ =	strace $0x8000004E  }
0xba: {  	_ =	swait.ge [sflag:s29], $0x1  }
0xbb: {  	[sflag:s29] =	ssyncadd.s32 $0xFFFFFFFF  }
0xbc: {  	_ =	strace $0x9000004E  }
0xbd: {  	_ =	sfence  }
0xbe: {  	s30 =	sld [smem:$0x0];
	_ =	sdelay $0x2  }
0xbf: {  	s31 =	sshll.u32 s1, $0xD;
	s1 =	sshrl.u32 s1, $0x2  }
0xc0: {  	s3 =	sand.u32 $0x4000, s31;
	s1 =	sadd.s32 s1, s30  }
0xc1: {  	s0 =	sor.u32 s3, s0;
	s1 =	sshll.u32 s1, $0x11  }
0xc2: {  	s0 =	sor.u32 s1, s0  }
0xc3: {  	s0 =	sadd.s32 $0x8F2B, s0  }
0xc4: {  	[sflag:s0] =	ssyncadd.remote.s32 $0x1  }
0xc5: {  	_ =	sfence.sel $0xFFFF  }
0xc6: {  	[dreg:$0x0] =	wrdreg $0xFFFFFFFF;
	(pc) =	sbr.abs _section_cstart, $3  }
0xc7: {  	[dreg:$0x1] =	wrdreg $0xFFFFFFFF  }
0xc8: {  	_ =	task.clear_ibuf [dreg:s8], $0x2FFFF;
	_ =	strace $0x9FFFFFFF  }
0xc9: {  	(tm) =	ssettm $0x7FFFFFFF  }
tec
execute0_lowered:
.L_overlay_start_1:
0x0: {  	(tag) =	ssettag $0x1  }
0x1: {  	s5 =	rddreg [dreg:$0x0]  }
0x2: {  	s1 =	srdreg.scid;
	s3 =	rddreg [dreg:$0x1]  }
0x3: {  	s0 =	stileid.u32;
	s9 =	rddreg [dreg:$0x2];
	s6 =	sand.u32 $0x1, s1  }
0x4: {  	s2 =	simm.s32 $0x0;
	s4 =	sshll.u32 s0, $0x4;
	s7 =	sshll.u32 s6, $0x3  }
0x5: {  	s8 =	simm.s32 $0x1;
	[smem:$0x7FF] =	sst s2;
	s10 =	sor.u32 s7, s4  }
0x6: {  	s1 =	rddreg [dreg:$0x3];
	_ =	strace $0x8000004D;
	s4 =	sshrl.u32 s10, $0x3  }
0x7: {  	s11 =	ssub.s32 $0x2, s6;
	s4 =	sadd.s32 s3, s4;
	s3 =	simm.s32 $0x2  }
0x8: {  	[tilespmem:s2], [sflag:$0x2] =	stream.linear.gather [hbm4b:s4+s2], $0x8, $0x38;
	[tilespmem:$0x480] =	vst v63  }
0x9: {  	s5 =	sadd.s32 $0x2E00, s5;
	s12 =	sshrl.u32 s11, $0x1;
	_ =	swait.ge [sflag:s3], $0x8  }
0xa: {  	s6 =	simm.s32 $0x8;
	s11 =	ssub.s32 s11, s12;
	[sflag:s3] =	ssyncset.done $0x0  }
0xb: {  	s7 =	simm.s32 $0x80;
	s31 =	smax.u32 s11, $0x1;
	[sflag:s3] =	ssyncadd.s32 $0xFFFFFFF8  }
0xc: {  	[tilespmem:s7], [sflag:$0x1] =	stream.indirect.gather [hbm4b:s5+s6], $0x80, s2, s6, $0xb8;
	[tilespmem:$0x480] =	vst v63  }
0xd: {  	p0 =	sne.s32 s31, $0x1;
	_ =	swait.ge [sflag:s8], $0x400  }
.Ltmp0:
0xe: {  	s10 =	sshll.u32 s10, $0x4;
	[sflag:s8] =	ssyncset.done $0x0;
	(pc) =	sbr.rel @!p0 .LBB2_2-.Ltmp0, $4  }
0xf: {  	s9 =	sadd.s32 s9, s10;
	[sflag:s8] =	ssyncadd.s32 $0xFFFFFC00  }
0x10: {  	[hbm4b:s9+s2] =	stream.linear.scatter [tilespmem:s7], [sflag:$0x2], $0x400, $0x38;
	[tilespmem:$0x480] =	vst v63  }
0x11: {  	_ =	swait.ge [sflag:s3], $0x400  }
0x12: {  	s10 =	sadd.s32 $0xFFFFFFFF, s31;
	[sflag:s3] =	ssyncset.done $0x0  }
.LBB2_1:
0x13: {  	p0 =	sne.s32 s10, $0x1;
	s10 =	sadd.s32 $0xFFFFFFFF, s10;
	[sflag:s3] =	ssyncadd.s32 $0xFFFFFC00  }
0x14: {  	[tilespmem:s2], [sflag:$0x2] =	stream.linear.gather [hbm4b:s4+s2], $0x8, $0x38;
	[tilespmem:$0x480] =	vst v63  }
0x15: {  	_ =	swait.ge [sflag:s3], $0x8  }
0x16: {  	[sflag:s3] =	ssyncset.done $0x0  }
0x17: {  	[sflag:s3] =	ssyncadd.s32 $0xFFFFFFF8  }
0x18: {  	[tilespmem:s7], [sflag:$0x1] =	stream.indirect.gather [hbm4b:s5+s6], $0x80, s2, s6, $0xb8;
	[tilespmem:$0x480] =	vst v63  }
0x19: {  	_ =	swait.ge [sflag:s8], $0x400  }
.Ltmp1:
0x1a: {  	[sflag:s8] =	ssyncset.done $0x0;
	(pc) =	sbr.rel @p0 .LBB2_1-.Ltmp1, $4  }
0x1b: {  	[sflag:s8] =	ssyncadd.s32 $0xFFFFFC00  }
0x1c: {  	[hbm4b:s9+s2] =	stream.linear.scatter [tilespmem:s7], [sflag:$0x2], $0x400, $0x38;
	[tilespmem:$0x480] =	vst v63  }
0x1d: {  	_ =	swait.ge [sflag:s3], $0x400  }
0x1e: {  	[sflag:s3] =	ssyncset.done $0x0  }
.LBB2_2:
0x1f: {  	[sflag:s3] =	ssyncadd.s32 $0xFFFFFC00  }
0x20: {  	_ =	sfence.sel $0x180000  }
0x21: {  	[bflag:$0x0] =	sbarrier.arrive $0xFFFF  }
0x22: {  	p0 =	sne.s32 s0, $0x0;
	_ =	strace $0x9000004D  }
0x23: {  	s0 =	sadd.s32 @!p0 $0x100000, s1;
	[bflag:$0x2] =	sbarrier.arrive $0xFFFF  }
0x24: {  	[sflag:s0] =	ssyncadd.tile.s32 @!p0 $0x1;
	_ =	shalt  }
.Lfunc_end2:
_tile_overlayer_lowered:
.L_overlay_start_2:
0x25: {  	(tag) =	ssettag $0x2  }
0x26: {  	s0 =	rddreg [dreg:$0x0];
	s2 =	stileid.u32  }
0x27: {  	s1 =	rddreg [dreg:$0x1];
	p0 =	sne.s32 s2, $0x0  }
0x28: {  	s3 =	rddreg [dreg:$0x2];
	[bflag:$0x3] =	sbarrier.arrive $0xFFFF;
	s2 =	simm.s32 @!p0 $0x1C02  }
0x29: {  	[timem:s3], [sflag:s2] =	dma.local @!p0 [hbm:s0], s1  }
0x2a: {  	s0 =	simm.s32 @!p0 $0x2  }
0x2b: {  	_ =	swait.ge @!p0 [sflag:s0], s1  }
0x2c: {  	s1 =	ssub.s32 @!p0 $0x0, s1;
	[sflag:s0] =	ssyncset.done @!p0 $0x0  }
0x2d: {  	[sflag:s0] =	ssyncadd.s32 @!p0 s1  }
0x2e: {  	[bflag:$0x3] =	sbarrier.arrive $0xFFFF  }
0x2f: {  	_ =	shalt  }

// kernel: kernel.27.cloned.1.call-start
scs
__scs_entry_jumppad:
0x0: {  	(pc) =	sbr.rel $0x88, $3  }
0x1: {  	(tag) =	ssettag $0x0;
	lr =	simm.s32 $0x1  }
0x2: {  	[smem:$0x3F9D] =	sst lr;
	_ =	strace $0xD0000000  }
0x3: {  	_ = 	snop  }
0x4: {  	_ = 	snop  }
0x5: {  	_ = 	snop  }
0x6: {  	_ = 	snop  }
0x7: {  	_ = 	snop  }
__scs_overlays_trampoline_lowered:
0x8: {  	[smem:$0x3FAC] =	sst s0  }
0x9: {  	[smem:$0x3FAD] =	sst s1  }
0xa: {  	[smem:$0x3FAE] =	sst s2  }
0xb: {  	[smem:$0x3FAF] =	sst s3  }
0xc: {  	[smem:$0x3FB0] =	sst s4  }
0xd: {  	[smem:$0x3FB1] =	sst s5  }
0xe: {  	[smem:$0x3FB2] =	sst s6  }
0xf: {  	[smem:$0x3FB3] =	sst s7  }
0x10: {  	[smem:$0x3FB4] =	sst s8  }
0x11: {  	[smem:$0x3FB5] =	sst s9;
	s0 =	simm.s32 @!p0 $0x0  }
0x12: {  	s1 =	sld [smem:$0x3F9B];
	s0 =	simm.s32 @p0 $0x1  }
0x13: {  	[smem:$0x3FB6] =	sst s0;
	s0 =	simm.s32 @!p1 $0x0  }
0x14: {  	s2 =	sld [smem:$0x3F9A];
	s0 =	simm.s32 @p1 $0x1  }
0x15: {  	[smem:$0x3FB7] =	sst s0;
	s0 =	simm.s32 @!p2 $0x0  }
0x16: {  	s3 =	sld [smem:$0x3FDB];
	s0 =	simm.s32 @p2 $0x1  }
0x17: {  	s4 =	simm.s32 $0x1BF5;
	[smem:$0x3FB9] =	sst s0  }
0x18: {  	s0 =	sld [smem:$0x3F9C];
	_ =	swait.ge [sflag:s4], $0x0  }
0x19: {  	s7 =	sld [smem:$0x3F9D]  }
0x1a: {  	s8 =	sadd.s32 $0xFFFFE003, lr  }
0x1b: {  	s9 =	sadd.s32 $0xFFFFFEF7, lr;
	s5 =	simm.s32 $0xFFFFFFFF;
	p2 =	slt.u32 s8, $0xFFFFF086  }
0x1c: {  	p1 =	slt.u32 s9, $0xF7A;
	s5 =	simm.s32 @!p2 $0x0  }
0x1d: {  	s5 =	simm.s32 @p1 $0x1;
	p0 =	seq.s32 s7, s2  }
0x1e: {  	s7 =	smul.u32 @!p0 $0xF7A, s2;
	p2 =	seq.s32 @!p0 s5, $0x0  }
0x1f: {  	s9 =	smul.u32 $0xF7A, s1;
	s8 =	simm.s32 @!p0 $0x1BF5;
	p2 =	por !p2, p0  }
0x20: {  	[sflag:s8] =	ssyncset.s32 @!p0 $0xFFFFF086;
	s6 =	sadd.s32 @!p0 s3, s7;
	s7 =	simm.s32 @!p0 $0x108  }
0x21: {  	s3 =	sadd.s32 s3, s9;
	s6 =	sadd.s32 @!p0 $0x88, s6;
	s7 =	simm.s32 @p2 $0x1082  }
0x22: {  	[simem:s7], [sflag:s8] =	dma.local @!p0 [hbm:s6], $0xF7A  }
0x23: {  	s9 =	sor.u32 $0xD0000000, s2;
	s6 =	simm.s32 $0x108;
	_ =	swait.ge @!p0 [sflag:s8], $0x0  }
0x24: {  	s3 =	sadd.s32 $0x88, s3;
	s6 =	simm.s32 @!p1 $0x1082;
	[sflag:s4] =	ssyncset.s32 $0xFFFFF086  }
0x25: {  	[simem:s6], [sflag:s4] =	dma.local [hbm:s3], $0xF7A  }
0x26: {  	[smem:$0x3F9D] =	sst s1;
	(tag) =	ssettag s2;
	_ =	strace s9  }
0x27: {  	s1 =	sld [smem:$0x3FAD]  }
0x28: {  	s2 =	sld [smem:$0x3FAE]  }
0x29: {  	s4 =	sld [smem:$0x3FB0]  }
0x2a: {  	p0 =	seq.s32 s5, $0x0;
	s5 =	sld [smem:$0x3FB1]  }
0x2b: {  	s6 =	sld [smem:$0x3FB2]  }
0x2c: {  	s7 =	sld [smem:$0x3FB3]  }
0x2d: {  	s3 =	simm.s32 $0x108;
	s8 =	sld [smem:$0x3FB4]  }
0x2e: {  	s3 =	simm.s32 @!p0 $0x1082;
	s9 =	sld [smem:$0x3FB5]  }
0x2f: {  	lr =	sadd.s32 s0, s3;
	s0 =	sld [smem:$0x3FAC]  }
0x30: {  	s3 =	sld [smem:$0x3FAF]  }
0x31: {  	[smem:$0x3FB8] =	sst s10  }
0x32: {  	s10 =	sld [smem:$0x3FB6];
	_ =	sdelay $0x3  }
0x33: {  	p0 =	seq.s32 s10, $0x1;
	s10 =	sld [smem:$0x3FB8];
	_ =	sdelay $0x3  }
0x34: {  	[smem:$0x3FB8] =	sst s10  }
0x35: {  	s10 =	sld [smem:$0x3FB7];
	_ =	sdelay $0x3  }
0x36: {  	p1 =	seq.s32 s10, $0x1;
	s10 =	sld [smem:$0x3FB8];
	_ =	sdelay $0x3  }
0x37: {  	[smem:$0x3FB8] =	sst s10  }
0x38: {  	s10 =	sld [smem:$0x3FB9]  }
0x39: {  	_ = 	snop;
	(pc) =	sbr.ind lr, $3  }
0x3a: {  	_ = 	snop  }
0x3b: {  	_ = 	snop  }
0x3c: {  	p2 =	seq.s32 s10, $0x1;
	s10 =	sld [smem:$0x3FB8]  }
0x3d: {  	_ =	shalt  }
0x3e: {  	_ =	shalt  }
0x3f: {  	_ =	shalt  }
0x40: {  	_ =	shalt  }
0x41: {  	_ =	shalt  }
0x42: {  	_ =	shalt  }
0x43: {  	_ =	shalt  }
0x44: {  	_ =	shalt  }
0x45: {  	_ =	shalt  }
0x46: {  	_ =	shalt  }
0x47: {  	_ =	shalt  }
0x48: {  	_ =	shalt  }
0x49: {  	_ =	shalt  }
0x4a: {  	_ =	shalt  }
0x4b: {  	_ =	shalt  }
0x4c: {  	_ =	shalt  }
0x4d: {  	_ =	shalt  }
0x4e: {  	_ =	shalt  }
0x4f: {  	_ =	shalt  }
0x50: {  	_ =	shalt  }
0x51: {  	_ =	shalt  }
0x52: {  	_ =	shalt  }
0x53: {  	_ =	shalt  }
0x54: {  	_ =	shalt  }
0x55: {  	_ =	shalt  }
0x56: {  	_ =	shalt  }
0x57: {  	_ =	shalt  }
0x58: {  	_ =	shalt  }
0x59: {  	_ =	shalt  }
0x5a: {  	_ =	shalt  }
0x5b: {  	_ =	shalt  }
0x5c: {  	_ =	shalt  }
0x5d: {  	_ =	shalt  }
0x5e: {  	_ =	shalt  }
0x5f: {  	_ =	shalt  }
0x60: {  	_ =	shalt  }
0x61: {  	_ =	shalt  }
0x62: {  	_ =	shalt  }
0x63: {  	_ =	shalt  }
0x64: {  	_ =	shalt  }
0x65: {  	_ =	shalt  }
0x66: {  	_ =	shalt  }
0x67: {  	_ =	shalt  }
0x68: {  	_ =	shalt  }
0x69: {  	_ =	shalt  }
0x6a: {  	_ =	shalt  }
0x6b: {  	_ =	shalt  }
0x6c: {  	_ =	shalt  }
0x6d: {  	_ =	shalt  }
0x6e: {  	_ =	shalt  }
0x6f: {  	_ =	shalt  }
0x70: {  	_ =	shalt  }
0x71: {  	_ =	shalt  }
0x72: {  	_ =	shalt  }
0x73: {  	_ =	shalt  }
0x74: {  	_ =	shalt  }
0x75: {  	_ =	shalt  }
0x76: {  	_ =	shalt  }
0x77: {  	_ =	shalt  }
0x78: {  	_ =	shalt  }
0x79: {  	_ =	shalt  }
0x7a: {  	_ =	shalt  }
0x7b: {  	_ =	shalt  }
0x7c: {  	_ =	shalt  }
0x7d: {  	_ =	shalt  }
0x7e: {  	_ =	shalt  }
0x7f: {  	_ =	shalt  }
0x80: {  	_ =	shalt  }
0x81: {  	_ =	shalt  }
0x82: {  	_ =	shalt  }
0x83: {  	_ =	shalt  }
0x84: {  	_ =	shalt  }
0x85: {  	_ =	shalt  }
0x86: {  	_ =	shalt  }
0x87: {  	_ =	shalt  }
.Lfunc_end0:
.L_simem_size_0:
called_computation.3_lowered:
.L_overlay_start_0:
0x88: {  	s2 =	sld [smem:$0x3FD9]  }
0x89: {  	s3 =	sld [smem:$0x3FFE];
	_ =	sdelay $0x1  }
0x8a: {  	s1 =	srdreg.scid  }
0x8b: {  	s0 =	sand.u32 $0x1, s1  }
0x8c: {  	s14 =	sshll.u32 s0, $0xA;
	s2 =	sadd.s32 s3, s2  }
0x8d: {  	s2 =	sadd.s32 s2, s14  }
0x8e: {  	[smem:$0x3FC4] =	sst s2  }
0x8f: {  	_ = 	snop  }
0x90: {  	s2 =	sld [smem:$0x3FD0];
	_ =	sdelay $0x2  }
0x91: {  	s15 =	simm.s32 $0xA;
	s4 =	simm.s32 $0x10  }
0x92: {  	[smem:s4], [sflag:s15] =	dma.local [hbm:s2], $0x1  }
0x93: {  	_ =	swait.eq [sflag:s15], $0x1  }
0x94: {  	[sflag:s15] =	ssyncset.done $0x0  }
0x95: {  	s16 =	sld [smem:$0x10];
	[sflag:s15] =	ssyncadd.s32 $0xFFFFFFFF  }
0x96: {  	s17 =	sld [smem:$0x13];
	(tm) =	ssettm $0x1  }
0x97: {  	s18 =	sld [smem:$0x3FFB];
	_ =	sdelay $0x3  }
0x98: {  	_ =	strace s18  }
0x99: {  	s4 =	sld [smem:$0x3FFC];
	_ =	sdelay $0x3  }
0x9a: {  	_ =	strace s4  }
0x9b: {  	s4 =	sld [smem:$0x3FFD];
	_ =	sdelay $0x3  }
0x9c: {  	_ =	strace s4  }
0x9d: {  	_ =	strace $0x8FFFFFFF  }
0x9e: {  	s19 =	sld [smem:$0x3FDB];
	_ =	sdelay $0x1  }
0x9f: {  	s5 =	simm.s32 $_scs_section_size  }
0xa0: {  	s6 =	simm.s32 $_size__tile_overlayer_lowered;
	s7 =	simm.s32 $_tile_overlayer_lowered  }
0xa1: {  	s22 =	simm.s32 $0x1BFF;
	s21 =	sshll.u32 s7, $0x1;
	s4 =	sadd.s32 s5, s19  }
0xa2: {  	s8 =	simm.s32 $0x0;
	s20 =	sshll.u32 s6, $0x1;
	s6 =	sadd.s32 s21, s4  }
0xa3: {  	[timem:s8], [sflag:s22] =	dma.local [hbm:s6], s20  }
0xa4: {  	_ =	swait.ge [sflag:s22], s20  }
0xa5: {  	s5 =	ssub.s32 $0x0, s20;
	[sflag:s22] =	ssyncset.done $0x0  }
0xa6: {  	[sflag:s22] =	ssyncadd.s32 s5;
	_ =	sdelay $0x1  }
0xa7: {  	s23 =	simm.s32 $0x1B8B  }
0xa8: {  	_ =	swait.ge [sflag:s23], $0x1  }
0xa9: {  	[sflag:s23] =	ssyncset.done $0x0  }
0xaa: {  	s25 =	simm.s32 $0x1B8E;
	s24 =	sld [smem:$0x3FFE];
	[sflag:s23] =	ssyncadd.s32 $0xFFFFFFFF  }
0xab: {  	s26 =	simm.s32 $execute0_lowered;
	[smem:$0x3FD2] =	sst s25  }
0xac: {  	s6 =	sshll.u32 s26, $0x1;
	_ =	strace $0x8000004F;
	[dreg:$0x1] =	wrdreg $0xFFFFFFFF  }
0xad: {  	s28 =	simm.s32 $_size_execute0_lowered;
	s4 =	sadd.s32 s4, s6;
	[dreg:$0x0] =	wrdreg $0x0  }
0xae: {  	s6 =	sshll.u32 s28, $0x1;
	[dreg:$0x2] =	wrdreg s4  }
0xaf: {  	[dreg:$0x3] =	wrdreg s6  }
0xb0: {  	[dreg:$0x4] =	wrdreg $0xC0  }
0xb1: {  	_ =	task [dreg:s8], $0x5FFFF  }
0xb2: {  	[dreg:$0x1] =	wrdreg $0xFFFFFFFF  }
0xb3: {  	[dreg:$0x0] =	wrdreg $0x60  }
0xb4: {  	[dreg:$0x2] =	wrdreg s24  }
0xb5: {  	[dreg:$0x3] =	wrdreg s17  }
0xb6: {  	[dreg:$0x4] =	wrdreg s16  }
0xb7: {  	[dreg:$0x5] =	wrdreg $0x9  }
0xb8: {  	_ =	task.clear_ibuf [dreg:s8], $0x6FFFF;
	_ =	strace $0x9000004F  }
0xb9: {  	s29 =	simm.s32 $0x9;
	_ =	strace $0x80000051  }
0xba: {  	_ =	swait.ge [sflag:s29], $0x1  }
0xbb: {  	[sflag:s29] =	ssyncadd.s32 $0xFFFFFFFF  }
0xbc: {  	_ =	strace $0x90000051  }
0xbd: {  	_ =	sfence  }
0xbe: {  	s30 =	sld [smem:$0x0];
	_ =	sdelay $0x2  }
0xbf: {  	s31 =	sshll.u32 s1, $0xD;
	s1 =	sshrl.u32 s1, $0x2  }
0xc0: {  	s3 =	sand.u32 $0x4000, s31;
	s1 =	sadd.s32 s1, s30  }
0xc1: {  	s0 =	sor.u32 s3, s0;
	s1 =	sshll.u32 s1, $0x11  }
0xc2: {  	s0 =	sor.u32 s1, s0  }
0xc3: {  	s0 =	sadd.s32 $0x8F2B, s0  }
0xc4: {  	[sflag:s0] =	ssyncadd.remote.s32 $0x1  }
0xc5: {  	_ =	sfence.sel $0xFFFF  }
0xc6: {  	[dreg:$0x0] =	wrdreg $0xFFFFFFFF;
	(pc) =	sbr.abs _section_cstart, $3  }
0xc7: {  	[dreg:$0x1] =	wrdreg $0xFFFFFFFF  }
0xc8: {  	_ =	task.clear_ibuf [dreg:s8], $0x2FFFF;
	_ =	strace $0x9FFFFFFF  }
0xc9: {  	(tm) =	ssettm $0x7FFFFFFF  }
tec
execute0_lowered:
.L_overlay_start_1:
0x0: {  	(tag) =	ssettag $0x1  }
0x1: {  	s5 =	rddreg [dreg:$0x0]  }
0x2: {  	s1 =	srdreg.scid;
	s3 =	rddreg [dreg:$0x1]  }
0x3: {  	s0 =	stileid.u32;
	s9 =	rddreg [dreg:$0x2];
	s6 =	sand.u32 $0x1, s1  }
0x4: {  	s2 =	simm.s32 $0x0;
	s4 =	sshll.u32 s0, $0x6;
	s7 =	sshll.u32 s6, $0x5  }
0x5: {  	s8 =	simm.s32 $0x1;
	[smem:$0x7FF] =	sst s2;
	s10 =	sor.u32 s7, s4  }
0x6: {  	s1 =	rddreg [dreg:$0x3];
	_ =	strace $0x80000050;
	s4 =	sshrl.u32 s10, $0x3  }
0x7: {  	s11 =	ssub.s32 $0x2, s6;
	s4 =	sadd.s32 s3, s4;
	s3 =	simm.s32 $0x2  }
0x8: {  	[tilespmem:s2], [sflag:$0x2] =	stream.linear.gather [hbm4b:s4+s2], $0x20, $0x38;
	[tilespmem:$0x1080] =	vst v63  }
0x9: {  	s5 =	sadd.s32 $0x2E00, s5;
	s12 =	sshrl.u32 s11, $0x1;
	_ =	swait.ge [sflag:s3], $0x20  }
0xa: {  	s6 =	simm.s32 $0x20;
	s11 =	ssub.s32 s11, s12;
	[sflag:s3] =	ssyncset.done $0x0  }
0xb: {  	s7 =	simm.s32 $0x80;
	s31 =	smax.u32 s11, $0x1;
	[sflag:s3] =	ssyncadd.s32 $0xFFFFFFE0  }
0xc: {  	[tilespmem:s7], [sflag:$0x1] =	stream.indirect.gather [hbm4b:s5+s6], $0x80, s2, s6, $0xb8;
	[tilespmem:$0x1080] =	vst v63  }
0xd: {  	p0 =	sne.s32 s31, $0x1;
	_ =	swait.ge [sflag:s8], $0x1000  }
.Ltmp0:
0xe: {  	s10 =	sshll.u32 s10, $0x4;
	[sflag:s8] =	ssyncset.done $0x0;
	(pc) =	sbr.rel @!p0 .LBB2_2-.Ltmp0, $4  }
0xf: {  	s9 =	sadd.s32 s9, s10;
	[sflag:s8] =	ssyncadd.s32 $0xFFFFF000  }
0x10: {  	[hbm4b:s9+s2] =	stream.linear.scatter [tilespmem:s7], [sflag:$0x2], $0x1000, $0x38;
	[tilespmem:$0x1080] =	vst v63  }
0x11: {  	_ =	swait.ge [sflag:s3], $0x1000  }
0x12: {  	s10 =	sadd.s32 $0xFFFFFFFF, s31;
	[sflag:s3] =	ssyncset.done $0x0  }
.LBB2_1:
0x13: {  	p0 =	sne.s32 s10, $0x1;
	s10 =	sadd.s32 $0xFFFFFFFF, s10;
	[sflag:s3] =	ssyncadd.s32 $0xFFFFF000  }
0x14: {  	[tilespmem:s2], [sflag:$0x2] =	stream.linear.gather [hbm4b:s4+s2], $0x20, $0x38;
	[tilespmem:$0x1080] =	vst v63  }
0x15: {  	_ =	swait.ge [sflag:s3], $0x20  }
0x16: {  	[sflag:s3] =	ssyncset.done $0x0  }
0x17: {  	[sflag:s3] =	ssyncadd.s32 $0xFFFFFFE0  }
0x18: {  	[tilespmem:s7], [sflag:$0x1] =	stream.indirect.gather [hbm4b:s5+s6], $0x80, s2, s6, $0xb8;
	[tilespmem:$0x1080] =	vst v63  }
0x19: {  	_ =	swait.ge [sflag:s8], $0x1000  }
.Ltmp1:
0x1a: {  	[sflag:s8] =	ssyncset.done $0x0;
	(pc) =	sbr.rel @p0 .LBB2_1-.Ltmp1, $4  }
0x1b: {  	[sflag:s8] =	ssyncadd.s32 $0xFFFFF000  }
0x1c: {  	[hbm4b:s9+s2] =	stream.linear.scatter [tilespmem:s7], [sflag:$0x2], $0x1000, $0x38;
	[tilespmem:$0x1080] =	vst v63  }
0x1d: {  	_ =	swait.ge [sflag:s3], $0x1000  }
0x1e: {  	[sflag:s3] =	ssyncset.done $0x0  }
.LBB2_2:
0x1f: {  	[sflag:s3] =	ssyncadd.s32 $0xFFFFF000  }
0x20: {  	_ =	sfence.sel $0x180000  }
0x21: {  	[bflag:$0x0] =	sbarrier.arrive $0xFFFF  }
0x22: {  	p0 =	sne.s32 s0, $0x0;
	_ =	strace $0x90000050  }
0x23: {  	s0 =	sadd.s32 @!p0 $0x100000, s1;
	[bflag:$0x2] =	sbarrier.arrive $0xFFFF  }
0x24: {  	[sflag:s0] =	ssyncadd.tile.s32 @!p0 $0x1;
	_ =	shalt  }
.Lfunc_end2:
_tile_overlayer_lowered:
.L_overlay_start_2:
0x25: {  	(tag) =	ssettag $0x2  }
0x26: {  	s0 =	rddreg [dreg:$0x0];
	s2 =	stileid.u32  }
0x27: {  	s1 =	rddreg [dreg:$0x1];
	p0 =	sne.s32 s2, $0x0  }
0x28: {  	s3 =	rddreg [dreg:$0x2];
	[bflag:$0x3] =	sbarrier.arrive $0xFFFF;
	s2 =	simm.s32 @!p0 $0x1C02  }
0x29: {  	[timem:s3], [sflag:s2] =	dma.local @!p0 [hbm:s0], s1  }
0x2a: {  	s0 =	simm.s32 @!p0 $0x2  }
0x2b: {  	_ =	swait.ge @!p0 [sflag:s0], s1  }
0x2c: {  	s1 =	ssub.s32 @!p0 $0x0, s1;
	[sflag:s0] =	ssyncset.done @!p0 $0x0  }
0x2d: {  	[sflag:s0] =	ssyncadd.s32 @!p0 s1  }
0x2e: {  	[bflag:$0x3] =	sbarrier.arrive $0xFFFF  }
0x2f: {  	_ =	shalt  }

// kernel: kernel.30.cloned.1.call-start
scs
__scs_entry_jumppad:
0x0: {  	(pc) =	sbr.rel $0x88, $3  }
0x1: {  	(tag) =	ssettag $0x0;
	lr =	simm.s32 $0x1  }
0x2: {  	[smem:$0x3F9D] =	sst lr;
	_ =	strace $0xD0000000  }
0x3: {  	_ = 	snop  }
0x4: {  	_ = 	snop  }
0x5: {  	_ = 	snop  }
0x6: {  	_ = 	snop  }
0x7: {  	_ = 	snop  }
__scs_overlays_trampoline_lowered:
0x8: {  	[smem:$0x3FAC] =	sst s0  }
0x9: {  	[smem:$0x3FAD] =	sst s1  }
0xa: {  	[smem:$0x3FAE] =	sst s2  }
0xb: {  	[smem:$0x3FAF] =	sst s3  }
0xc: {  	[smem:$0x3FB0] =	sst s4  }
0xd: {  	[smem:$0x3FB1] =	sst s5  }
0xe: {  	[smem:$0x3FB2] =	sst s6  }
0xf: {  	[smem:$0x3FB3] =	sst s7  }
0x10: {  	[smem:$0x3FB4] =	sst s8  }
0x11: {  	[smem:$0x3FB5] =	sst s9;
	s0 =	simm.s32 @!p0 $0x0  }
0x12: {  	s1 =	sld [smem:$0x3F9B];
	s0 =	simm.s32 @p0 $0x1  }
0x13: {  	[smem:$0x3FB6] =	sst s0;
	s0 =	simm.s32 @!p1 $0x0  }
0x14: {  	s2 =	sld [smem:$0x3F9A];
	s0 =	simm.s32 @p1 $0x1  }
0x15: {  	[smem:$0x3FB7] =	sst s0;
	s0 =	simm.s32 @!p2 $0x0  }
0x16: {  	s3 =	sld [smem:$0x3FDB];
	s0 =	simm.s32 @p2 $0x1  }
0x17: {  	s4 =	simm.s32 $0x1BF5;
	[smem:$0x3FB9] =	sst s0  }
0x18: {  	s0 =	sld [smem:$0x3F9C];
	_ =	swait.ge [sflag:s4], $0x0  }
0x19: {  	s7 =	sld [smem:$0x3F9D]  }
0x1a: {  	s8 =	sadd.s32 $0xFFFFE003, lr  }
0x1b: {  	s9 =	sadd.s32 $0xFFFFFEF7, lr;
	s5 =	simm.s32 $0xFFFFFFFF;
	p2 =	slt.u32 s8, $0xFFFFF086  }
0x1c: {  	p1 =	slt.u32 s9, $0xF7A;
	s5 =	simm.s32 @!p2 $0x0  }
0x1d: {  	s5 =	simm.s32 @p1 $0x1;
	p0 =	seq.s32 s7, s2  }
0x1e: {  	s7 =	smul.u32 @!p0 $0xF7A, s2;
	p2 =	seq.s32 @!p0 s5, $0x0  }
0x1f: {  	s9 =	smul.u32 $0xF7A, s1;
	s8 =	simm.s32 @!p0 $0x1BF5;
	p2 =	por !p2, p0  }
0x20: {  	[sflag:s8] =	ssyncset.s32 @!p0 $0xFFFFF086;
	s6 =	sadd.s32 @!p0 s3, s7;
	s7 =	simm.s32 @!p0 $0x108  }
0x21: {  	s3 =	sadd.s32 s3, s9;
	s6 =	sadd.s32 @!p0 $0x88, s6;
	s7 =	simm.s32 @p2 $0x1082  }
0x22: {  	[simem:s7], [sflag:s8] =	dma.local @!p0 [hbm:s6], $0xF7A  }
0x23: {  	s9 =	sor.u32 $0xD0000000, s2;
	s6 =	simm.s32 $0x108;
	_ =	swait.ge @!p0 [sflag:s8], $0x0  }
0x24: {  	s3 =	sadd.s32 $0x88, s3;
	s6 =	simm.s32 @!p1 $0x1082;
	[sflag:s4] =	ssyncset.s32 $0xFFFFF086  }
0x25: {  	[simem:s6], [sflag:s4] =	dma.local [hbm:s3], $0xF7A  }
0x26: {  	[smem:$0x3F9D] =	sst s1;
	(tag) =	ssettag s2;
	_ =	strace s9  }
0x27: {  	s1 =	sld [smem:$0x3FAD]  }
0x28: {  	s2 =	sld [smem:$0x3FAE]  }
0x29: {  	s4 =	sld [smem:$0x3FB0]  }
0x2a: {  	p0 =	seq.s32 s5, $0x0;
	s5 =	sld [smem:$0x3FB1]  }
0x2b: {  	s6 =	sld [smem:$0x3FB2]  }
0x2c: {  	s7 =	sld [smem:$0x3FB3]  }
0x2d: {  	s3 =	simm.s32 $0x108;
	s8 =	sld [smem:$0x3FB4]  }
0x2e: {  	s3 =	simm.s32 @!p0 $0x1082;
	s9 =	sld [smem:$0x3FB5]  }
0x2f: {  	lr =	sadd.s32 s0, s3;
	s0 =	sld [smem:$0x3FAC]  }
0x30: {  	s3 =	sld [smem:$0x3FAF]  }
0x31: {  	[smem:$0x3FB8] =	sst s10  }
0x32: {  	s10 =	sld [smem:$0x3FB6];
	_ =	sdelay $0x3  }
0x33: {  	p0 =	seq.s32 s10, $0x1;
	s10 =	sld [smem:$0x3FB8];
	_ =	sdelay $0x3  }
0x34: {  	[smem:$0x3FB8] =	sst s10  }
0x35: {  	s10 =	sld [smem:$0x3FB7];
	_ =	sdelay $0x3  }
0x36: {  	p1 =	seq.s32 s10, $0x1;
	s10 =	sld [smem:$0x3FB8];
	_ =	sdelay $0x3  }
0x37: {  	[smem:$0x3FB8] =	sst s10  }
0x38: {  	s10 =	sld [smem:$0x3FB9]  }
0x39: {  	_ = 	snop;
	(pc) =	sbr.ind lr, $3  }
0x3a: {  	_ = 	snop  }
0x3b: {  	_ = 	snop  }
0x3c: {  	p2 =	seq.s32 s10, $0x1;
	s10 =	sld [smem:$0x3FB8]  }
0x3d: {  	_ =	shalt  }
0x3e: {  	_ =	shalt  }
0x3f: {  	_ =	shalt  }
0x40: {  	_ =	shalt  }
0x41: {  	_ =	shalt  }
0x42: {  	_ =	shalt  }
0x43: {  	_ =	shalt  }
0x44: {  	_ =	shalt  }
0x45: {  	_ =	shalt  }
0x46: {  	_ =	shalt  }
0x47: {  	_ =	shalt  }
0x48: {  	_ =	shalt  }
0x49: {  	_ =	shalt  }
0x4a: {  	_ =	shalt  }
0x4b: {  	_ =	shalt  }
0x4c: {  	_ =	shalt  }
0x4d: {  	_ =	shalt  }
0x4e: {  	_ =	shalt  }
0x4f: {  	_ =	shalt  }
0x50: {  	_ =	shalt  }
0x51: {  	_ =	shalt  }
0x52: {  	_ =	shalt  }
0x53: {  	_ =	shalt  }
0x54: {  	_ =	shalt  }
0x55: {  	_ =	shalt  }
0x56: {  	_ =	shalt  }
0x57: {  	_ =	shalt  }
0x58: {  	_ =	shalt  }
0x59: {  	_ =	shalt  }
0x5a: {  	_ =	shalt  }
0x5b: {  	_ =	shalt  }
0x5c: {  	_ =	shalt  }
0x5d: {  	_ =	shalt  }
0x5e: {  	_ =	shalt  }
0x5f: {  	_ =	shalt  }
0x60: {  	_ =	shalt  }
0x61: {  	_ =	shalt  }
0x62: {  	_ =	shalt  }
0x63: {  	_ =	shalt  }
0x64: {  	_ =	shalt  }
0x65: {  	_ =	shalt  }
0x66: {  	_ =	shalt  }
0x67: {  	_ =	shalt  }
0x68: {  	_ =	shalt  }
0x69: {  	_ =	shalt  }
0x6a: {  	_ =	shalt  }
0x6b: {  	_ =	shalt  }
0x6c: {  	_ =	shalt  }
0x6d: {  	_ =	shalt  }
0x6e: {  	_ =	shalt  }
0x6f: {  	_ =	shalt  }
0x70: {  	_ =	shalt  }
0x71: {  	_ =	shalt  }
0x72: {  	_ =	shalt  }
0x73: {  	_ =	shalt  }
0x74: {  	_ =	shalt  }
0x75: {  	_ =	shalt  }
0x76: {  	_ =	shalt  }
0x77: {  	_ =	shalt  }
0x78: {  	_ =	shalt  }
0x79: {  	_ =	shalt  }
0x7a: {  	_ =	shalt  }
0x7b: {  	_ =	shalt  }
0x7c: {  	_ =	shalt  }
0x7d: {  	_ =	shalt  }
0x7e: {  	_ =	shalt  }
0x7f: {  	_ =	shalt  }
0x80: {  	_ =	shalt  }
0x81: {  	_ =	shalt  }
0x82: {  	_ =	shalt  }
0x83: {  	_ =	shalt  }
0x84: {  	_ =	shalt  }
0x85: {  	_ =	shalt  }
0x86: {  	_ =	shalt  }
0x87: {  	_ =	shalt  }
.Lfunc_end0:
.L_simem_size_0:
called_computation.4_lowered:
.L_overlay_start_0:
0x88: {  	s2 =	sld [smem:$0x3FD9]  }
0x89: {  	s3 =	sld [smem:$0x3FFE];
	_ =	sdelay $0x1  }
0x8a: {  	s1 =	srdreg.scid  }
0x8b: {  	s0 =	sand.u32 $0x1, s1  }
0x8c: {  	s14 =	sshll.u32 s0, $0xA;
	s2 =	sadd.s32 s3, s2  }
0x8d: {  	s2 =	sadd.s32 s2, s14  }
0x8e: {  	[smem:$0x3FC4] =	sst s2  }
0x8f: {  	_ = 	snop  }
0x90: {  	s2 =	sld [smem:$0x3FD0];
	_ =	sdelay $0x2  }
0x91: {  	s15 =	simm.s32 $0xA;
	s4 =	simm.s32 $0x10  }
0x92: {  	[smem:s4], [sflag:s15] =	dma.local [hbm:s2], $0x1  }
0x93: {  	_ =	swait.eq [sflag:s15], $0x1  }
0x94: {  	[sflag:s15] =	ssyncset.done $0x0  }
0x95: {  	[sflag:s15] =	ssyncadd.s32 $0xFFFFFFFF  }
0x96: {  	s16 =	sld [smem:$0x10];
	(tm) =	ssettm $0x1  }
0x97: {  	s17 =	sld [smem:$0x3FFB];
	_ =	sdelay $0x3  }
0x98: {  	_ =	strace s17  }
0x99: {  	s3 =	sld [smem:$0x3FFC];
	_ =	sdelay $0x3  }
0x9a: {  	_ =	strace s3  }
0x9b: {  	s3 =	sld [smem:$0x3FFD];
	_ =	sdelay $0x3  }
0x9c: {  	_ =	strace s3  }
0x9d: {  	_ =	strace $0x8FFFFFFF  }
0x9e: {  	s18 =	sld [smem:$0x3FDB];
	_ =	sdelay $0x1  }
0x9f: {  	s19 =	simm.s32 $_scs_section_size  }
0xa0: {  	s5 =	simm.s32 $_size__tile_overlayer_lowered;
	s6 =	simm.s32 $_tile_overlayer_lowered  }
0xa1: {  	s22 =	simm.s32 $0x1BFF;
	s21 =	sshll.u32 s6, $0x1;
	s3 =	sadd.s32 s19, s18  }
0xa2: {  	s7 =	simm.s32 $0x0;
	s20 =	sshll.u32 s5, $0x1;
	s5 =	sadd.s32 s21, s3  }
0xa3: {  	[timem:s7], [sflag:s22] =	dma.local [hbm:s5], s20  }
0xa4: {  	_ =	swait.ge [sflag:s22], s20  }
0xa5: {  	s4 =	ssub.s32 $0x0, s20;
	[sflag:s22] =	ssyncset.done $0x0  }
0xa6: {  	[sflag:s22] =	ssyncadd.s32 s4;
	_ =	sdelay $0x1  }
0xa7: {  	s23 =	simm.s32 $0x1B8B  }
0xa8: {  	_ =	swait.ge [sflag:s23], $0x1  }
0xa9: {  	[sflag:s23] =	ssyncset.done $0x0  }
0xaa: {  	s25 =	simm.s32 $0x1B8E;
	s24 =	sld [smem:$0x3FFE];
	[sflag:s23] =	ssyncadd.s32 $0xFFFFFFFF  }
0xab: {  	s26 =	simm.s32 $execute0_lowered;
	[smem:$0x3FD2] =	sst s25  }
0xac: {  	s5 =	sshll.u32 s26, $0x1;
	_ =	strace $0x80000052;
	[dreg:$0x1] =	wrdreg $0xFFFFFFFF  }
0xad: {  	s28 =	simm.s32 $_size_execute0_lowered;
	s3 =	sadd.s32 s3, s5;
	[dreg:$0x0] =	wrdreg $0x0  }
0xae: {  	s5 =	sshll.u32 s28, $0x1;
	[dreg:$0x2] =	wrdreg s3  }
0xaf: {  	[dreg:$0x3] =	wrdreg s5  }
0xb0: {  	[dreg:$0x4] =	wrdreg $0xC0  }
0xb1: {  	_ =	task [dreg:s7], $0x5FFFF  }
0xb2: {  	[dreg:$0x1] =	wrdreg $0xFFFFFFFF  }
0xb3: {  	[dreg:$0x0] =	wrdreg $0x60  }
0xb4: {  	[dreg:$0x2] =	wrdreg s24  }
0xb5: {  	[dreg:$0x3] =	wrdreg s16  }
0xb6: {  	[dreg:$0x4] =	wrdreg $0x9  }
0xb7: {  	_ =	task.clear_ibuf [dreg:s7], $0x5FFFF;
	_ =	strace $0x90000052  }
0xb8: {  	s29 =	simm.s32 $0x9;
	_ =	strace $0x80000054  }
0xb9: {  	_ =	swait.ge [sflag:s29], $0x1  }
0xba: {  	[sflag:s29] =	ssyncadd.s32 $0xFFFFFFFF  }
0xbb: {  	_ =	strace $0x90000054  }
0xbc: {  	_ =	sfence  }
0xbd: {  	s30 =	sld [smem:$0x0];
	_ =	sdelay $0x2  }
0xbe: {  	s31 =	sshll.u32 s1, $0xD;
	s1 =	sshrl.u32 s1, $0x2  }
0xbf: {  	s3 =	sand.u32 $0x4000, s31;
	s1 =	sadd.s32 s1, s30  }
0xc0: {  	s0 =	sor.u32 s3, s0;
	s1 =	sshll.u32 s1, $0x11  }
0xc1: {  	s0 =	sor.u32 s1, s0  }
0xc2: {  	s0 =	sadd.s32 $0x8F2B, s0  }
0xc3: {  	[sflag:s0] =	ssyncadd.remote.s32 $0x1  }
0xc4: {  	_ =	sfence.sel $0xFFFF  }
0xc5: {  	[dreg:$0x0] =	wrdreg $0xFFFFFFFF;
	(pc) =	sbr.abs _section_cstart, $3  }
0xc6: {  	[dreg:$0x1] =	wrdreg $0xFFFFFFFF  }
0xc7: {  	_ =	task.clear_ibuf [dreg:s7], $0x2FFFF;
	_ =	strace $0x9FFFFFFF  }
0xc8: {  	(tm) =	ssettm $0x7FFFFFFF  }
0xc9: {  	_ =	shalt  }
tec
execute0_lowered:
.L_overlay_start_1:
0x0: {  	(tag) =	ssettag $0x1  }
0x1: {  	s1 =	srdreg.scid  }
0x2: {  	s0 =	stileid.u32;
	s6 =	sand.u32 $0x1, s1  }
0x3: {  	s5 =	rddreg [dreg:$0x0];
	s30 =	sshll.u32 s0, $0x8;
	s2 =	sshll.u32 s6, $0x7  }
0x4: {  	s8 =	rddreg [dreg:$0x1];
	s9 =	sor.u32 s2, s30  }
0x5: {  	s1 =	rddreg [dreg:$0x2];
	s2 =	simm.s32 $0x0;
	s3 =	sshrl.u32 s9, $0x3  }
0x6: {  	s10 =	ssub.s32 $0x2, s6;
	[smem:$0x7FF] =	sst s2;
	s3 =	sadd.s32 s3, s5  }
0x7: {  	_ =	strace $0x80000053;
	s4 =	sadd.s32 $0x23000, s3;
	s3 =	simm.s32 $0x2  }
0x8: {  	[tilespmem:s2], [sflag:$0x2] =	stream.linear.gather [hbm4b:s4+s2], $0x80, $0x38;
	[tilespmem:$0x4080] =	vst v63  }
0x9: {  	s7 =	simm.s32 $0x1;
	s11 =	sshrl.u32 s10, $0x1;
	_ =	swait.ge [sflag:s3], $0x80  }
0xa: {  	s6 =	simm.s32 $0x80;
	s10 =	ssub.s32 s10, s11;
	[sflag:s3] =	ssyncset.done $0x0  }
0xb: {  	s5 =	sadd.s32 $0x2E00, s5;
	s31 =	smax.u32 s10, $0x1;
	[sflag:s3] =	ssyncadd.s32 $0xFFFFFF80  }
0xc: {  	[tilespmem:s6], [sflag:$0x1] =	stream.indirect.gather [hbm4b:s5+s6], $0x80, s2, s6, $0xb8;
	[tilespmem:$0x4080] =	vst v63  }
0xd: {  	p0 =	sne.s32 s31, $0x1;
	_ =	swait.ge [sflag:s7], $0x4000  }
.Ltmp0:
0xe: {  	s9 =	sshll.u32 s9, $0x4;
	[sflag:s7] =	ssyncset.done $0x0;
	(pc) =	sbr.rel @!p0 .LBB2_2-.Ltmp0, $4  }
0xf: {  	s8 =	sadd.s32 s8, s9;
	[sflag:s7] =	ssyncadd.s32 $0xFFFFC000  }
0x10: {  	[hbm4b:s8+s2] =	stream.linear.scatter [tilespmem:s6], [sflag:$0x2], $0x4000, $0x38;
	[tilespmem:$0x4080] =	vst v63  }
0x11: {  	_ =	swait.ge [sflag:s3], $0x4000  }
0x12: {  	s9 =	sadd.s32 $0xFFFFFFFF, s31;
	[sflag:s3] =	ssyncset.done $0x0  }
.LBB2_1:
0x13: {  	p0 =	sne.s32 s9, $0x1;
	s9 =	sadd.s32 $0xFFFFFFFF, s9;
	[sflag:s3] =	ssyncadd.s32 $0xFFFFC000  }
0x14: {  	[tilespmem:s2], [sflag:$0x2] =	stream.linear.gather [hbm4b:s4+s2], $0x80, $0x38;
	[tilespmem:$0x4080] =	vst v63  }
0x15: {  	_ =	swait.ge [sflag:s3], $0x80  }
0x16: {  	[sflag:s3] =	ssyncset.done $0x0  }
0x17: {  	[sflag:s3] =	ssyncadd.s32 $0xFFFFFF80  }
0x18: {  	[tilespmem:s6], [sflag:$0x1] =	stream.indirect.gather [hbm4b:s5+s6], $0x80, s2, s6, $0xb8;
	[tilespmem:$0x4080] =	vst v63  }
0x19: {  	_ =	swait.ge [sflag:s7], $0x4000  }
.Ltmp1:
0x1a: {  	[sflag:s7] =	ssyncset.done $0x0;
	(pc) =	sbr.rel @p0 .LBB2_1-.Ltmp1, $4  }
0x1b: {  	[sflag:s7] =	ssyncadd.s32 $0xFFFFC000  }
0x1c: {  	[hbm4b:s8+s2] =	stream.linear.scatter [tilespmem:s6], [sflag:$0x2], $0x4000, $0x38;
	[tilespmem:$0x4080] =	vst v63  }
0x1d: {  	_ =	swait.ge [sflag:s3], $0x4000  }
0x1e: {  	[sflag:s3] =	ssyncset.done $0x0  }
.LBB2_2:
0x1f: {  	[sflag:s3] =	ssyncadd.s32 $0xFFFFC000  }
0x20: {  	_ =	sfence.sel $0x180000  }
0x21: {  	[bflag:$0x0] =	sbarrier.arrive $0xFFFF  }
0x22: {  	p0 =	sne.s32 s0, $0x0;
	_ =	strace $0x90000053  }
0x23: {  	s0 =	sadd.s32 @!p0 $0x100000, s1;
	[bflag:$0x2] =	sbarrier.arrive $0xFFFF  }
0x24: {  	[sflag:s0] =	ssyncadd.tile.s32 @!p0 $0x1;
	_ =	shalt  }
.Lfunc_end2:
_tile_overlayer_lowered:
.L_overlay_start_2:
0x25: {  	(tag) =	ssettag $0x2  }
0x26: {  	s0 =	rddreg [dreg:$0x0];
	s2 =	stileid.u32  }
0x27: {  	s1 =	rddreg [dreg:$0x1];
	p0 =	sne.s32 s2, $0x0  }
0x28: {  	s3 =	rddreg [dreg:$0x2];
	[bflag:$0x3] =	sbarrier.arrive $0xFFFF;
	s2 =	simm.s32 @!p0 $0x1C02  }
0x29: {  	[timem:s3], [sflag:s2] =	dma.local @!p0 [hbm:s0], s1  }
0x2a: {  	s0 =	simm.s32 @!p0 $0x2  }
0x2b: {  	_ =	swait.ge @!p0 [sflag:s0], s1  }
0x2c: {  	s1 =	ssub.s32 @!p0 $0x0, s1;
	[sflag:s0] =	ssyncset.done @!p0 $0x0  }
0x2d: {  	[sflag:s0] =	ssyncadd.s32 @!p0 s1  }
0x2e: {  	[bflag:$0x3] =	sbarrier.arrive $0xFFFF  }
0x2f: {  	_ =	shalt  }

</sc_bundles>
